<compile_context>
chip_gen: v7x
topology: tpu7x:2x2x1
jax: 0.10.2.dev20260603
libtpu: 0.0.44.dev20260713+nightly
codegen_flags: <defaults>
</compile_context>

<pallas_src>
import jax
import jax.numpy as jnp
from jax import lax
from jax.experimental import pallas as pl
from jax.experimental.pallas import tpu as pltpu
from jax.experimental.pallas import tpu_sc as plsc

_NCORES = 2
_NSUB = 16
_NW = _NCORES * _NSUB
_B = 128
_LANES = 16
_DEGW = 16
_TSPREAD = 128
_RDEPTH = 3


def _mesh():
    return plsc.VectorSubcoreMesh(core_axis_name="core", subcore_axis_name="subcore",
                                  num_cores=_NCORES, num_subcores=_NSUB)


_SC_PARAMS = pltpu.CompilerParams(use_tc_tiling_on_sc=False,
                                 needs_layout_passes=False)


def _build_deg_call(N, D, NP, SHARE, NB):
    TRASH = N

    def body(ep_hbm, z_hbm, ones_hbm, degp_hbm, row_v, col_v, ridx, ones_v,
             deg_acc, sem, ssem):
        c = lax.axis_index("core")
        s = lax.axis_index("subcore")
        wid = c * _NSUB + s
        iota = lax.iota(jnp.int32, _LANES)
        pltpu.async_copy(z_hbm, deg_acc.at[pl.ds(s * SHARE, SHARE)], sem).wait()
        pltpu.async_copy(ep_hbm.at[0, wid], row_v, sem).wait()
        pltpu.async_copy(ep_hbm.at[1, wid], col_v, sem).wait()
        pltpu.async_copy(ones_hbm, ones_v, sem).wait()

        plsc.subcore_barrier()

        @pl.loop(0, NB)
        def _(j):
            @pl.loop(0, _B // _LANES)
            def _(k):
                trash_v = TRASH + ((k * _LANES + iota) & (_TSPREAD - 1))
                r = row_v[j, pl.ds(k * _LANES, _LANES)]
                cc = col_v[j, pl.ds(k * _LANES, _LANES)]
                ridx[j, pl.ds(k * _LANES, _LANES)] = jnp.where(r == cc, trash_v, r)

            pltpu.async_copy(ones_v, deg_acc.at[ridx.at[j]], ssem, add=True)

        @pl.loop(0, NB)
        def _(j):
            pltpu.make_async_copy(ones_hbm, ones_v, ssem).wait()

        plsc.subcore_barrier()
        pltpu.async_copy(deg_acc.at[pl.ds(s * SHARE, SHARE)],
                         degp_hbm.at[c, pl.ds(s * SHARE, SHARE)], sem).wait()

    return pl.kernel(
        body,
        out_type=jax.ShapeDtypeStruct((_NCORES, NP, _DEGW), jnp.float32),
        mesh=_mesh(),
        compiler_params=_SC_PARAMS,
        scratch_types=[
            pltpu.VMEM((NB, _B), jnp.int32),
            pltpu.VMEM((NB, _B), jnp.int32),
            pltpu.VMEM((NB, _B), jnp.int32),
            pltpu.VMEM((_B, _DEGW), jnp.float32),
            pltpu.VMEM_SHARED((NP, _DEGW), jnp.float32),
            pltpu.SemaphoreType.DMA,
            pltpu.SemaphoreType.DMA,
        ],
    )


def _build_agg_call(N, D, NP, SHARE, NB):
    TRASH = N
    DH = D // _NCORES
    NB2 = _NCORES * NB

    R = _RDEPTH

    LAST = N - (_NSUB - 1) * SHARE
    LFULL = (LAST // _B) * _B
    LREM = LAST - LFULL

    def _rsqrt16(v):
        i = plsc.bitcast(v, jnp.int32)
        i = jnp.full((_LANES,), 0x5F3759DF, jnp.int32) - (i >> 1)
        y = plsc.bitcast(i, jnp.float32)
        for _ in range(3):
            y = y * (1.5 - 0.5 * v * y * y)
        return y

    def body(x2_hbm, ep_hbm, z_hbm, degp_hbm, agg_hbm, xsp_hbm, row_v, col_v,
             bufs, dvv, dacc, out_acc, sem, *ring_sems):
        gsem = ring_sems[:R]
        ssem = ring_sems[R:]
        c = lax.axis_index("core")
        s = lax.axis_index("subcore")
        base = s * SHARE
        last = s == _NSUB - 1

        @pl.when(last)
        def _():
            pltpu.async_copy(z_hbm, out_acc.at[pl.ds(base, SHARE)], sem).wait()
            pltpu.async_copy(degp_hbm.at[0, pl.ds(base, LAST)],
                             dacc.at[pl.ds(0, LAST)], sem).wait()
            pltpu.async_copy(degp_hbm.at[1, pl.ds(base, LAST)],
                             dvv.at[pl.ds(0, LAST)], sem).wait()

        @pl.when(jnp.logical_not(last))
        def _():
            pltpu.async_copy(degp_hbm.at[0, pl.ds(base, SHARE)], dacc, sem).wait()
            pltpu.async_copy(degp_hbm.at[1, pl.ds(base, SHARE)], dvv, sem).wait()

        nrows = jnp.where(last, LAST, SHARE)

        @pl.loop(0, SHARE)
        def _(r):
            @pl.when(r < nrows)
            def _():
                dvv[r, :] = _rsqrt16(dacc[r, :] + dvv[r, :] + 1.0)

        def scale_chunk(r0, nr):
            pltpu.async_copy(x2_hbm.at[c, pl.ds(base + r0, nr)],
                             bufs.at[0].at[pl.ds(0, nr)], sem).wait()

            @pl.loop(0, nr)
            def _(rr):
                d = dvv[r0 + rr, :]
                for k in range(DH // _LANES):
                    sl = pl.ds(k * _LANES, _LANES)
                    bufs[0, rr, sl] = bufs[0, rr, sl] * d

            pltpu.async_copy(bufs.at[0].at[pl.ds(0, nr)],
                             xsp_hbm.at[c, pl.ds(base + r0, nr)], sem).wait()
            pltpu.async_copy(bufs.at[0].at[pl.ds(0, nr)],
                             out_acc.at[pl.ds(base + r0, nr)], sem).wait()

        @pl.when(last)
        def _():
            @pl.loop(0, LFULL, step=_B)
            def _(r0):
                scale_chunk(r0, _B)

            if LREM:
                scale_chunk(LFULL, LREM)

        @pl.when(jnp.logical_not(last))
        def _():
            @pl.loop(0, SHARE, step=_B)
            def _(r0):
                scale_chunk(r0, _B)
        pltpu.async_copy(ep_hbm.at[0, 2 * s], row_v.at[pl.ds(0, NB)], sem).wait()
        pltpu.async_copy(ep_hbm.at[0, 2 * s + 1], row_v.at[pl.ds(NB, NB)], sem).wait()
        pltpu.async_copy(ep_hbm.at[1, 2 * s], col_v.at[pl.ds(0, NB)], sem).wait()
        pltpu.async_copy(ep_hbm.at[1, 2 * s + 1], col_v.at[pl.ds(NB, NB)], sem).wait()

        iota = lax.iota(jnp.int32, _LANES)

        @pl.loop(0, NB2)
        def _(j):
            @pl.loop(0, _B // _LANES)
            def _(k):
                trash_v = TRASH + ((k * _LANES + iota) & (_TSPREAD - 1))
                r = row_v[j, pl.ds(k * _LANES, _LANES)]
                cc = col_v[j, pl.ds(k * _LANES, _LANES)]
                col_v[j, pl.ds(k * _LANES, _LANES)] = jnp.where(r == cc, trash_v, cc)

        plsc.subcore_barrier()

        xs_half = xsp_hbm.at[c]

        def issue_gather(j, b):
            pltpu.async_copy(xs_half.at[row_v.at[j]], bufs.at[b], gsem[b])

        def issue_scatter(j, b):
            pltpu.async_copy(bufs.at[b], out_acc.at[col_v.at[j]],
                             ssem[b], add=True)

        def wait_gather(b):
            pltpu.make_async_copy(xs_half.at[pl.ds(0, _B)], bufs.at[b],
                                  gsem[b]).wait()

        def wait_scatter(b):
            pltpu.make_async_copy(xs_half.at[pl.ds(0, _B)], bufs.at[b],
                                  ssem[b]).wait()

        for b in range(R):
            issue_gather(b, b)

        @pl.loop(0, NB2, step=R)
        def _(j):
            for b in range(R):
                jc = j + b
                wait_gather(b)
                issue_scatter(jc, b)

                @pl.when(jc + R < NB2)
                def _():
                    wait_scatter(b)
                    issue_gather(jc + R, b)

        for b in range(R):
            wait_scatter(b)
        plsc.subcore_barrier()
        @pl.loop(0, SHARE, step=_B)
        def _(r0):
            pltpu.async_copy(out_acc.at[pl.ds(base + r0, _B)], bufs.at[0],
                             sem).wait()

            @pl.loop(0, _B)
            def _(rr):
                d = dvv[r0 + rr, :]
                for k in range(DH // _LANES):
                    sl = pl.ds(k * _LANES, _LANES)
                    bufs[0, rr, sl] = bufs[0, rr, sl] * d

            pltpu.async_copy(bufs.at[0], agg_hbm.at[c, pl.ds(base + r0, _B)],
                             sem).wait()

    return pl.kernel(
        body,
        out_type=(jax.ShapeDtypeStruct((_NCORES, NP, DH), jnp.float32),
                  jax.ShapeDtypeStruct((_NCORES, N, DH), jnp.float32)),
        mesh=_mesh(),
        compiler_params=_SC_PARAMS,
        scratch_types=[
            pltpu.VMEM((NB2, _B), jnp.int32),
            pltpu.VMEM((NB2, _B), jnp.int32),
            pltpu.VMEM((R, _B, DH), jnp.float32),
            pltpu.VMEM((SHARE, _LANES), jnp.float32),
            pltpu.VMEM((SHARE, _LANES), jnp.float32),
            pltpu.VMEM_SHARED((NP, DH), jnp.float32),
            pltpu.SemaphoreType.DMA,
            *([pltpu.SemaphoreType.DMA] * (2 * R)),
        ],
    )


def _prep_call(N, D):
    DH = D // _NCORES

    def body(x_ref, degp_ref, xsp_ref, dinv_ref):
        deg = degp_ref[0, :N, 0:1] + degp_ref[1, :N, 0:1] + 1.0
        dinv = lax.rsqrt(deg)
        dinv_ref[...] = jnp.broadcast_to(dinv, (N, _LANES))
        xsp_ref[0] = x_ref[:, :DH] * dinv
        xsp_ref[1] = x_ref[:, DH:] * dinv

    return pl.pallas_call(
        body,
        out_shape=(
            jax.ShapeDtypeStruct((_NCORES, N, DH), jnp.float32),
            jax.ShapeDtypeStruct((N, _LANES), jnp.float32),
        ),
    )


def _final_call(N, D):
    DH = D // _NCORES

    def body(agg_ref, xsp_ref, dinv_ref, out_ref):
        a0 = agg_ref[0, :N, :] + xsp_ref[0]
        a1 = agg_ref[1, :N, :] + xsp_ref[1]
        dinv = dinv_ref[...]
        out_ref[...] = jnp.concatenate([dinv * a0, dinv * a1], axis=1)

    return pl.pallas_call(
        body,
        out_shape=jax.ShapeDtypeStruct((N, D), jnp.float32),
    )


def kernel(x, edge_index):
    N, D = x.shape
    E = edge_index.shape[1]
    EPT = pl.cdiv(E, _NW)
    NB = pl.cdiv(EPT, _B)
    while (_NCORES * NB) % _RDEPTH:
        NB += 1
    NP = N + max(_B, _TSPREAD)
    NP += (-NP) % (_NSUB * 8)
    SHARE = NP // _NSUB

    EPAD = _NW * NB * _B
    pad_vals = (jnp.arange(EPAD - E, dtype=jnp.int32) % N)[None, :]
    ep = jnp.concatenate(
        [edge_index, jnp.broadcast_to(pad_vals, (2, EPAD - E))], axis=1
    ).reshape(2, _NW, NB, _B)

    z16 = jnp.zeros((SHARE, _DEGW), jnp.float32)
    ones16 = jnp.ones((_B, _DEGW), jnp.float32)
    zh = jnp.zeros((SHARE, D // _NCORES), jnp.float32)

    x2 = jnp.stack([x[:, :D // 2], x[:, D // 2:]])
    degp = _build_deg_call(N, D, NP, SHARE, NB)(ep, z16, ones16)
    agg, _ = _build_agg_call(N, D, NP, SHARE, NB)(x2, ep, zh, degp)
    return jnp.concatenate([agg[0, :N], agg[1, :N]], axis=1)

# --- scband reference (transcript-rebuilt; emitter-appended) ---
"""Pipeline reference for scband-one-hop-gcnnorm-node-label-aggregator-8108898255209 (READ-ONLY COPY).

The authoritative reference and input builder live on the scoring server;
editing this copy changes nothing except your own understanding.
"""

import jax, jax.numpy as jnp
import numpy as np

N = 10000
E = 320000
D = 128


def setup_inputs(seed: int = 0) -> dict:
    key = jax.random.key(seed)
    k1, k2 = jax.random.split(key)
    x = jax.random.normal(k1, (N, D), dtype=jnp.float32)
    edge_index = jax.random.randint(k2, (2, E), 0, N, dtype=jnp.int32)
    return {"x": x, "edge_index": edge_index}


def reference(x, edge_index):
    # SparseTensor.from_edge_index: row = edge_index[0], col = edge_index[1], value = 1
    n = x.shape[0]
    row = edge_index[0]
    col = edge_index[1]
    val = jnp.ones(row.shape[0], dtype=x.dtype)
    # gcn_norm with add_self_loops=True: fill_diag(adj, 1.0)
    # -> drop existing diagonal entries, insert value-1 self loop for every node
    val = jnp.where(row == col, jnp.zeros_like(val), val)
    diag = jnp.arange(n, dtype=row.dtype)
    row_f = jnp.concatenate([row, diag])
    col_f = jnp.concatenate([col, diag])
    val_f = jnp.concatenate([val, jnp.ones(n, dtype=x.dtype)])
    # deg = sparsesum(adj_t, dim=1) -> sum of values per row index
    deg = jax.ops.segment_sum(val_f, row_f, num_segments=n)
    deg_inv_sqrt = jnp.where(deg > 0, 1.0 / jnp.sqrt(deg), jnp.zeros_like(deg))
    # adj_norm = D^{-1/2} (A + I) D^{-1/2}
    val_norm = deg_inv_sqrt[row_f] * val_f * deg_inv_sqrt[col_f]
    # x_neighbors = adj_norm.t() @ x : out[j] = sum_{(i,j) in edges} val_norm * x[i]
    x_neighbors = jax.ops.segment_sum(val_norm[:, None] * x[row_f], col_f, num_segments=n)
    return x_neighbors

if __name__ == "__main__":
    import jax
    _d = setup_inputs()
    print(jax.jit(kernel)(*tuple(_d.values())))

</pallas_src>

<mosaic_0001>
#map = affine_map<(d0, d1) -> (0, 0, 0, 0)>
#map1 = affine_map<(d0, d1) -> (0, 0)>
#map2 = affine_map<(d0, d1) -> (0, 0, 0)>
module attributes {stable_mosaic.version = 14 : i64} {
  func.func @body(%arg0: i32, %arg1: i32, %arg2: memref<2x32x81x128xi32, #tpu.memory_space<hbm>>, %arg3: memref<640x16xf32, #tpu.memory_space<hbm>>, %arg4: memref<128x16xf32, #tpu.memory_space<hbm>>, %arg5: memref<2x10240x16xf32, #tpu.memory_space<hbm>>, %arg6: memref<81x128xi32, #tpu.memory_space<vmem>>, %arg7: memref<81x128xi32, #tpu.memory_space<vmem>>, %arg8: memref<81x128xi32, #tpu.memory_space<vmem>>, %arg9: memref<128x16xf32, #tpu.memory_space<vmem>>, %arg10: memref<10240x16xf32, #tpu.memory_space<vmem_shared>>, %arg11: memref<!tpu.dma_semaphore, #tpu.memory_space<semaphore_mem>>, %arg12: memref<!tpu.dma_semaphore, #tpu.memory_space<semaphore_mem>>) attributes {dimension_semantics = [#tpu.dimension_semantics<core_parallel>, #tpu.dimension_semantics<subcore_parallel>], iteration_bounds = array<i64: 2, 16>, scalar_prefetch = 0 : i64, scratch_operands = 7 : i64, tpu.core_type = #tpu.core_type<sc_vector_subcore>, window_params = [{transform_indices = #map}, {transform_indices = #map1}, {transform_indices = #map1}, {transform_indices = #map2}]} {
    %mul3A = arith.constant 16 : i32
    %mul3A_0 = arith.muli %arg0, %mul3A : i32
    %add3A = arith.addi %mul3A_0, %arg1 : i32
    %iota3A = tpu.iota {dimensions = array<i32: 0>} : vector<16xi32>
    %mul3A_1 = arith.constant 640 : i32
    %mul3A_2 = arith.muli %arg1, %mul3A_1 : i32
    %dma_start3A = arith.constant 0 : i32
    %dma_start3A_3 = tpu.memref_slice %arg10[%mul3A_2, %dma_start3A] : memref<10240x16xf32, #tpu.memory_space<vmem_shared>> -> memref<640x16xf32, #tpu.memory_space<vmem_shared>>
    tpu.enqueue_dma source(%arg3 : memref<640x16xf32, #tpu.memory_space<hbm>>) target(%dma_start3A_3 : memref<640x16xf32, #tpu.memory_space<vmem_shared>>) target_semaphore(%arg11 : memref<!tpu.dma_semaphore, #tpu.memory_space<semaphore_mem>>)
    %dma_wait3A = arith.constant 0 : i32
    %dma_wait3A_4 = tpu.memref_slice %arg10[%mul3A_2, %dma_wait3A] : memref<10240x16xf32, #tpu.memory_space<vmem_shared>> -> memref<640x16xf32, #tpu.memory_space<vmem_shared>>
    tpu.wait_dma2 semaphore(%arg11 : memref<!tpu.dma_semaphore, #tpu.memory_space<semaphore_mem>>) src(%arg3 : memref<640x16xf32, #tpu.memory_space<hbm>>) dst(%dma_wait3A_4 : memref<640x16xf32, #tpu.memory_space<vmem_shared>>)
    %dma_start3A_5 = arith.constant 0 : i32
    %dma_start3A_6 = arith.constant 0 : i32
    %dma_start3A_7 = arith.constant 0 : i32
    %dma_start3A_8 = tpu.memref_slice %arg2[%dma_start3A_5, %add3A, %dma_start3A_6, %dma_start3A_7] : memref<2x32x81x128xi32, #tpu.memory_space<hbm>> -> memref<1x1x81x128xi32, #tpu.memory_space<hbm>>
    %dma_start3A_9 = tpu.memref_squeeze %dma_start3A_8 : memref<1x1x81x128xi32, #tpu.memory_space<hbm>> -> memref<81x128xi32, #tpu.memory_space<hbm>>
    %dma_start3A_10 = arith.constant 0 : i32
    %dma_start3A_11 = arith.constant 0 : i32
    %dma_start3A_12 = tpu.memref_slice %arg2[%dma_start3A_5, %add3A, %dma_start3A_10, %dma_start3A_11] : memref<2x32x81x128xi32, #tpu.memory_space<hbm>> -> memref<1x1x81x128xi32, #tpu.memory_space<hbm>>
    %dma_start3A_13 = tpu.memref_squeeze %dma_start3A_12 : memref<1x1x81x128xi32, #tpu.memory_space<hbm>> -> memref<81x128xi32, #tpu.memory_space<hbm>>
    tpu.enqueue_dma source(%dma_start3A_13 : memref<81x128xi32, #tpu.memory_space<hbm>>) target(%arg6 : memref<81x128xi32, #tpu.memory_space<vmem>>) target_semaphore(%arg11 : memref<!tpu.dma_semaphore, #tpu.memory_space<semaphore_mem>>)
    %dma_wait3A_14 = arith.constant 0 : i32
    %dma_wait3A_15 = arith.constant 0 : i32
    %dma_wait3A_16 = arith.constant 0 : i32
    %dma_wait3A_17 = tpu.memref_slice %arg2[%dma_wait3A_14, %add3A, %dma_wait3A_15, %dma_wait3A_16] : memref<2x32x81x128xi32, #tpu.memory_space<hbm>> -> memref<1x1x81x128xi32, #tpu.memory_space<hbm>>
    %dma_wait3A_18 = tpu.memref_squeeze %dma_wait3A_17 : memref<1x1x81x128xi32, #tpu.memory_space<hbm>> -> memref<81x128xi32, #tpu.memory_space<hbm>>
    %dma_wait3A_19 = arith.constant 0 : i32
    %dma_wait3A_20 = arith.constant 0 : i32
    %dma_wait3A_21 = tpu.memref_slice %arg2[%dma_wait3A_14, %add3A, %dma_wait3A_19, %dma_wait3A_20] : memref<2x32x81x128xi32, #tpu.memory_space<hbm>> -> memref<1x1x81x128xi32, #tpu.memory_space<hbm>>
    %dma_wait3A_22 = tpu.memref_squeeze %dma_wait3A_21 : memref<1x1x81x128xi32, #tpu.memory_space<hbm>> -> memref<81x128xi32, #tpu.memory_space<hbm>>
    tpu.wait_dma2 semaphore(%arg11 : memref<!tpu.dma_semaphore, #tpu.memory_space<semaphore_mem>>) src(%dma_wait3A_22 : memref<81x128xi32, #tpu.memory_space<hbm>>) dst(%arg6 : memref<81x128xi32, #tpu.memory_space<vmem>>)
    %dma_start3A_23 = arith.constant 1 : i32
    %dma_start3A_24 = arith.constant 0 : i32
    %dma_start3A_25 = arith.constant 0 : i32
    %dma_start3A_26 = tpu.memref_slice %arg2[%dma_start3A_23, %add3A, %dma_start3A_24, %dma_start3A_25] : memref<2x32x81x128xi32, #tpu.memory_space<hbm>> -> memref<1x1x81x128xi32, #tpu.memory_space<hbm>>
    %dma_start3A_27 = tpu.memref_squeeze %dma_start3A_26 : memref<1x1x81x128xi32, #tpu.memory_space<hbm>> -> memref<81x128xi32, #tpu.memory_space<hbm>>
    %dma_start3A_28 = arith.constant 0 : i32
    %dma_start3A_29 = arith.constant 0 : i32
    %dma_start3A_30 = tpu.memref_slice %arg2[%dma_start3A_23, %add3A, %dma_start3A_28, %dma_start3A_29] : memref<2x32x81x128xi32, #tpu.memory_space<hbm>> -> memref<1x1x81x128xi32, #tpu.memory_space<hbm>>
    %dma_start3A_31 = tpu.memref_squeeze %dma_start3A_30 : memref<1x1x81x128xi32, #tpu.memory_space<hbm>> -> memref<81x128xi32, #tpu.memory_space<hbm>>
    tpu.enqueue_dma source(%dma_start3A_31 : memref<81x128xi32, #tpu.memory_space<hbm>>) target(%arg7 : memref<81x128xi32, #tpu.memory_space<vmem>>) target_semaphore(%arg11 : memref<!tpu.dma_semaphore, #tpu.memory_space<semaphore_mem>>)
    %dma_wait3A_32 = arith.constant 1 : i32
    %dma_wait3A_33 = arith.constant 0 : i32
    %dma_wait3A_34 = arith.constant 0 : i32
    %dma_wait3A_35 = tpu.memref_slice %arg2[%dma_wait3A_32, %add3A, %dma_wait3A_33, %dma_wait3A_34] : memref<2x32x81x128xi32, #tpu.memory_space<hbm>> -> memref<1x1x81x128xi32, #tpu.memory_space<hbm>>
    %dma_wait3A_36 = tpu.memref_squeeze %dma_wait3A_35 : memref<1x1x81x128xi32, #tpu.memory_space<hbm>> -> memref<81x128xi32, #tpu.memory_space<hbm>>
    %dma_wait3A_37 = arith.constant 0 : i32
    %dma_wait3A_38 = arith.constant 0 : i32
    %dma_wait3A_39 = tpu.memref_slice %arg2[%dma_wait3A_32, %add3A, %dma_wait3A_37, %dma_wait3A_38] : memref<2x32x81x128xi32, #tpu.memory_space<hbm>> -> memref<1x1x81x128xi32, #tpu.memory_space<hbm>>
    %dma_wait3A_40 = tpu.memref_squeeze %dma_wait3A_39 : memref<1x1x81x128xi32, #tpu.memory_space<hbm>> -> memref<81x128xi32, #tpu.memory_space<hbm>>
    tpu.wait_dma2 semaphore(%arg11 : memref<!tpu.dma_semaphore, #tpu.memory_space<semaphore_mem>>) src(%dma_wait3A_40 : memref<81x128xi32, #tpu.memory_space<hbm>>) dst(%arg7 : memref<81x128xi32, #tpu.memory_space<vmem>>)
    tpu.enqueue_dma source(%arg4 : memref<128x16xf32, #tpu.memory_space<hbm>>) target(%arg9 : memref<128x16xf32, #tpu.memory_space<vmem>>) target_semaphore(%arg11 : memref<!tpu.dma_semaphore, #tpu.memory_space<semaphore_mem>>)
    tpu.wait_dma2 semaphore(%arg11 : memref<!tpu.dma_semaphore, #tpu.memory_space<semaphore_mem>>) src(%arg4 : memref<128x16xf32, #tpu.memory_space<hbm>>) dst(%arg9 : memref<128x16xf32, #tpu.memory_space<vmem>>)
    %barrier3A = arith.constant 0 : index
    tpu.barrier barrier_id(%barrier3A)
    %scan3A = arith.constant 0 : i32
    %scan3A_41 = arith.constant 81 : i32
    %scan3A_42 = arith.addi %scan3A, %scan3A_41 : i32
    %scan3A_43 = arith.constant 1 : i32
    scf.for %scan3A_65 = %scan3A to %scan3A_42 step %scan3A_43  : i32 {
      %mul3A_66 = arith.constant 1 : i32
      %mul3A_67 = arith.muli %scan3A_65, %mul3A_66 : i32
      %add3A_68 = arith.constant 0 : i32
      %add3A_69 = arith.addi %add3A_68, %mul3A_67 : i32
      %scan3A_70 = arith.constant 0 : i32
      %scan3A_71 = arith.constant 8 : i32
      %scan3A_72 = arith.addi %scan3A_70, %scan3A_71 : i32
      %scan3A_73 = arith.constant 1 : i32
      scf.for %scan3A_81 = %scan3A_70 to %scan3A_72 step %scan3A_73  : i32 {
        %mul3A_82 = arith.constant 1 : i32
        %mul3A_83 = arith.muli %scan3A_81, %mul3A_82 : i32
        %add3A_84 = arith.constant 0 : i32
        %add3A_85 = arith.addi %add3A_84, %mul3A_83 : i32
        %mul3A_86 = arith.constant 16 : i32
        %mul3A_87 = arith.muli %add3A_85, %mul3A_86 : i32
        %add3A_88 = vector.broadcast %mul3A_87 : i32 to vector<16xi32>
        %add3A_89 = arith.addi %add3A_88, %iota3A : vector<16xi32>
        %and3A = arith.constant 127 : i32
        %and3A_90 = vector.broadcast %and3A : i32 to vector<16xi32>
        %and3A_91 = arith.andi %add3A_89, %and3A_90 : vector<16xi32>
        %add3A_92 = arith.constant 10000 : i32
        %add3A_93 = vector.broadcast %add3A_92 : i32 to vector<16xi32>
        %add3A_94 = arith.addi %add3A_93, %and3A_91 : vector<16xi32>
        %mul3A_95 = arith.constant 16 : i32
        %mul3A_96 = arith.muli %add3A_85, %mul3A_95 : i32
        %get3A = arith.index_cast %add3A_69 : i32 to index
        %get3A_97 = arith.index_cast %mul3A_96 : i32 to index
        %get3A_98 = tpu.vector_load %arg6[%get3A, %get3A_97] {strides = array<i32>} : memref<81x128xi32, #tpu.memory_space<vmem>>, vector<16xi32>,
        %mul3A_99 = arith.constant 16 : i32
        %mul3A_100 = arith.muli %add3A_85, %mul3A_99 : i32
        %get3A_101 = arith.index_cast %add3A_69 : i32 to index
        %get3A_102 = arith.index_cast %mul3A_100 : i32 to index
        %get3A_103 = tpu.vector_load %arg7[%get3A_101, %get3A_102] {strides = array<i32>} : memref<81x128xi32, #tpu.memory_space<vmem>>, vector<16xi32>,
        %eq3A = arith.cmpi eq, %get3A_98, %get3A_103 : vector<16xi32>
        %select_n3A = arith.select %eq3A, %add3A_94, %get3A_98 : vector<16xi1>, vector<16xi32>
        %mul3A_104 = arith.constant 16 : i32
        %mul3A_105 = arith.muli %add3A_85, %mul3A_104 : i32
        %swap3A = arith.index_cast %add3A_69 : i32 to index
        %swap3A_106 = arith.index_cast %mul3A_105 : i32 to index
        %swap3A_107 = tpu.vector_load %arg8[%swap3A, %swap3A_106] {strides = array<i32>} : memref<81x128xi32, #tpu.memory_space<vmem>>, vector<16xi32>,
        tpu.vector_store %arg8[%swap3A, %swap3A_106], %select_n3A {strides = array<i32>} : memref<81x128xi32, #tpu.memory_space<vmem>>, vector<16xi32>,
      }
      %scan3A_74 = arith.constant 8 : i32
      %dma_start3A_75 = arith.constant 0 : i32
      %dma_start3A_76 = tpu.memref_slice %arg8[%add3A_69, %dma_start3A_75] : memref<81x128xi32, #tpu.memory_space<vmem>> -> memref<1x128xi32, #tpu.memory_space<vmem>>
      %dma_start3A_77 = tpu.memref_squeeze %dma_start3A_76 : memref<1x128xi32, #tpu.memory_space<vmem>> -> memref<128xi32, #tpu.memory_space<vmem>>
      %dma_start3A_78 = arith.constant 0 : i32
      %dma_start3A_79 = arith.constant 0 : i32
      %dma_start3A_80 = tpu.memref_slice %arg10[%dma_start3A_78, %dma_start3A_79] : memref<10240x16xf32, #tpu.memory_space<vmem_shared>> -> memref<10240x16xf32, #tpu.memory_space<vmem_shared>>
      tpu.enqueue_indirect_dma source(%arg9 : memref<128x16xf32, #tpu.memory_space<vmem>>) target(%dma_start3A_80 : memref<10240x16xf32, #tpu.memory_space<vmem_shared>>) offsets(%dma_start3A_77 : memref<128xi32, #tpu.memory_space<vmem>>) semaphore(%arg12 : memref<!tpu.dma_semaphore, #tpu.memory_space<semaphore_mem>>) {add = true}
    }
    %scan3A_44 = arith.constant 81 : i32
    %scan3A_45 = arith.constant 0 : i32
    %scan3A_46 = arith.constant 81 : i32
    %scan3A_47 = arith.addi %scan3A_45, %scan3A_46 : i32
    %scan3A_48 = arith.constant 1 : i32
    scf.for %scan3A_65 = %scan3A_45 to %scan3A_47 step %scan3A_48  : i32 {
      %mul3A_66 = arith.constant 1 : i32
      %mul3A_67 = arith.muli %scan3A_65, %mul3A_66 : i32
      %add3A_68 = arith.constant 0 : i32
      %add3A_69 = arith.addi %add3A_68, %mul3A_67 : i32
      tpu.wait_dma2 semaphore(%arg12 : memref<!tpu.dma_semaphore, #tpu.memory_space<semaphore_mem>>) src(%arg4 : memref<128x16xf32, #tpu.memory_space<hbm>>) dst(%arg9 : memref<128x16xf32, #tpu.memory_space<vmem>>)
    }
    %scan3A_49 = arith.constant 81 : i32
    %barrier3A_50 = arith.constant 0 : index
    tpu.barrier barrier_id(%barrier3A_50)
    %mul3A_51 = arith.constant 640 : i32
    %mul3A_52 = arith.muli %arg1, %mul3A_51 : i32
    %mul3A_53 = arith.constant 640 : i32
    %mul3A_54 = arith.muli %arg1, %mul3A_53 : i32
    %dma_start3A_55 = arith.constant 0 : i32
    %dma_start3A_56 = tpu.memref_slice %arg5[%arg0, %mul3A_54, %dma_start3A_55] : memref<2x10240x16xf32, #tpu.memory_space<hbm>> -> memref<1x640x16xf32, #tpu.memory_space<hbm>>
    %dma_start3A_57 = tpu.memref_squeeze %dma_start3A_56 : memref<1x640x16xf32, #tpu.memory_space<hbm>> -> memref<640x16xf32, #tpu.memory_space<hbm>>
    %dma_start3A_58 = arith.constant 0 : i32
    %dma_start3A_59 = tpu.memref_slice %arg10[%mul3A_52, %dma_start3A_58] : memref<10240x16xf32, #tpu.memory_space<vmem_shared>> -> memref<640x16xf32, #tpu.memory_space<vmem_shared>>
    tpu.enqueue_dma source(%dma_start3A_59 : memref<640x16xf32, #tpu.memory_space<vmem_shared>>) target(%dma_start3A_57 : memref<640x16xf32, #tpu.memory_space<hbm>>) target_semaphore(%arg11 : memref<!tpu.dma_semaphore, #tpu.memory_space<semaphore_mem>>)
    %dma_wait3A_60 = arith.constant 0 : i32
    %dma_wait3A_61 = tpu.memref_slice %arg5[%arg0, %mul3A_54, %dma_wait3A_60] : memref<2x10240x16xf32, #tpu.memory_space<hbm>> -> memref<1x640x16xf32, #tpu.memory_space<hbm>>
    %dma_wait3A_62 = tpu.memref_squeeze %dma_wait3A_61 : memref<1x640x16xf32, #tpu.memory_space<hbm>> -> memref<640x16xf32, #tpu.memory_space<hbm>>
    %dma_wait3A_63 = arith.constant 0 : i32
    %dma_wait3A_64 = tpu.memref_slice %arg10[%mul3A_52, %dma_wait3A_63] : memref<10240x16xf32, #tpu.memory_space<vmem_shared>> -> memref<640x16xf32, #tpu.memory_space<vmem_shared>>
    tpu.wait_dma2 semaphore(%arg11 : memref<!tpu.dma_semaphore, #tpu.memory_space<semaphore_mem>>) src(%dma_wait3A_64 : memref<640x16xf32, #tpu.memory_space<vmem_shared>>) dst(%dma_wait3A_62 : memref<640x16xf32, #tpu.memory_space<hbm>>)
    return
  }
}

#map = affine_map<(d0, d1) -> (0, 0, 0)>
#map1 = affine_map<(d0, d1) -> (0, 0, 0, 0)>
#map2 = affine_map<(d0, d1) -> (0, 0)>
module attributes {stable_mosaic.version = 14 : i64} {
  func.func @body(%arg0: i32, %arg1: i32, %arg2: memref<2x10000x64xf32, #tpu.memory_space<hbm>>, %arg3: memref<2x32x81x128xi32, #tpu.memory_space<hbm>>, %arg4: memref<640x64xf32, #tpu.memory_space<hbm>>, %arg5: memref<2x10240x16xf32, #tpu.memory_space<hbm>>, %arg6: memref<2x10240x64xf32, #tpu.memory_space<hbm>>, %arg7: memref<2x10000x64xf32, #tpu.memory_space<hbm>>, %arg8: memref<162x128xi32, #tpu.memory_space<vmem>>, %arg9: memref<162x128xi32, #tpu.memory_space<vmem>>, %arg10: memref<3x128x64xf32, #tpu.memory_space<vmem>>, %arg11: memref<640x16xf32, #tpu.memory_space<vmem>>, %arg12: memref<640x16xf32, #tpu.memory_space<vmem>>, %arg13: memref<10240x64xf32, #tpu.memory_space<vmem_shared>>, %arg14: memref<!tpu.dma_semaphore, #tpu.memory_space<semaphore_mem>>, %arg15: memref<!tpu.dma_semaphore, #tpu.memory_space<semaphore_mem>>, %arg16: memref<!tpu.dma_semaphore, #tpu.memory_space<semaphore_mem>>, %arg17: memref<!tpu.dma_semaphore, #tpu.memory_space<semaphore_mem>>, %arg18: memref<!tpu.dma_semaphore, #tpu.memory_space<semaphore_mem>>, %arg19: memref<!tpu.dma_semaphore, #tpu.memory_space<semaphore_mem>>, %arg20: memref<!tpu.dma_semaphore, #tpu.memory_space<semaphore_mem>>) attributes {dimension_semantics = [#tpu.dimension_semantics<core_parallel>, #tpu.dimension_semantics<subcore_parallel>], iteration_bounds = array<i64: 2, 16>, scalar_prefetch = 0 : i64, scratch_operands = 13 : i64, tpu.core_type = #tpu.core_type<sc_vector_subcore>, window_params = [{transform_indices = #map}, {transform_indices = #map1}, {transform_indices = #map2}, {transform_indices = #map}, {transform_indices = #map}, {transform_indices = #map}]} {
    %mul3A = arith.constant 640 : i32
    %mul3A_0 = arith.muli %arg1, %mul3A : i32
    %eq3A = arith.constant 15 : i32
    %eq3A_1 = arith.cmpi eq, %arg1, %eq3A : i32
    %convert_element_type3A = arith.extui %eq3A_1 : i1 to i32
    %cond3A = arith.constant 0 : i32
    %cond3A_2 = arith.cmpi ne, %convert_element_type3A, %cond3A : i32
    scf.if %cond3A_2 {
      %dma_start3A_282 = arith.constant 0 : i32
      %dma_start3A_283 = tpu.memref_slice %arg13[%mul3A_0, %dma_start3A_282] : memref<10240x64xf32, #tpu.memory_space<vmem_shared>> -> memref<640x64xf32, #tpu.memory_space<vmem_shared>>
      tpu.enqueue_dma source(%arg4 : memref<640x64xf32, #tpu.memory_space<hbm>>) target(%dma_start3A_283 : memref<640x64xf32, #tpu.memory_space<vmem_shared>>) target_semaphore(%arg14 : memref<!tpu.dma_semaphore, #tpu.memory_space<semaphore_mem>>)
      %dma_wait3A_284 = arith.constant 0 : i32
      %dma_wait3A_285 = tpu.memref_slice %arg13[%mul3A_0, %dma_wait3A_284] : memref<10240x64xf32, #tpu.memory_space<vmem_shared>> -> memref<640x64xf32, #tpu.memory_space<vmem_shared>>
      tpu.wait_dma2 semaphore(%arg14 : memref<!tpu.dma_semaphore, #tpu.memory_space<semaphore_mem>>) src(%arg4 : memref<640x64xf32, #tpu.memory_space<hbm>>) dst(%dma_wait3A_285 : memref<640x64xf32, #tpu.memory_space<vmem_shared>>)
      %dma_start3A_286 = arith.constant 0 : i32
      %dma_start3A_287 = arith.constant 0 : i32
      %dma_start3A_288 = arith.constant 0 : i32
      %dma_start3A_289 = tpu.memref_slice %arg12[%dma_start3A_287, %dma_start3A_288] : memref<640x16xf32, #tpu.memory_space<vmem>> -> memref<400x16xf32, #tpu.memory_space<vmem>>
      %dma_start3A_290 = arith.constant 0 : i32
      %dma_start3A_291 = tpu.memref_slice %arg5[%dma_start3A_286, %mul3A_0, %dma_start3A_290] : memref<2x10240x16xf32, #tpu.memory_space<hbm>> -> memref<1x400x16xf32, #tpu.memory_space<hbm>>
      %dma_start3A_292 = tpu.memref_squeeze %dma_start3A_291 : memref<1x400x16xf32, #tpu.memory_space<hbm>> -> memref<400x16xf32, #tpu.memory_space<hbm>>
      %dma_start3A_293 = arith.constant 0 : i32
      %dma_start3A_294 = arith.constant 0 : i32
      %dma_start3A_295 = tpu.memref_slice %arg12[%dma_start3A_293, %dma_start3A_294] : memref<640x16xf32, #tpu.memory_space<vmem>> -> memref<400x16xf32, #tpu.memory_space<vmem>>
      %dma_start3A_296 = arith.constant 0 : i32
      %dma_start3A_297 = tpu.memref_slice %arg5[%dma_start3A_286, %mul3A_0, %dma_start3A_296] : memref<2x10240x16xf32, #tpu.memory_space<hbm>> -> memref<1x400x16xf32, #tpu.memory_space<hbm>>
      %dma_start3A_298 = tpu.memref_squeeze %dma_start3A_297 : memref<1x400x16xf32, #tpu.memory_space<hbm>> -> memref<400x16xf32, #tpu.memory_space<hbm>>
      tpu.enqueue_dma source(%dma_start3A_298 : memref<400x16xf32, #tpu.memory_space<hbm>>) target(%dma_start3A_295 : memref<400x16xf32, #tpu.memory_space<vmem>>) target_semaphore(%arg14 : memref<!tpu.dma_semaphore, #tpu.memory_space<semaphore_mem>>)
      %dma_wait3A_299 = arith.constant 0 : i32
      %dma_wait3A_300 = arith.constant 0 : i32
      %dma_wait3A_301 = arith.constant 0 : i32
      %dma_wait3A_302 = tpu.memref_slice %arg12[%dma_wait3A_300, %dma_wait3A_301] : memref<640x16xf32, #tpu.memory_space<vmem>> -> memref<400x16xf32, #tpu.memory_space<vmem>>
      %dma_wait3A_303 = arith.constant 0 : i32
      %dma_wait3A_304 = tpu.memref_slice %arg5[%dma_wait3A_299, %mul3A_0, %dma_wait3A_303] : memref<2x10240x16xf32, #tpu.memory_space<hbm>> -> memref<1x400x16xf32, #tpu.memory_space<hbm>>
      %dma_wait3A_305 = tpu.memref_squeeze %dma_wait3A_304 : memref<1x400x16xf32, #tpu.memory_space<hbm>> -> memref<400x16xf32, #tpu.memory_space<hbm>>
      %dma_wait3A_306 = arith.constant 0 : i32
      %dma_wait3A_307 = arith.constant 0 : i32
      %dma_wait3A_308 = tpu.memref_slice %arg12[%dma_wait3A_306, %dma_wait3A_307] : memref<640x16xf32, #tpu.memory_space<vmem>> -> memref<400x16xf32, #tpu.memory_space<vmem>>
      %dma_wait3A_309 = arith.constant 0 : i32
      %dma_wait3A_310 = tpu.memref_slice %arg5[%dma_wait3A_299, %mul3A_0, %dma_wait3A_309] : memref<2x10240x16xf32, #tpu.memory_space<hbm>> -> memref<1x400x16xf32, #tpu.memory_space<hbm>>
      %dma_wait3A_311 = tpu.memref_squeeze %dma_wait3A_310 : memref<1x400x16xf32, #tpu.memory_space<hbm>> -> memref<400x16xf32, #tpu.memory_space<hbm>>
      tpu.wait_dma2 semaphore(%arg14 : memref<!tpu.dma_semaphore, #tpu.memory_space<semaphore_mem>>) src(%dma_wait3A_311 : memref<400x16xf32, #tpu.memory_space<hbm>>) dst(%dma_wait3A_308 : memref<400x16xf32, #tpu.memory_space<vmem>>)
      %dma_start3A_312 = arith.constant 1 : i32
      %dma_start3A_313 = arith.constant 0 : i32
      %dma_start3A_314 = arith.constant 0 : i32
      %dma_start3A_315 = tpu.memref_slice %arg11[%dma_start3A_313, %dma_start3A_314] : memref<640x16xf32, #tpu.memory_space<vmem>> -> memref<400x16xf32, #tpu.memory_space<vmem>>
      %dma_start3A_316 = arith.constant 0 : i32
      %dma_start3A_317 = tpu.memref_slice %arg5[%dma_start3A_312, %mul3A_0, %dma_start3A_316] : memref<2x10240x16xf32, #tpu.memory_space<hbm>> -> memref<1x400x16xf32, #tpu.memory_space<hbm>>
      %dma_start3A_318 = tpu.memref_squeeze %dma_start3A_317 : memref<1x400x16xf32, #tpu.memory_space<hbm>> -> memref<400x16xf32, #tpu.memory_space<hbm>>
      %dma_start3A_319 = arith.constant 0 : i32
      %dma_start3A_320 = arith.constant 0 : i32
      %dma_start3A_321 = tpu.memref_slice %arg11[%dma_start3A_319, %dma_start3A_320] : memref<640x16xf32, #tpu.memory_space<vmem>> -> memref<400x16xf32, #tpu.memory_space<vmem>>
      %dma_start3A_322 = arith.constant 0 : i32
      %dma_start3A_323 = tpu.memref_slice %arg5[%dma_start3A_312, %mul3A_0, %dma_start3A_322] : memref<2x10240x16xf32, #tpu.memory_space<hbm>> -> memref<1x400x16xf32, #tpu.memory_space<hbm>>
      %dma_start3A_324 = tpu.memref_squeeze %dma_start3A_323 : memref<1x400x16xf32, #tpu.memory_space<hbm>> -> memref<400x16xf32, #tpu.memory_space<hbm>>
      tpu.enqueue_dma source(%dma_start3A_324 : memref<400x16xf32, #tpu.memory_space<hbm>>) target(%dma_start3A_321 : memref<400x16xf32, #tpu.memory_space<vmem>>) target_semaphore(%arg14 : memref<!tpu.dma_semaphore, #tpu.memory_space<semaphore_mem>>)
      %dma_wait3A_325 = arith.constant 1 : i32
      %dma_wait3A_326 = arith.constant 0 : i32
      %dma_wait3A_327 = arith.constant 0 : i32
      %dma_wait3A_328 = tpu.memref_slice %arg11[%dma_wait3A_326, %dma_wait3A_327] : memref<640x16xf32, #tpu.memory_space<vmem>> -> memref<400x16xf32, #tpu.memory_space<vmem>>
      %dma_wait3A_329 = arith.constant 0 : i32
      %dma_wait3A_330 = tpu.memref_slice %arg5[%dma_wait3A_325, %mul3A_0, %dma_wait3A_329] : memref<2x10240x16xf32, #tpu.memory_space<hbm>> -> memref<1x400x16xf32, #tpu.memory_space<hbm>>
      %dma_wait3A_331 = tpu.memref_squeeze %dma_wait3A_330 : memref<1x400x16xf32, #tpu.memory_space<hbm>> -> memref<400x16xf32, #tpu.memory_space<hbm>>
      %dma_wait3A_332 = arith.constant 0 : i32
      %dma_wait3A_333 = arith.constant 0 : i32
      %dma_wait3A_334 = tpu.memref_slice %arg11[%dma_wait3A_332, %dma_wait3A_333] : memref<640x16xf32, #tpu.memory_space<vmem>> -> memref<400x16xf32, #tpu.memory_space<vmem>>
      %dma_wait3A_335 = arith.constant 0 : i32
      %dma_wait3A_336 = tpu.memref_slice %arg5[%dma_wait3A_325, %mul3A_0, %dma_wait3A_335] : memref<2x10240x16xf32, #tpu.memory_space<hbm>> -> memref<1x400x16xf32, #tpu.memory_space<hbm>>
      %dma_wait3A_337 = tpu.memref_squeeze %dma_wait3A_336 : memref<1x400x16xf32, #tpu.memory_space<hbm>> -> memref<400x16xf32, #tpu.memory_space<hbm>>
      tpu.wait_dma2 semaphore(%arg14 : memref<!tpu.dma_semaphore, #tpu.memory_space<semaphore_mem>>) src(%dma_wait3A_337 : memref<400x16xf32, #tpu.memory_space<hbm>>) dst(%dma_wait3A_334 : memref<400x16xf32, #tpu.memory_space<vmem>>)
    } else {
    }
    %not3A = arith.constant true
    %not3A_3 = arith.xori %eq3A_1, %not3A : i1
    %convert_element_type3A_4 = arith.extui %not3A_3 : i1 to i32
    %cond3A_5 = arith.constant 0 : i32
    %cond3A_6 = arith.cmpi ne, %convert_element_type3A_4, %cond3A_5 : i32
    scf.if %cond3A_6 {
      %dma_start3A_282 = arith.constant 0 : i32
      %dma_start3A_283 = arith.constant 0 : i32
      %dma_start3A_284 = tpu.memref_slice %arg5[%dma_start3A_282, %mul3A_0, %dma_start3A_283] : memref<2x10240x16xf32, #tpu.memory_space<hbm>> -> memref<1x640x16xf32, #tpu.memory_space<hbm>>
      %dma_start3A_285 = tpu.memref_squeeze %dma_start3A_284 : memref<1x640x16xf32, #tpu.memory_space<hbm>> -> memref<640x16xf32, #tpu.memory_space<hbm>>
      %dma_start3A_286 = arith.constant 0 : i32
      %dma_start3A_287 = tpu.memref_slice %arg5[%dma_start3A_282, %mul3A_0, %dma_start3A_286] : memref<2x10240x16xf32, #tpu.memory_space<hbm>> -> memref<1x640x16xf32, #tpu.memory_space<hbm>>
      %dma_start3A_288 = tpu.memref_squeeze %dma_start3A_287 : memref<1x640x16xf32, #tpu.memory_space<hbm>> -> memref<640x16xf32, #tpu.memory_space<hbm>>
      tpu.enqueue_dma source(%dma_start3A_288 : memref<640x16xf32, #tpu.memory_space<hbm>>) target(%arg12 : memref<640x16xf32, #tpu.memory_space<vmem>>) target_semaphore(%arg14 : memref<!tpu.dma_semaphore, #tpu.memory_space<semaphore_mem>>)
      %dma_wait3A_289 = arith.constant 0 : i32
      %dma_wait3A_290 = arith.constant 0 : i32
      %dma_wait3A_291 = tpu.memref_slice %arg5[%dma_wait3A_289, %mul3A_0, %dma_wait3A_290] : memref<2x10240x16xf32, #tpu.memory_space<hbm>> -> memref<1x640x16xf32, #tpu.memory_space<hbm>>
      %dma_wait3A_292 = tpu.memref_squeeze %dma_wait3A_291 : memref<1x640x16xf32, #tpu.memory_space<hbm>> -> memref<640x16xf32, #tpu.memory_space<hbm>>
      %dma_wait3A_293 = arith.constant 0 : i32
      %dma_wait3A_294 = tpu.memref_slice %arg5[%dma_wait3A_289, %mul3A_0, %dma_wait3A_293] : memref<2x10240x16xf32, #tpu.memory_space<hbm>> -> memref<1x640x16xf32, #tpu.memory_space<hbm>>
      %dma_wait3A_295 = tpu.memref_squeeze %dma_wait3A_294 : memref<1x640x16xf32, #tpu.memory_space<hbm>> -> memref<640x16xf32, #tpu.memory_space<hbm>>
      tpu.wait_dma2 semaphore(%arg14 : memref<!tpu.dma_semaphore, #tpu.memory_space<semaphore_mem>>) src(%dma_wait3A_295 : memref<640x16xf32, #tpu.memory_space<hbm>>) dst(%arg12 : memref<640x16xf32, #tpu.memory_space<vmem>>)
      %dma_start3A_296 = arith.constant 1 : i32
      %dma_start3A_297 = arith.constant 0 : i32
      %dma_start3A_298 = tpu.memref_slice %arg5[%dma_start3A_296, %mul3A_0, %dma_start3A_297] : memref<2x10240x16xf32, #tpu.memory_space<hbm>> -> memref<1x640x16xf32, #tpu.memory_space<hbm>>
      %dma_start3A_299 = tpu.memref_squeeze %dma_start3A_298 : memref<1x640x16xf32, #tpu.memory_space<hbm>> -> memref<640x16xf32, #tpu.memory_space<hbm>>
      %dma_start3A_300 = arith.constant 0 : i32
      %dma_start3A_301 = tpu.memref_slice %arg5[%dma_start3A_296, %mul3A_0, %dma_start3A_300] : memref<2x10240x16xf32, #tpu.memory_space<hbm>> -> memref<1x640x16xf32, #tpu.memory_space<hbm>>
      %dma_start3A_302 = tpu.memref_squeeze %dma_start3A_301 : memref<1x640x16xf32, #tpu.memory_space<hbm>> -> memref<640x16xf32, #tpu.memory_space<hbm>>
      tpu.enqueue_dma source(%dma_start3A_302 : memref<640x16xf32, #tpu.memory_space<hbm>>) target(%arg11 : memref<640x16xf32, #tpu.memory_space<vmem>>) target_semaphore(%arg14 : memref<!tpu.dma_semaphore, #tpu.memory_space<semaphore_mem>>)
      %dma_wait3A_303 = arith.constant 1 : i32
      %dma_wait3A_304 = arith.constant 0 : i32
      %dma_wait3A_305 = tpu.memref_slice %arg5[%dma_wait3A_303, %mul3A_0, %dma_wait3A_304] : memref<2x10240x16xf32, #tpu.memory_space<hbm>> -> memref<1x640x16xf32, #tpu.memory_space<hbm>>
      %dma_wait3A_306 = tpu.memref_squeeze %dma_wait3A_305 : memref<1x640x16xf32, #tpu.memory_space<hbm>> -> memref<640x16xf32, #tpu.memory_space<hbm>>
      %dma_wait3A_307 = arith.constant 0 : i32
      %dma_wait3A_308 = tpu.memref_slice %arg5[%dma_wait3A_303, %mul3A_0, %dma_wait3A_307] : memref<2x10240x16xf32, #tpu.memory_space<hbm>> -> memref<1x640x16xf32, #tpu.memory_space<hbm>>
      %dma_wait3A_309 = tpu.memref_squeeze %dma_wait3A_308 : memref<1x640x16xf32, #tpu.memory_space<hbm>> -> memref<640x16xf32, #tpu.memory_space<hbm>>
      tpu.wait_dma2 semaphore(%arg14 : memref<!tpu.dma_semaphore, #tpu.memory_space<semaphore_mem>>) src(%dma_wait3A_309 : memref<640x16xf32, #tpu.memory_space<hbm>>) dst(%arg11 : memref<640x16xf32, #tpu.memory_space<vmem>>)
    } else {
    }
    %jit3A = arith.constant 400 : i32
    %jit3A_7 = arith.constant 640 : i32
    %select_n3A = arith.select %eq3A_1, %jit3A, %jit3A_7 : i32
    %scan3A = arith.constant 0 : i32
    %scan3A_8 = arith.constant 640 : i32
    %scan3A_9 = arith.addi %scan3A, %scan3A_8 : i32
    %scan3A_10 = arith.constant 1 : i32
    scf.for %scan3A_282 = %scan3A to %scan3A_9 step %scan3A_10  : i32 {
      %mul3A_283 = arith.constant 1 : i32
      %mul3A_284 = arith.muli %scan3A_282, %mul3A_283 : i32
      %add3A_285 = arith.constant 0 : i32
      %add3A_286 = arith.addi %add3A_285, %mul3A_284 : i32
      %lt3A = arith.cmpi slt, %add3A_286, %select_n3A : i32
      %convert_element_type3A_287 = arith.extui %lt3A : i1 to i32
      %cond3A_288 = arith.constant 0 : i32
      %cond3A_289 = arith.cmpi ne, %convert_element_type3A_287, %cond3A_288 : i32
      scf.if %cond3A_289 {
        %get3A = arith.index_cast %add3A_286 : i32 to index
        %get3A_290 = arith.constant 0 : index
        %get3A_291 = tpu.vector_load %arg12[%get3A, %get3A_290] {strides = array<i32>} : memref<640x16xf32, #tpu.memory_space<vmem>>, vector<16xf32>,
        %get3A_292 = arith.index_cast %add3A_286 : i32 to index
        %get3A_293 = arith.constant 0 : index
        %get3A_294 = tpu.vector_load %arg11[%get3A_292, %get3A_293] {strides = array<i32>} : memref<640x16xf32, #tpu.memory_space<vmem>>, vector<16xf32>,
        %add3A_295 = arith.addf %get3A_291, %get3A_294 : vector<16xf32>
        %add3A_296 = arith.constant 1.000000e+00 : f32
        %add3A_297 = vector.broadcast %add3A_296 : f32 to vector<16xf32>
        %add3A_298 = arith.addf %add3A_295, %add3A_297 : vector<16xf32>
        %bitcast3A = vector.bitcast %add3A_298 : vector<16xf32> to vector<16xi32>
        %broadcast_in_dim3A = arith.constant 1597463007 : i32
        %broadcast_in_dim3A_299 = vector.broadcast %broadcast_in_dim3A : i32 to vector<16xi32>
        %shift_right_arithmetic3A = arith.constant 1 : i32
        %shift_right_arithmetic3A_300 = vector.broadcast %shift_right_arithmetic3A : i32 to vector<16xi32>
        %shift_right_arithmetic3A_301 = arith.shrsi %bitcast3A, %shift_right_arithmetic3A_300 : vector<16xi32>
        %sub3A = arith.subi %broadcast_in_dim3A_299, %shift_right_arithmetic3A_301 : vector<16xi32>
        %bitcast3A_302 = vector.bitcast %sub3A : vector<16xi32> to vector<16xf32>
        %mul3A_303 = arith.constant 5.000000e-01 : f32
        %mul3A_304 = vector.broadcast %mul3A_303 : f32 to vector<16xf32>
        %mul3A_305 = arith.mulf %mul3A_304, %add3A_298 : vector<16xf32>
        %mul3A_306 = arith.mulf %mul3A_305, %bitcast3A_302 : vector<16xf32>
        %mul3A_307 = arith.mulf %mul3A_306, %bitcast3A_302 : vector<16xf32>
        %sub3A_308 = arith.constant 1.500000e+00 : f32
        %sub3A_309 = vector.broadcast %sub3A_308 : f32 to vector<16xf32>
        %sub3A_310 = arith.subf %sub3A_309, %mul3A_307 : vector<16xf32>
        %mul3A_311 = arith.mulf %bitcast3A_302, %sub3A_310 : vector<16xf32>
        %mul3A_312 = arith.constant 5.000000e-01 : f32
        %mul3A_313 = vector.broadcast %mul3A_312 : f32 to vector<16xf32>
        %mul3A_314 = arith.mulf %mul3A_313, %add3A_298 : vector<16xf32>
        %mul3A_315 = arith.mulf %mul3A_314, %mul3A_311 : vector<16xf32>
        %mul3A_316 = arith.mulf %mul3A_315, %mul3A_311 : vector<16xf32>
        %sub3A_317 = arith.constant 1.500000e+00 : f32
        %sub3A_318 = vector.broadcast %sub3A_317 : f32 to vector<16xf32>
        %sub3A_319 = arith.subf %sub3A_318, %mul3A_316 : vector<16xf32>
        %mul3A_320 = arith.mulf %mul3A_311, %sub3A_319 : vector<16xf32>
        %mul3A_321 = arith.constant 5.000000e-01 : f32
        %mul3A_322 = vector.broadcast %mul3A_321 : f32 to vector<16xf32>
        %mul3A_323 = arith.mulf %mul3A_322, %add3A_298 : vector<16xf32>
        %mul3A_324 = arith.mulf %mul3A_323, %mul3A_320 : vector<16xf32>
        %mul3A_325 = arith.mulf %mul3A_324, %mul3A_320 : vector<16xf32>
        %sub3A_326 = arith.constant 1.500000e+00 : f32
        %sub3A_327 = vector.broadcast %sub3A_326 : f32 to vector<16xf32>
        %sub3A_328 = arith.subf %sub3A_327, %mul3A_325 : vector<16xf32>
        %mul3A_329 = arith.mulf %mul3A_320, %sub3A_328 : vector<16xf32>
        %swap3A = arith.index_cast %add3A_286 : i32 to index
        %swap3A_330 = arith.constant 0 : index
        %swap3A_331 = tpu.vector_load %arg11[%swap3A, %swap3A_330] {strides = array<i32>} : memref<640x16xf32, #tpu.memory_space<vmem>>, vector<16xf32>,
        tpu.vector_store %arg11[%swap3A, %swap3A_330], %mul3A_329 {strides = array<i32>} : memref<640x16xf32, #tpu.memory_space<vmem>>, vector<16xf32>,
      } else {
      }
    }
    %scan3A_11 = arith.constant 640 : i32
    %convert_element_type3A_12 = arith.extui %eq3A_1 : i1 to i32
    %cond3A_13 = arith.constant 0 : i32
    %cond3A_14 = arith.cmpi ne, %convert_element_type3A_12, %cond3A_13 : i32
    scf.if %cond3A_14 {
      %scan3A_282 = arith.constant 0 : i32
      %scan3A_283 = arith.constant 3 : i32
      %scan3A_284 = arith.addi %scan3A_282, %scan3A_283 : i32
      %scan3A_285 = arith.constant 1 : i32
      scf.for %scan3A_420 = %scan3A_282 to %scan3A_284 step %scan3A_285  : i32 {
        %mul3A_421 = arith.constant 128 : i32
        %mul3A_422 = arith.muli %scan3A_420, %mul3A_421 : i32
        %add3A_423 = arith.constant 0 : i32
        %add3A_424 = arith.addi %add3A_423, %mul3A_422 : i32
        %add3A_425 = arith.addi %mul3A_0, %add3A_424 : i32
        %dma_start3A_426 = arith.constant 0 : i32
        %dma_start3A_427 = arith.constant 0 : i32
        %dma_start3A_428 = arith.constant 0 : i32
        %dma_start3A_429 = tpu.memref_slice %arg10[%dma_start3A_426, %dma_start3A_427, %dma_start3A_428] : memref<3x128x64xf32, #tpu.memory_space<vmem>> -> memref<1x128x64xf32, #tpu.memory_space<vmem>>
        %dma_start3A_430 = tpu.memref_squeeze %dma_start3A_429 : memref<1x128x64xf32, #tpu.memory_space<vmem>> -> memref<128x64xf32, #tpu.memory_space<vmem>>
        %dma_start3A_431 = arith.constant 0 : i32
        %dma_start3A_432 = arith.constant 0 : i32
        %dma_start3A_433 = tpu.memref_slice %dma_start3A_430[%dma_start3A_431, %dma_start3A_432] : memref<128x64xf32, #tpu.memory_space<vmem>> -> memref<128x64xf32, #tpu.memory_space<vmem>>
        %dma_start3A_434 = arith.constant 0 : i32
        %dma_start3A_435 = tpu.memref_slice %arg2[%arg0, %add3A_425, %dma_start3A_434] : memref<2x10000x64xf32, #tpu.memory_space<hbm>> -> memref<1x128x64xf32, #tpu.memory_space<hbm>>
        %dma_start3A_436 = tpu.memref_squeeze %dma_start3A_435 : memref<1x128x64xf32, #tpu.memory_space<hbm>> -> memref<128x64xf32, #tpu.memory_space<hbm>>
        %dma_start3A_437 = arith.constant 0 : i32
        %dma_start3A_438 = arith.constant 0 : i32
        %dma_start3A_439 = tpu.memref_slice %arg10[%dma_start3A_426, %dma_start3A_437, %dma_start3A_438] : memref<3x128x64xf32, #tpu.memory_space<vmem>> -> memref<1x128x64xf32, #tpu.memory_space<vmem>>
        %dma_start3A_440 = tpu.memref_squeeze %dma_start3A_439 : memref<1x128x64xf32, #tpu.memory_space<vmem>> -> memref<128x64xf32, #tpu.memory_space<vmem>>
        %dma_start3A_441 = arith.constant 0 : i32
        %dma_start3A_442 = arith.constant 0 : i32
        %dma_start3A_443 = tpu.memref_slice %dma_start3A_440[%dma_start3A_441, %dma_start3A_442] : memref<128x64xf32, #tpu.memory_space<vmem>> -> memref<128x64xf32, #tpu.memory_space<vmem>>
        %dma_start3A_444 = arith.constant 0 : i32
        %dma_start3A_445 = tpu.memref_slice %arg2[%arg0, %add3A_425, %dma_start3A_444] : memref<2x10000x64xf32, #tpu.memory_space<hbm>> -> memref<1x128x64xf32, #tpu.memory_space<hbm>>
        %dma_start3A_446 = tpu.memref_squeeze %dma_start3A_445 : memref<1x128x64xf32, #tpu.memory_space<hbm>> -> memref<128x64xf32, #tpu.memory_space<hbm>>
        tpu.enqueue_dma source(%dma_start3A_446 : memref<128x64xf32, #tpu.memory_space<hbm>>) target(%dma_start3A_443 : memref<128x64xf32, #tpu.memory_space<vmem>>) target_semaphore(%arg14 : memref<!tpu.dma_semaphore, #tpu.memory_space<semaphore_mem>>)
        %dma_wait3A_447 = arith.constant 0 : i32
        %dma_wait3A_448 = arith.constant 0 : i32
        %dma_wait3A_449 = arith.constant 0 : i32
        %dma_wait3A_450 = tpu.memref_slice %arg10[%dma_wait3A_447, %dma_wait3A_448, %dma_wait3A_449] : memref<3x128x64xf32, #tpu.memory_space<vmem>> -> memref<1x128x64xf32, #tpu.memory_space<vmem>>
        %dma_wait3A_451 = tpu.memref_squeeze %dma_wait3A_450 : memref<1x128x64xf32, #tpu.memory_space<vmem>> -> memref<128x64xf32, #tpu.memory_space<vmem>>
        %dma_wait3A_452 = arith.constant 0 : i32
        %dma_wait3A_453 = arith.constant 0 : i32
        %dma_wait3A_454 = tpu.memref_slice %dma_wait3A_451[%dma_wait3A_452, %dma_wait3A_453] : memref<128x64xf32, #tpu.memory_space<vmem>> -> memref<128x64xf32, #tpu.memory_space<vmem>>
        %dma_wait3A_455 = arith.constant 0 : i32
        %dma_wait3A_456 = tpu.memref_slice %arg2[%arg0, %add3A_425, %dma_wait3A_455] : memref<2x10000x64xf32, #tpu.memory_space<hbm>> -> memref<1x128x64xf32, #tpu.memory_space<hbm>>
        %dma_wait3A_457 = tpu.memref_squeeze %dma_wait3A_456 : memref<1x128x64xf32, #tpu.memory_space<hbm>> -> memref<128x64xf32, #tpu.memory_space<hbm>>
        %dma_wait3A_458 = arith.constant 0 : i32
        %dma_wait3A_459 = arith.constant 0 : i32
        %dma_wait3A_460 = tpu.memref_slice %arg10[%dma_wait3A_447, %dma_wait3A_458, %dma_wait3A_459] : memref<3x128x64xf32, #tpu.memory_space<vmem>> -> memref<1x128x64xf32, #tpu.memory_space<vmem>>
        %dma_wait3A_461 = tpu.memref_squeeze %dma_wait3A_460 : memref<1x128x64xf32, #tpu.memory_space<vmem>> -> memref<128x64xf32, #tpu.memory_space<vmem>>
        %dma_wait3A_462 = arith.constant 0 : i32
        %dma_wait3A_463 = arith.constant 0 : i32
        %dma_wait3A_464 = tpu.memref_slice %dma_wait3A_461[%dma_wait3A_462, %dma_wait3A_463] : memref<128x64xf32, #tpu.memory_space<vmem>> -> memref<128x64xf32, #tpu.memory_space<vmem>>
        %dma_wait3A_465 = arith.constant 0 : i32
        %dma_wait3A_466 = tpu.memref_slice %arg2[%arg0, %add3A_425, %dma_wait3A_465] : memref<2x10000x64xf32, #tpu.memory_space<hbm>> -> memref<1x128x64xf32, #tpu.memory_space<hbm>>
        %dma_wait3A_467 = tpu.memref_squeeze %dma_wait3A_466 : memref<1x128x64xf32, #tpu.memory_space<hbm>> -> memref<128x64xf32, #tpu.memory_space<hbm>>
        tpu.wait_dma2 semaphore(%arg14 : memref<!tpu.dma_semaphore, #tpu.memory_space<semaphore_mem>>) src(%dma_wait3A_467 : memref<128x64xf32, #tpu.memory_space<hbm>>) dst(%dma_wait3A_464 : memref<128x64xf32, #tpu.memory_space<vmem>>)
        %scan3A_468 = arith.constant 0 : i32
        %scan3A_469 = arith.constant 128 : i32
        %scan3A_470 = arith.addi %scan3A_468, %scan3A_469 : i32
        %scan3A_471 = arith.constant 1 : i32
        scf.for %scan3A_555 = %scan3A_468 to %scan3A_470 step %scan3A_471  : i32 {
          %mul3A_556 = arith.constant 1 : i32
          %mul3A_557 = arith.muli %scan3A_555, %mul3A_556 : i32
          %add3A_558 = arith.constant 0 : i32
          %add3A_559 = arith.addi %add3A_558, %mul3A_557 : i32
          %add3A_560 = arith.addi %add3A_424, %add3A_559 : i32
          %get3A = arith.index_cast %add3A_560 : i32 to index
          %get3A_561 = arith.constant 0 : index
          %get3A_562 = tpu.vector_load %arg11[%get3A, %get3A_561] {strides = array<i32>} : memref<640x16xf32, #tpu.memory_space<vmem>>, vector<16xf32>,
          %get3A_563 = arith.constant 0 : i32
          %get3A_564 = arith.index_cast %get3A_563 : i32 to index
          %get3A_565 = arith.index_cast %add3A_559 : i32 to index
          %get3A_566 = arith.constant 0 : index
          %get3A_567 = tpu.vector_load %arg10[%get3A_564, %get3A_565, %get3A_566] {strides = array<i32>} : memref<3x128x64xf32, #tpu.memory_space<vmem>>, vector<16xf32>,
          %mul3A_568 = arith.mulf %get3A_567, %get3A_562 : vector<16xf32>
          %swap3A = arith.constant 0 : i32
          %swap3A_569 = arith.index_cast %swap3A : i32 to index
          %swap3A_570 = arith.index_cast %add3A_559 : i32 to index
          %swap3A_571 = arith.constant 0 : index
          %swap3A_572 = tpu.vector_load %arg10[%swap3A_569, %swap3A_570, %swap3A_571] {strides = array<i32>} : memref<3x128x64xf32, #tpu.memory_space<vmem>>, vector<16xf32>,
          tpu.vector_store %arg10[%swap3A_569, %swap3A_570, %swap3A_571], %mul3A_568 {strides = array<i32>} : memref<3x128x64xf32, #tpu.memory_space<vmem>>, vector<16xf32>,
          %get3A_573 = arith.constant 0 : i32
          %get3A_574 = arith.index_cast %get3A_573 : i32 to index
          %get3A_575 = arith.index_cast %add3A_559 : i32 to index
          %get3A_576 = arith.constant 16 : index
          %get3A_577 = tpu.vector_load %arg10[%get3A_574, %get3A_575, %get3A_576] {strides = array<i32>} : memref<3x128x64xf32, #tpu.memory_space<vmem>>, vector<16xf32>,
          %mul3A_578 = arith.mulf %get3A_577, %get3A_562 : vector<16xf32>
          %swap3A_579 = arith.constant 0 : i32
          %swap3A_580 = arith.index_cast %swap3A_579 : i32 to index
          %swap3A_581 = arith.index_cast %add3A_559 : i32 to index
          %swap3A_582 = arith.constant 16 : index
          %swap3A_583 = tpu.vector_load %arg10[%swap3A_580, %swap3A_581, %swap3A_582] {strides = array<i32>} : memref<3x128x64xf32, #tpu.memory_space<vmem>>, vector<16xf32>,
          tpu.vector_store %arg10[%swap3A_580, %swap3A_581, %swap3A_582], %mul3A_578 {strides = array<i32>} : memref<3x128x64xf32, #tpu.memory_space<vmem>>, vector<16xf32>,
          %get3A_584 = arith.constant 0 : i32
          %get3A_585 = arith.index_cast %get3A_584 : i32 to index
          %get3A_586 = arith.index_cast %add3A_559 : i32 to index
          %get3A_587 = arith.constant 32 : index
          %get3A_588 = tpu.vector_load %arg10[%get3A_585, %get3A_586, %get3A_587] {strides = array<i32>} : memref<3x128x64xf32, #tpu.memory_space<vmem>>, vector<16xf32>,
          %mul3A_589 = arith.mulf %get3A_588, %get3A_562 : vector<16xf32>
          %swap3A_590 = arith.constant 0 : i32
          %swap3A_591 = arith.index_cast %swap3A_590 : i32 to index
          %swap3A_592 = arith.index_cast %add3A_559 : i32 to index
          %swap3A_593 = arith.constant 32 : index
          %swap3A_594 = tpu.vector_load %arg10[%swap3A_591, %swap3A_592, %swap3A_593] {strides = array<i32>} : memref<3x128x64xf32, #tpu.memory_space<vmem>>, vector<16xf32>,
          tpu.vector_store %arg10[%swap3A_591, %swap3A_592, %swap3A_593], %mul3A_589 {strides = array<i32>} : memref<3x128x64xf32, #tpu.memory_space<vmem>>, vector<16xf32>,
          %get3A_595 = arith.constant 0 : i32
          %get3A_596 = arith.index_cast %get3A_595 : i32 to index
          %get3A_597 = arith.index_cast %add3A_559 : i32 to index
          %get3A_598 = arith.constant 48 : index
          %get3A_599 = tpu.vector_load %arg10[%get3A_596, %get3A_597, %get3A_598] {strides = array<i32>} : memref<3x128x64xf32, #tpu.memory_space<vmem>>, vector<16xf32>,
          %mul3A_600 = arith.mulf %get3A_599, %get3A_562 : vector<16xf32>
          %swap3A_601 = arith.constant 0 : i32
          %swap3A_602 = arith.index_cast %swap3A_601 : i32 to index
          %swap3A_603 = arith.index_cast %add3A_559 : i32 to index
          %swap3A_604 = arith.constant 48 : index
          %swap3A_605 = tpu.vector_load %arg10[%swap3A_602, %swap3A_603, %swap3A_604] {strides = array<i32>} : memref<3x128x64xf32, #tpu.memory_space<vmem>>, vector<16xf32>,
          tpu.vector_store %arg10[%swap3A_602, %swap3A_603, %swap3A_604], %mul3A_600 {strides = array<i32>} : memref<3x128x64xf32, #tpu.memory_space<vmem>>, vector<16xf32>,
        }
        %scan3A_472 = arith.constant 128 : i32
        %add3A_473 = arith.addi %mul3A_0, %add3A_424 : i32
        %dma_start3A_474 = arith.constant 0 : i32
        %dma_start3A_475 = arith.constant 0 : i32
        %dma_start3A_476 = arith.constant 0 : i32
        %dma_start3A_477 = tpu.memref_slice %arg10[%dma_start3A_474, %dma_start3A_475, %dma_start3A_476] : memref<3x128x64xf32, #tpu.memory_space<vmem>> -> memref<1x128x64xf32, #tpu.memory_space<vmem>>
        %dma_start3A_478 = tpu.memref_squeeze %dma_start3A_477 : memref<1x128x64xf32, #tpu.memory_space<vmem>> -> memref<128x64xf32, #tpu.memory_space<vmem>>
        %dma_start3A_479 = arith.constant 0 : i32
        %dma_start3A_480 = arith.constant 0 : i32
        %dma_start3A_481 = tpu.memref_slice %dma_start3A_478[%dma_start3A_479, %dma_start3A_480] : memref<128x64xf32, #tpu.memory_space<vmem>> -> memref<128x64xf32, #tpu.memory_space<vmem>>
        %dma_start3A_482 = arith.constant 0 : i32
        %dma_start3A_483 = tpu.memref_slice %arg7[%arg0, %add3A_473, %dma_start3A_482] : memref<2x10000x64xf32, #tpu.memory_space<hbm>> -> memref<1x128x64xf32, #tpu.memory_space<hbm>>
        %dma_start3A_484 = tpu.memref_squeeze %dma_start3A_483 : memref<1x128x64xf32, #tpu.memory_space<hbm>> -> memref<128x64xf32, #tpu.memory_space<hbm>>
        %dma_start3A_485 = arith.constant 0 : i32
        %dma_start3A_486 = tpu.memref_slice %arg7[%arg0, %add3A_473, %dma_start3A_485] : memref<2x10000x64xf32, #tpu.memory_space<hbm>> -> memref<1x128x64xf32, #tpu.memory_space<hbm>>
        %dma_start3A_487 = tpu.memref_squeeze %dma_start3A_486 : memref<1x128x64xf32, #tpu.memory_space<hbm>> -> memref<128x64xf32, #tpu.memory_space<hbm>>
        %dma_start3A_488 = arith.constant 0 : i32
        %dma_start3A_489 = arith.constant 0 : i32
        %dma_start3A_490 = tpu.memref_slice %arg10[%dma_start3A_474, %dma_start3A_488, %dma_start3A_489] : memref<3x128x64xf32, #tpu.memory_space<vmem>> -> memref<1x128x64xf32, #tpu.memory_space<vmem>>
        %dma_start3A_491 = tpu.memref_squeeze %dma_start3A_490 : memref<1x128x64xf32, #tpu.memory_space<vmem>> -> memref<128x64xf32, #tpu.memory_space<vmem>>
        %dma_start3A_492 = arith.constant 0 : i32
        %dma_start3A_493 = arith.constant 0 : i32
        %dma_start3A_494 = tpu.memref_slice %dma_start3A_491[%dma_start3A_492, %dma_start3A_493] : memref<128x64xf32, #tpu.memory_space<vmem>> -> memref<128x64xf32, #tpu.memory_space<vmem>>
        tpu.enqueue_dma source(%dma_start3A_494 : memref<128x64xf32, #tpu.memory_space<vmem>>) target(%dma_start3A_487 : memref<128x64xf32, #tpu.memory_space<hbm>>) target_semaphore(%arg14 : memref<!tpu.dma_semaphore, #tpu.memory_space<semaphore_mem>>)
        %dma_wait3A_495 = arith.constant 0 : i32
        %dma_wait3A_496 = arith.constant 0 : i32
        %dma_wait3A_497 = arith.constant 0 : i32
        %dma_wait3A_498 = tpu.memref_slice %arg10[%dma_wait3A_495, %dma_wait3A_496, %dma_wait3A_497] : memref<3x128x64xf32, #tpu.memory_space<vmem>> -> memref<1x128x64xf32, #tpu.memory_space<vmem>>
        %dma_wait3A_499 = tpu.memref_squeeze %dma_wait3A_498 : memref<1x128x64xf32, #tpu.memory_space<vmem>> -> memref<128x64xf32, #tpu.memory_space<vmem>>
        %dma_wait3A_500 = arith.constant 0 : i32
        %dma_wait3A_501 = arith.constant 0 : i32
        %dma_wait3A_502 = tpu.memref_slice %dma_wait3A_499[%dma_wait3A_500, %dma_wait3A_501] : memref<128x64xf32, #tpu.memory_space<vmem>> -> memref<128x64xf32, #tpu.memory_space<vmem>>
        %dma_wait3A_503 = arith.constant 0 : i32
        %dma_wait3A_504 = tpu.memref_slice %arg7[%arg0, %add3A_473, %dma_wait3A_503] : memref<2x10000x64xf32, #tpu.memory_space<hbm>> -> memref<1x128x64xf32, #tpu.memory_space<hbm>>
        %dma_wait3A_505 = tpu.memref_squeeze %dma_wait3A_504 : memref<1x128x64xf32, #tpu.memory_space<hbm>> -> memref<128x64xf32, #tpu.memory_space<hbm>>
        %dma_wait3A_506 = arith.constant 0 : i32
        %dma_wait3A_507 = tpu.memref_slice %arg7[%arg0, %add3A_473, %dma_wait3A_506] : memref<2x10000x64xf32, #tpu.memory_space<hbm>> -> memref<1x128x64xf32, #tpu.memory_space<hbm>>
        %dma_wait3A_508 = tpu.memref_squeeze %dma_wait3A_507 : memref<1x128x64xf32, #tpu.memory_space<hbm>> -> memref<128x64xf32, #tpu.memory_space<hbm>>
        %dma_wait3A_509 = arith.constant 0 : i32
        %dma_wait3A_510 = arith.constant 0 : i32
        %dma_wait3A_511 = tpu.memref_slice %arg10[%dma_wait3A_495, %dma_wait3A_509, %dma_wait3A_510] : memref<3x128x64xf32, #tpu.memory_space<vmem>> -> memref<1x128x64xf32, #tpu.memory_space<vmem>>
        %dma_wait3A_512 = tpu.memref_squeeze %dma_wait3A_511 : memref<1x128x64xf32, #tpu.memory_space<vmem>> -> memref<128x64xf32, #tpu.memory_space<vmem>>
        %dma_wait3A_513 = arith.constant 0 : i32
        %dma_wait3A_514 = arith.constant 0 : i32
        %dma_wait3A_515 = tpu.memref_slice %dma_wait3A_512[%dma_wait3A_513, %dma_wait3A_514] : memref<128x64xf32, #tpu.memory_space<vmem>> -> memref<128x64xf32, #tpu.memory_space<vmem>>
        tpu.wait_dma2 semaphore(%arg14 : memref<!tpu.dma_semaphore, #tpu.memory_space<semaphore_mem>>) src(%dma_wait3A_515 : memref<128x64xf32, #tpu.memory_space<vmem>>) dst(%dma_wait3A_508 : memref<128x64xf32, #tpu.memory_space<hbm>>)
        %add3A_516 = arith.addi %mul3A_0, %add3A_424 : i32
        %dma_start3A_517 = arith.constant 0 : i32
        %dma_start3A_518 = arith.constant 0 : i32
        %dma_start3A_519 = arith.constant 0 : i32
        %dma_start3A_520 = tpu.memref_slice %arg10[%dma_start3A_517, %dma_start3A_518, %dma_start3A_519] : memref<3x128x64xf32, #tpu.memory_space<vmem>> -> memref<1x128x64xf32, #tpu.memory_space<vmem>>
        %dma_start3A_521 = tpu.memref_squeeze %dma_start3A_520 : memref<1x128x64xf32, #tpu.memory_space<vmem>> -> memref<128x64xf32, #tpu.memory_space<vmem>>
        %dma_start3A_522 = arith.constant 0 : i32
        %dma_start3A_523 = arith.constant 0 : i32
        %dma_start3A_524 = tpu.memref_slice %dma_start3A_521[%dma_start3A_522, %dma_start3A_523] : memref<128x64xf32, #tpu.memory_space<vmem>> -> memref<128x64xf32, #tpu.memory_space<vmem>>
        %dma_start3A_525 = arith.constant 0 : i32
        %dma_start3A_526 = tpu.memref_slice %arg13[%add3A_516, %dma_start3A_525] : memref<10240x64xf32, #tpu.memory_space<vmem_shared>> -> memref<128x64xf32, #tpu.memory_space<vmem_shared>>
        %dma_start3A_527 = arith.constant 0 : i32
        %dma_start3A_528 = tpu.memref_slice %arg13[%add3A_516, %dma_start3A_527] : memref<10240x64xf32, #tpu.memory_space<vmem_shared>> -> memref<128x64xf32, #tpu.memory_space<vmem_shared>>
        %dma_start3A_529 = arith.constant 0 : i32
        %dma_start3A_530 = arith.constant 0 : i32
        %dma_start3A_531 = tpu.memref_slice %arg10[%dma_start3A_517, %dma_start3A_529, %dma_start3A_530] : memref<3x128x64xf32, #tpu.memory_space<vmem>> -> memref<1x128x64xf32, #tpu.memory_space<vmem>>
        %dma_start3A_532 = tpu.memref_squeeze %dma_start3A_531 : memref<1x128x64xf32, #tpu.memory_space<vmem>> -> memref<128x64xf32, #tpu.memory_space<vmem>>
        %dma_start3A_533 = arith.constant 0 : i32
        %dma_start3A_534 = arith.constant 0 : i32
        %dma_start3A_535 = tpu.memref_slice %dma_start3A_532[%dma_start3A_533, %dma_start3A_534] : memref<128x64xf32, #tpu.memory_space<vmem>> -> memref<128x64xf32, #tpu.memory_space<vmem>>
        tpu.enqueue_dma source(%dma_start3A_535 : memref<128x64xf32, #tpu.memory_space<vmem>>) target(%dma_start3A_528 : memref<128x64xf32, #tpu.memory_space<vmem_shared>>) target_semaphore(%arg14 : memref<!tpu.dma_semaphore, #tpu.memory_space<semaphore_mem>>)
        %dma_wait3A_536 = arith.constant 0 : i32
        %dma_wait3A_537 = arith.constant 0 : i32
        %dma_wait3A_538 = arith.constant 0 : i32
        %dma_wait3A_539 = tpu.memref_slice %arg10[%dma_wait3A_536, %dma_wait3A_537, %dma_wait3A_538] : memref<3x128x64xf32, #tpu.memory_space<vmem>> -> memref<1x128x64xf32, #tpu.memory_space<vmem>>
        %dma_wait3A_540 = tpu.memref_squeeze %dma_wait3A_539 : memref<1x128x64xf32, #tpu.memory_space<vmem>> -> memref<128x64xf32, #tpu.memory_space<vmem>>
        %dma_wait3A_541 = arith.constant 0 : i32
        %dma_wait3A_542 = arith.constant 0 : i32
        %dma_wait3A_543 = tpu.memref_slice %dma_wait3A_540[%dma_wait3A_541, %dma_wait3A_542] : memref<128x64xf32, #tpu.memory_space<vmem>> -> memref<128x64xf32, #tpu.memory_space<vmem>>
        %dma_wait3A_544 = arith.constant 0 : i32
        %dma_wait3A_545 = tpu.memref_slice %arg13[%add3A_516, %dma_wait3A_544] : memref<10240x64xf32, #tpu.memory_space<vmem_shared>> -> memref<128x64xf32, #tpu.memory_space<vmem_shared>>
        %dma_wait3A_546 = arith.constant 0 : i32
        %dma_wait3A_547 = tpu.memref_slice %arg13[%add3A_516, %dma_wait3A_546] : memref<10240x64xf32, #tpu.memory_space<vmem_shared>> -> memref<128x64xf32, #tpu.memory_space<vmem_shared>>
        %dma_wait3A_548 = arith.constant 0 : i32
        %dma_wait3A_549 = arith.constant 0 : i32
        %dma_wait3A_550 = tpu.memref_slice %arg10[%dma_wait3A_536, %dma_wait3A_548, %dma_wait3A_549] : memref<3x128x64xf32, #tpu.memory_space<vmem>> -> memref<1x128x64xf32, #tpu.memory_space<vmem>>
        %dma_wait3A_551 = tpu.memref_squeeze %dma_wait3A_550 : memref<1x128x64xf32, #tpu.memory_space<vmem>> -> memref<128x64xf32, #tpu.memory_space<vmem>>
        %dma_wait3A_552 = arith.constant 0 : i32
        %dma_wait3A_553 = arith.constant 0 : i32
        %dma_wait3A_554 = tpu.memref_slice %dma_wait3A_551[%dma_wait3A_552, %dma_wait3A_553] : memref<128x64xf32, #tpu.memory_space<vmem>> -> memref<128x64xf32, #tpu.memory_space<vmem>>
        tpu.wait_dma2 semaphore(%arg14 : memref<!tpu.dma_semaphore, #tpu.memory_space<semaphore_mem>>) src(%dma_wait3A_554 : memref<128x64xf32, #tpu.memory_space<vmem>>) dst(%dma_wait3A_547 : memref<128x64xf32, #tpu.memory_space<vmem_shared>>)
      }
      %scan3A_286 = arith.constant 3 : i32
      %add3A_287 = arith.constant 384 : i32
      %add3A_288 = arith.addi %mul3A_0, %add3A_287 : i32
      %dma_start3A_289 = arith.constant 0 : i32
      %dma_start3A_290 = arith.constant 0 : i32
      %dma_start3A_291 = arith.constant 0 : i32
      %dma_start3A_292 = tpu.memref_slice %arg10[%dma_start3A_289, %dma_start3A_290, %dma_start3A_291] : memref<3x128x64xf32, #tpu.memory_space<vmem>> -> memref<1x128x64xf32, #tpu.memory_space<vmem>>
      %dma_start3A_293 = tpu.memref_squeeze %dma_start3A_292 : memref<1x128x64xf32, #tpu.memory_space<vmem>> -> memref<128x64xf32, #tpu.memory_space<vmem>>
      %dma_start3A_294 = arith.constant 0 : i32
      %dma_start3A_295 = arith.constant 0 : i32
      %dma_start3A_296 = tpu.memref_slice %dma_start3A_293[%dma_start3A_294, %dma_start3A_295] : memref<128x64xf32, #tpu.memory_space<vmem>> -> memref<16x64xf32, #tpu.memory_space<vmem>>
      %dma_start3A_297 = arith.constant 0 : i32
      %dma_start3A_298 = tpu.memref_slice %arg2[%arg0, %add3A_288, %dma_start3A_297] : memref<2x10000x64xf32, #tpu.memory_space<hbm>> -> memref<1x16x64xf32, #tpu.memory_space<hbm>>
      %dma_start3A_299 = tpu.memref_squeeze %dma_start3A_298 : memref<1x16x64xf32, #tpu.memory_space<hbm>> -> memref<16x64xf32, #tpu.memory_space<hbm>>
      %dma_start3A_300 = arith.constant 0 : i32
      %dma_start3A_301 = arith.constant 0 : i32
      %dma_start3A_302 = tpu.memref_slice %arg10[%dma_start3A_289, %dma_start3A_300, %dma_start3A_301] : memref<3x128x64xf32, #tpu.memory_space<vmem>> -> memref<1x128x64xf32, #tpu.memory_space<vmem>>
      %dma_start3A_303 = tpu.memref_squeeze %dma_start3A_302 : memref<1x128x64xf32, #tpu.memory_space<vmem>> -> memref<128x64xf32, #tpu.memory_space<vmem>>
      %dma_start3A_304 = arith.constant 0 : i32
      %dma_start3A_305 = arith.constant 0 : i32
      %dma_start3A_306 = tpu.memref_slice %dma_start3A_303[%dma_start3A_304, %dma_start3A_305] : memref<128x64xf32, #tpu.memory_space<vmem>> -> memref<16x64xf32, #tpu.memory_space<vmem>>
      %dma_start3A_307 = arith.constant 0 : i32
      %dma_start3A_308 = tpu.memref_slice %arg2[%arg0, %add3A_288, %dma_start3A_307] : memref<2x10000x64xf32, #tpu.memory_space<hbm>> -> memref<1x16x64xf32, #tpu.memory_space<hbm>>
      %dma_start3A_309 = tpu.memref_squeeze %dma_start3A_308 : memref<1x16x64xf32, #tpu.memory_space<hbm>> -> memref<16x64xf32, #tpu.memory_space<hbm>>
      tpu.enqueue_dma source(%dma_start3A_309 : memref<16x64xf32, #tpu.memory_space<hbm>>) target(%dma_start3A_306 : memref<16x64xf32, #tpu.memory_space<vmem>>) target_semaphore(%arg14 : memref<!tpu.dma_semaphore, #tpu.memory_space<semaphore_mem>>)
      %dma_wait3A_310 = arith.constant 0 : i32
      %dma_wait3A_311 = arith.constant 0 : i32
      %dma_wait3A_312 = arith.constant 0 : i32
      %dma_wait3A_313 = tpu.memref_slice %arg10[%dma_wait3A_310, %dma_wait3A_311, %dma_wait3A_312] : memref<3x128x64xf32, #tpu.memory_space<vmem>> -> memref<1x128x64xf32, #tpu.memory_space<vmem>>
      %dma_wait3A_314 = tpu.memref_squeeze %dma_wait3A_313 : memref<1x128x64xf32, #tpu.memory_space<vmem>> -> memref<128x64xf32, #tpu.memory_space<vmem>>
      %dma_wait3A_315 = arith.constant 0 : i32
      %dma_wait3A_316 = arith.constant 0 : i32
      %dma_wait3A_317 = tpu.memref_slice %dma_wait3A_314[%dma_wait3A_315, %dma_wait3A_316] : memref<128x64xf32, #tpu.memory_space<vmem>> -> memref<16x64xf32, #tpu.memory_space<vmem>>
      %dma_wait3A_318 = arith.constant 0 : i32
      %dma_wait3A_319 = tpu.memref_slice %arg2[%arg0, %add3A_288, %dma_wait3A_318] : memref<2x10000x64xf32, #tpu.memory_space<hbm>> -> memref<1x16x64xf32, #tpu.memory_space<hbm>>
      %dma_wait3A_320 = tpu.memref_squeeze %dma_wait3A_319 : memref<1x16x64xf32, #tpu.memory_space<hbm>> -> memref<16x64xf32, #tpu.memory_space<hbm>>
      %dma_wait3A_321 = arith.constant 0 : i32
      %dma_wait3A_322 = arith.constant 0 : i32
      %dma_wait3A_323 = tpu.memref_slice %arg10[%dma_wait3A_310, %dma_wait3A_321, %dma_wait3A_322] : memref<3x128x64xf32, #tpu.memory_space<vmem>> -> memref<1x128x64xf32, #tpu.memory_space<vmem>>
      %dma_wait3A_324 = tpu.memref_squeeze %dma_wait3A_323 : memref<1x128x64xf32, #tpu.memory_space<vmem>> -> memref<128x64xf32, #tpu.memory_space<vmem>>
      %dma_wait3A_325 = arith.constant 0 : i32
      %dma_wait3A_326 = arith.constant 0 : i32
      %dma_wait3A_327 = tpu.memref_slice %dma_wait3A_324[%dma_wait3A_325, %dma_wait3A_326] : memref<128x64xf32, #tpu.memory_space<vmem>> -> memref<16x64xf32, #tpu.memory_space<vmem>>
      %dma_wait3A_328 = arith.constant 0 : i32
      %dma_wait3A_329 = tpu.memref_slice %arg2[%arg0, %add3A_288, %dma_wait3A_328] : memref<2x10000x64xf32, #tpu.memory_space<hbm>> -> memref<1x16x64xf32, #tpu.memory_space<hbm>>
      %dma_wait3A_330 = tpu.memref_squeeze %dma_wait3A_329 : memref<1x16x64xf32, #tpu.memory_space<hbm>> -> memref<16x64xf32, #tpu.memory_space<hbm>>
      tpu.wait_dma2 semaphore(%arg14 : memref<!tpu.dma_semaphore, #tpu.memory_space<semaphore_mem>>) src(%dma_wait3A_330 : memref<16x64xf32, #tpu.memory_space<hbm>>) dst(%dma_wait3A_327 : memref<16x64xf32, #tpu.memory_space<vmem>>)
      %scan3A_331 = arith.constant 0 : i32
      %scan3A_332 = arith.constant 16 : i32
      %scan3A_333 = arith.addi %scan3A_331, %scan3A_332 : i32
      %scan3A_334 = arith.constant 1 : i32
      scf.for %scan3A_420 = %scan3A_331 to %scan3A_333 step %scan3A_334  : i32 {
        %mul3A_421 = arith.constant 1 : i32
        %mul3A_422 = arith.muli %scan3A_420, %mul3A_421 : i32
        %add3A_423 = arith.constant 0 : i32
        %add3A_424 = arith.addi %add3A_423, %mul3A_422 : i32
        %add3A_425 = arith.constant 384 : i32
        %add3A_426 = arith.addi %add3A_425, %add3A_424 : i32
        %get3A = arith.index_cast %add3A_426 : i32 to index
        %get3A_427 = arith.constant 0 : index
        %get3A_428 = tpu.vector_load %arg11[%get3A, %get3A_427] {strides = array<i32>} : memref<640x16xf32, #tpu.memory_space<vmem>>, vector<16xf32>,
        %get3A_429 = arith.constant 0 : i32
        %get3A_430 = arith.index_cast %get3A_429 : i32 to index
        %get3A_431 = arith.index_cast %add3A_424 : i32 to index
        %get3A_432 = arith.constant 0 : index
        %get3A_433 = tpu.vector_load %arg10[%get3A_430, %get3A_431, %get3A_432] {strides = array<i32>} : memref<3x128x64xf32, #tpu.memory_space<vmem>>, vector<16xf32>,
        %mul3A_434 = arith.mulf %get3A_433, %get3A_428 : vector<16xf32>
        %swap3A = arith.constant 0 : i32
        %swap3A_435 = arith.index_cast %swap3A : i32 to index
        %swap3A_436 = arith.index_cast %add3A_424 : i32 to index
        %swap3A_437 = arith.constant 0 : index
        %swap3A_438 = tpu.vector_load %arg10[%swap3A_435, %swap3A_436, %swap3A_437] {strides = array<i32>} : memref<3x128x64xf32, #tpu.memory_space<vmem>>, vector<16xf32>,
        tpu.vector_store %arg10[%swap3A_435, %swap3A_436, %swap3A_437], %mul3A_434 {strides = array<i32>} : memref<3x128x64xf32, #tpu.memory_space<vmem>>, vector<16xf32>,
        %get3A_439 = arith.constant 0 : i32
        %get3A_440 = arith.index_cast %get3A_439 : i32 to index
        %get3A_441 = arith.index_cast %add3A_424 : i32 to index
        %get3A_442 = arith.constant 16 : index
        %get3A_443 = tpu.vector_load %arg10[%get3A_440, %get3A_441, %get3A_442] {strides = array<i32>} : memref<3x128x64xf32, #tpu.memory_space<vmem>>, vector<16xf32>,
        %mul3A_444 = arith.mulf %get3A_443, %get3A_428 : vector<16xf32>
        %swap3A_445 = arith.constant 0 : i32
        %swap3A_446 = arith.index_cast %swap3A_445 : i32 to index
        %swap3A_447 = arith.index_cast %add3A_424 : i32 to index
        %swap3A_448 = arith.constant 16 : index
        %swap3A_449 = tpu.vector_load %arg10[%swap3A_446, %swap3A_447, %swap3A_448] {strides = array<i32>} : memref<3x128x64xf32, #tpu.memory_space<vmem>>, vector<16xf32>,
        tpu.vector_store %arg10[%swap3A_446, %swap3A_447, %swap3A_448], %mul3A_444 {strides = array<i32>} : memref<3x128x64xf32, #tpu.memory_space<vmem>>, vector<16xf32>,
        %get3A_450 = arith.constant 0 : i32
        %get3A_451 = arith.index_cast %get3A_450 : i32 to index
        %get3A_452 = arith.index_cast %add3A_424 : i32 to index
        %get3A_453 = arith.constant 32 : index
        %get3A_454 = tpu.vector_load %arg10[%get3A_451, %get3A_452, %get3A_453] {strides = array<i32>} : memref<3x128x64xf32, #tpu.memory_space<vmem>>, vector<16xf32>,
        %mul3A_455 = arith.mulf %get3A_454, %get3A_428 : vector<16xf32>
        %swap3A_456 = arith.constant 0 : i32
        %swap3A_457 = arith.index_cast %swap3A_456 : i32 to index
        %swap3A_458 = arith.index_cast %add3A_424 : i32 to index
        %swap3A_459 = arith.constant 32 : index
        %swap3A_460 = tpu.vector_load %arg10[%swap3A_457, %swap3A_458, %swap3A_459] {strides = array<i32>} : memref<3x128x64xf32, #tpu.memory_space<vmem>>, vector<16xf32>,
        tpu.vector_store %arg10[%swap3A_457, %swap3A_458, %swap3A_459], %mul3A_455 {strides = array<i32>} : memref<3x128x64xf32, #tpu.memory_space<vmem>>, vector<16xf32>,
        %get3A_461 = arith.constant 0 : i32
        %get3A_462 = arith.index_cast %get3A_461 : i32 to index
        %get3A_463 = arith.index_cast %add3A_424 : i32 to index
        %get3A_464 = arith.constant 48 : index
        %get3A_465 = tpu.vector_load %arg10[%get3A_462, %get3A_463, %get3A_464] {strides = array<i32>} : memref<3x128x64xf32, #tpu.memory_space<vmem>>, vector<16xf32>,
        %mul3A_466 = arith.mulf %get3A_465, %get3A_428 : vector<16xf32>
        %swap3A_467 = arith.constant 0 : i32
        %swap3A_468 = arith.index_cast %swap3A_467 : i32 to index
        %swap3A_469 = arith.index_cast %add3A_424 : i32 to index
        %swap3A_470 = arith.constant 48 : index
        %swap3A_471 = tpu.vector_load %arg10[%swap3A_468, %swap3A_469, %swap3A_470] {strides = array<i32>} : memref<3x128x64xf32, #tpu.memory_space<vmem>>, vector<16xf32>,
        tpu.vector_store %arg10[%swap3A_468, %swap3A_469, %swap3A_470], %mul3A_466 {strides = array<i32>} : memref<3x128x64xf32, #tpu.memory_space<vmem>>, vector<16xf32>,
      }
      %scan3A_335 = arith.constant 16 : i32
      %add3A_336 = arith.constant 384 : i32
      %add3A_337 = arith.addi %mul3A_0, %add3A_336 : i32
      %dma_start3A_338 = arith.constant 0 : i32
      %dma_start3A_339 = arith.constant 0 : i32
      %dma_start3A_340 = arith.constant 0 : i32
      %dma_start3A_341 = tpu.memref_slice %arg10[%dma_start3A_338, %dma_start3A_339, %dma_start3A_340] : memref<3x128x64xf32, #tpu.memory_space<vmem>> -> memref<1x128x64xf32, #tpu.memory_space<vmem>>
      %dma_start3A_342 = tpu.memref_squeeze %dma_start3A_341 : memref<1x128x64xf32, #tpu.memory_space<vmem>> -> memref<128x64xf32, #tpu.memory_space<vmem>>
      %dma_start3A_343 = arith.constant 0 : i32
      %dma_start3A_344 = arith.constant 0 : i32
      %dma_start3A_345 = tpu.memref_slice %dma_start3A_342[%dma_start3A_343, %dma_start3A_344] : memref<128x64xf32, #tpu.memory_space<vmem>> -> memref<16x64xf32, #tpu.memory_space<vmem>>
      %dma_start3A_346 = arith.constant 0 : i32
      %dma_start3A_347 = tpu.memref_slice %arg7[%arg0, %add3A_337, %dma_start3A_346] : memref<2x10000x64xf32, #tpu.memory_space<hbm>> -> memref<1x16x64xf32, #tpu.memory_space<hbm>>
      %dma_start3A_348 = tpu.memref_squeeze %dma_start3A_347 : memref<1x16x64xf32, #tpu.memory_space<hbm>> -> memref<16x64xf32, #tpu.memory_space<hbm>>
      %dma_start3A_349 = arith.constant 0 : i32
      %dma_start3A_350 = tpu.memref_slice %arg7[%arg0, %add3A_337, %dma_start3A_349] : memref<2x10000x64xf32, #tpu.memory_space<hbm>> -> memref<1x16x64xf32, #tpu.memory_space<hbm>>
      %dma_start3A_351 = tpu.memref_squeeze %dma_start3A_350 : memref<1x16x64xf32, #tpu.memory_space<hbm>> -> memref<16x64xf32, #tpu.memory_space<hbm>>
      %dma_start3A_352 = arith.constant 0 : i32
      %dma_start3A_353 = arith.constant 0 : i32
      %dma_start3A_354 = tpu.memref_slice %arg10[%dma_start3A_338, %dma_start3A_352, %dma_start3A_353] : memref<3x128x64xf32, #tpu.memory_space<vmem>> -> memref<1x128x64xf32, #tpu.memory_space<vmem>>
      %dma_start3A_355 = tpu.memref_squeeze %dma_start3A_354 : memref<1x128x64xf32, #tpu.memory_space<vmem>> -> memref<128x64xf32, #tpu.memory_space<vmem>>
      %dma_start3A_356 = arith.constant 0 : i32
      %dma_start3A_357 = arith.constant 0 : i32
      %dma_start3A_358 = tpu.memref_slice %dma_start3A_355[%dma_start3A_356, %dma_start3A_357] : memref<128x64xf32, #tpu.memory_space<vmem>> -> memref<16x64xf32, #tpu.memory_space<vmem>>
      tpu.enqueue_dma source(%dma_start3A_358 : memref<16x64xf32, #tpu.memory_space<vmem>>) target(%dma_start3A_351 : memref<16x64xf32, #tpu.memory_space<hbm>>) target_semaphore(%arg14 : memref<!tpu.dma_semaphore, #tpu.memory_space<semaphore_mem>>)
      %dma_wait3A_359 = arith.constant 0 : i32
      %dma_wait3A_360 = arith.constant 0 : i32
      %dma_wait3A_361 = arith.constant 0 : i32
      %dma_wait3A_362 = tpu.memref_slice %arg10[%dma_wait3A_359, %dma_wait3A_360, %dma_wait3A_361] : memref<3x128x64xf32, #tpu.memory_space<vmem>> -> memref<1x128x64xf32, #tpu.memory_space<vmem>>
      %dma_wait3A_363 = tpu.memref_squeeze %dma_wait3A_362 : memref<1x128x64xf32, #tpu.memory_space<vmem>> -> memref<128x64xf32, #tpu.memory_space<vmem>>
      %dma_wait3A_364 = arith.constant 0 : i32
      %dma_wait3A_365 = arith.constant 0 : i32
      %dma_wait3A_366 = tpu.memref_slice %dma_wait3A_363[%dma_wait3A_364, %dma_wait3A_365] : memref<128x64xf32, #tpu.memory_space<vmem>> -> memref<16x64xf32, #tpu.memory_space<vmem>>
      %dma_wait3A_367 = arith.constant 0 : i32
      %dma_wait3A_368 = tpu.memref_slice %arg7[%arg0, %add3A_337, %dma_wait3A_367] : memref<2x10000x64xf32, #tpu.memory_space<hbm>> -> memref<1x16x64xf32, #tpu.memory_space<hbm>>
      %dma_wait3A_369 = tpu.memref_squeeze %dma_wait3A_368 : memref<1x16x64xf32, #tpu.memory_space<hbm>> -> memref<16x64xf32, #tpu.memory_space<hbm>>
      %dma_wait3A_370 = arith.constant 0 : i32
      %dma_wait3A_371 = tpu.memref_slice %arg7[%arg0, %add3A_337, %dma_wait3A_370] : memref<2x10000x64xf32, #tpu.memory_space<hbm>> -> memref<1x16x64xf32, #tpu.memory_space<hbm>>
      %dma_wait3A_372 = tpu.memref_squeeze %dma_wait3A_371 : memref<1x16x64xf32, #tpu.memory_space<hbm>> -> memref<16x64xf32, #tpu.memory_space<hbm>>
      %dma_wait3A_373 = arith.constant 0 : i32
      %dma_wait3A_374 = arith.constant 0 : i32
      %dma_wait3A_375 = tpu.memref_slice %arg10[%dma_wait3A_359, %dma_wait3A_373, %dma_wait3A_374] : memref<3x128x64xf32, #tpu.memory_space<vmem>> -> memref<1x128x64xf32, #tpu.memory_space<vmem>>
      %dma_wait3A_376 = tpu.memref_squeeze %dma_wait3A_375 : memref<1x128x64xf32, #tpu.memory_space<vmem>> -> memref<128x64xf32, #tpu.memory_space<vmem>>
      %dma_wait3A_377 = arith.constant 0 : i32
      %dma_wait3A_378 = arith.constant 0 : i32
      %dma_wait3A_379 = tpu.memref_slice %dma_wait3A_376[%dma_wait3A_377, %dma_wait3A_378] : memref<128x64xf32, #tpu.memory_space<vmem>> -> memref<16x64xf32, #tpu.memory_space<vmem>>
      tpu.wait_dma2 semaphore(%arg14 : memref<!tpu.dma_semaphore, #tpu.memory_space<semaphore_mem>>) src(%dma_wait3A_379 : memref<16x64xf32, #tpu.memory_space<vmem>>) dst(%dma_wait3A_372 : memref<16x64xf32, #tpu.memory_space<hbm>>)
      %add3A_380 = arith.constant 384 : i32
      %add3A_381 = arith.addi %mul3A_0, %add3A_380 : i32
      %dma_start3A_382 = arith.constant 0 : i32
      %dma_start3A_383 = arith.constant 0 : i32
      %dma_start3A_384 = arith.constant 0 : i32
      %dma_start3A_385 = tpu.memref_slice %arg10[%dma_start3A_382, %dma_start3A_383, %dma_start3A_384] : memref<3x128x64xf32, #tpu.memory_space<vmem>> -> memref<1x128x64xf32, #tpu.memory_space<vmem>>
      %dma_start3A_386 = tpu.memref_squeeze %dma_start3A_385 : memref<1x128x64xf32, #tpu.memory_space<vmem>> -> memref<128x64xf32, #tpu.memory_space<vmem>>
      %dma_start3A_387 = arith.constant 0 : i32
      %dma_start3A_388 = arith.constant 0 : i32
      %dma_start3A_389 = tpu.memref_slice %dma_start3A_386[%dma_start3A_387, %dma_start3A_388] : memref<128x64xf32, #tpu.memory_space<vmem>> -> memref<16x64xf32, #tpu.memory_space<vmem>>
      %dma_start3A_390 = arith.constant 0 : i32
      %dma_start3A_391 = tpu.memref_slice %arg13[%add3A_381, %dma_start3A_390] : memref<10240x64xf32, #tpu.memory_space<vmem_shared>> -> memref<16x64xf32, #tpu.memory_space<vmem_shared>>
      %dma_start3A_392 = arith.constant 0 : i32
      %dma_start3A_393 = tpu.memref_slice %arg13[%add3A_381, %dma_start3A_392] : memref<10240x64xf32, #tpu.memory_space<vmem_shared>> -> memref<16x64xf32, #tpu.memory_space<vmem_shared>>
      %dma_start3A_394 = arith.constant 0 : i32
      %dma_start3A_395 = arith.constant 0 : i32
      %dma_start3A_396 = tpu.memref_slice %arg10[%dma_start3A_382, %dma_start3A_394, %dma_start3A_395] : memref<3x128x64xf32, #tpu.memory_space<vmem>> -> memref<1x128x64xf32, #tpu.memory_space<vmem>>
      %dma_start3A_397 = tpu.memref_squeeze %dma_start3A_396 : memref<1x128x64xf32, #tpu.memory_space<vmem>> -> memref<128x64xf32, #tpu.memory_space<vmem>>
      %dma_start3A_398 = arith.constant 0 : i32
      %dma_start3A_399 = arith.constant 0 : i32
      %dma_start3A_400 = tpu.memref_slice %dma_start3A_397[%dma_start3A_398, %dma_start3A_399] : memref<128x64xf32, #tpu.memory_space<vmem>> -> memref<16x64xf32, #tpu.memory_space<vmem>>
      tpu.enqueue_dma source(%dma_start3A_400 : memref<16x64xf32, #tpu.memory_space<vmem>>) target(%dma_start3A_393 : memref<16x64xf32, #tpu.memory_space<vmem_shared>>) target_semaphore(%arg14 : memref<!tpu.dma_semaphore, #tpu.memory_space<semaphore_mem>>)
      %dma_wait3A_401 = arith.constant 0 : i32
      %dma_wait3A_402 = arith.constant 0 : i32
      %dma_wait3A_403 = arith.constant 0 : i32
      %dma_wait3A_404 = tpu.memref_slice %arg10[%dma_wait3A_401, %dma_wait3A_402, %dma_wait3A_403] : memref<3x128x64xf32, #tpu.memory_space<vmem>> -> memref<1x128x64xf32, #tpu.memory_space<vmem>>
      %dma_wait3A_405 = tpu.memref_squeeze %dma_wait3A_404 : memref<1x128x64xf32, #tpu.memory_space<vmem>> -> memref<128x64xf32, #tpu.memory_space<vmem>>
      %dma_wait3A_406 = arith.constant 0 : i32
      %dma_wait3A_407 = arith.constant 0 : i32
      %dma_wait3A_408 = tpu.memref_slice %dma_wait3A_405[%dma_wait3A_406, %dma_wait3A_407] : memref<128x64xf32, #tpu.memory_space<vmem>> -> memref<16x64xf32, #tpu.memory_space<vmem>>
      %dma_wait3A_409 = arith.constant 0 : i32
      %dma_wait3A_410 = tpu.memref_slice %arg13[%add3A_381, %dma_wait3A_409] : memref<10240x64xf32, #tpu.memory_space<vmem_shared>> -> memref<16x64xf32, #tpu.memory_space<vmem_shared>>
      %dma_wait3A_411 = arith.constant 0 : i32
      %dma_wait3A_412 = tpu.memref_slice %arg13[%add3A_381, %dma_wait3A_411] : memref<10240x64xf32, #tpu.memory_space<vmem_shared>> -> memref<16x64xf32, #tpu.memory_space<vmem_shared>>
      %dma_wait3A_413 = arith.constant 0 : i32
      %dma_wait3A_414 = arith.constant 0 : i32
      %dma_wait3A_415 = tpu.memref_slice %arg10[%dma_wait3A_401, %dma_wait3A_413, %dma_wait3A_414] : memref<3x128x64xf32, #tpu.memory_space<vmem>> -> memref<1x128x64xf32, #tpu.memory_space<vmem>>
      %dma_wait3A_416 = tpu.memref_squeeze %dma_wait3A_415 : memref<1x128x64xf32, #tpu.memory_space<vmem>> -> memref<128x64xf32, #tpu.memory_space<vmem>>
      %dma_wait3A_417 = arith.constant 0 : i32
      %dma_wait3A_418 = arith.constant 0 : i32
      %dma_wait3A_419 = tpu.memref_slice %dma_wait3A_416[%dma_wait3A_417, %dma_wait3A_418] : memref<128x64xf32, #tpu.memory_space<vmem>> -> memref<16x64xf32, #tpu.memory_space<vmem>>
      tpu.wait_dma2 semaphore(%arg14 : memref<!tpu.dma_semaphore, #tpu.memory_space<semaphore_mem>>) src(%dma_wait3A_419 : memref<16x64xf32, #tpu.memory_space<vmem>>) dst(%dma_wait3A_412 : memref<16x64xf32, #tpu.memory_space<vmem_shared>>)
    } else {
    }
    %not3A_15 = arith.constant true
    %not3A_16 = arith.xori %eq3A_1, %not3A_15 : i1
    %convert_element_type3A_17 = arith.extui %not3A_16 : i1 to i32
    %cond3A_18 = arith.constant 0 : i32
    %cond3A_19 = arith.cmpi ne, %convert_element_type3A_17, %cond3A_18 : i32
    scf.if %cond3A_19 {
      %scan3A_282 = arith.constant 0 : i32
      %scan3A_283 = arith.constant 5 : i32
      %scan3A_284 = arith.addi %scan3A_282, %scan3A_283 : i32
      %scan3A_285 = arith.constant 1 : i32
      scf.for %scan3A_287 = %scan3A_282 to %scan3A_284 step %scan3A_285  : i32 {
        %mul3A_288 = arith.constant 128 : i32
        %mul3A_289 = arith.muli %scan3A_287, %mul3A_288 : i32
        %add3A_290 = arith.constant 0 : i32
        %add3A_291 = arith.addi %add3A_290, %mul3A_289 : i32
        %add3A_292 = arith.addi %mul3A_0, %add3A_291 : i32
        %dma_start3A_293 = arith.constant 0 : i32
        %dma_start3A_294 = arith.constant 0 : i32
        %dma_start3A_295 = arith.constant 0 : i32
        %dma_start3A_296 = tpu.memref_slice %arg10[%dma_start3A_293, %dma_start3A_294, %dma_start3A_295] : memref<3x128x64xf32, #tpu.memory_space<vmem>> -> memref<1x128x64xf32, #tpu.memory_space<vmem>>
        %dma_start3A_297 = tpu.memref_squeeze %dma_start3A_296 : memref<1x128x64xf32, #tpu.memory_space<vmem>> -> memref<128x64xf32, #tpu.memory_space<vmem>>
        %dma_start3A_298 = arith.constant 0 : i32
        %dma_start3A_299 = arith.constant 0 : i32
        %dma_start3A_300 = tpu.memref_slice %dma_start3A_297[%dma_start3A_298, %dma_start3A_299] : memref<128x64xf32, #tpu.memory_space<vmem>> -> memref<128x64xf32, #tpu.memory_space<vmem>>
        %dma_start3A_301 = arith.constant 0 : i32
        %dma_start3A_302 = tpu.memref_slice %arg2[%arg0, %add3A_292, %dma_start3A_301] : memref<2x10000x64xf32, #tpu.memory_space<hbm>> -> memref<1x128x64xf32, #tpu.memory_space<hbm>>
        %dma_start3A_303 = tpu.memref_squeeze %dma_start3A_302 : memref<1x128x64xf32, #tpu.memory_space<hbm>> -> memref<128x64xf32, #tpu.memory_space<hbm>>
        %dma_start3A_304 = arith.constant 0 : i32
        %dma_start3A_305 = arith.constant 0 : i32
        %dma_start3A_306 = tpu.memref_slice %arg10[%dma_start3A_293, %dma_start3A_304, %dma_start3A_305] : memref<3x128x64xf32, #tpu.memory_space<vmem>> -> memref<1x128x64xf32, #tpu.memory_space<vmem>>
        %dma_start3A_307 = tpu.memref_squeeze %dma_start3A_306 : memref<1x128x64xf32, #tpu.memory_space<vmem>> -> memref<128x64xf32, #tpu.memory_space<vmem>>
        %dma_start3A_308 = arith.constant 0 : i32
        %dma_start3A_309 = arith.constant 0 : i32
        %dma_start3A_310 = tpu.memref_slice %dma_start3A_307[%dma_start3A_308, %dma_start3A_309] : memref<128x64xf32, #tpu.memory_space<vmem>> -> memref<128x64xf32, #tpu.memory_space<vmem>>
        %dma_start3A_311 = arith.constant 0 : i32
        %dma_start3A_312 = tpu.memref_slice %arg2[%arg0, %add3A_292, %dma_start3A_311] : memref<2x10000x64xf32, #tpu.memory_space<hbm>> -> memref<1x128x64xf32, #tpu.memory_space<hbm>>
        %dma_start3A_313 = tpu.memref_squeeze %dma_start3A_312 : memref<1x128x64xf32, #tpu.memory_space<hbm>> -> memref<128x64xf32, #tpu.memory_space<hbm>>
        tpu.enqueue_dma source(%dma_start3A_313 : memref<128x64xf32, #tpu.memory_space<hbm>>) target(%dma_start3A_310 : memref<128x64xf32, #tpu.memory_space<vmem>>) target_semaphore(%arg14 : memref<!tpu.dma_semaphore, #tpu.memory_space<semaphore_mem>>)
        %dma_wait3A_314 = arith.constant 0 : i32
        %dma_wait3A_315 = arith.constant 0 : i32
        %dma_wait3A_316 = arith.constant 0 : i32
        %dma_wait3A_317 = tpu.memref_slice %arg10[%dma_wait3A_314, %dma_wait3A_315, %dma_wait3A_316] : memref<3x128x64xf32, #tpu.memory_space<vmem>> -> memref<1x128x64xf32, #tpu.memory_space<vmem>>
        %dma_wait3A_318 = tpu.memref_squeeze %dma_wait3A_317 : memref<1x128x64xf32, #tpu.memory_space<vmem>> -> memref<128x64xf32, #tpu.memory_space<vmem>>
        %dma_wait3A_319 = arith.constant 0 : i32
        %dma_wait3A_320 = arith.constant 0 : i32
        %dma_wait3A_321 = tpu.memref_slice %dma_wait3A_318[%dma_wait3A_319, %dma_wait3A_320] : memref<128x64xf32, #tpu.memory_space<vmem>> -> memref<128x64xf32, #tpu.memory_space<vmem>>
        %dma_wait3A_322 = arith.constant 0 : i32
        %dma_wait3A_323 = tpu.memref_slice %arg2[%arg0, %add3A_292, %dma_wait3A_322] : memref<2x10000x64xf32, #tpu.memory_space<hbm>> -> memref<1x128x64xf32, #tpu.memory_space<hbm>>
        %dma_wait3A_324 = tpu.memref_squeeze %dma_wait3A_323 : memref<1x128x64xf32, #tpu.memory_space<hbm>> -> memref<128x64xf32, #tpu.memory_space<hbm>>
        %dma_wait3A_325 = arith.constant 0 : i32
        %dma_wait3A_326 = arith.constant 0 : i32
        %dma_wait3A_327 = tpu.memref_slice %arg10[%dma_wait3A_314, %dma_wait3A_325, %dma_wait3A_326] : memref<3x128x64xf32, #tpu.memory_space<vmem>> -> memref<1x128x64xf32, #tpu.memory_space<vmem>>
        %dma_wait3A_328 = tpu.memref_squeeze %dma_wait3A_327 : memref<1x128x64xf32, #tpu.memory_space<vmem>> -> memref<128x64xf32, #tpu.memory_space<vmem>>
        %dma_wait3A_329 = arith.constant 0 : i32
        %dma_wait3A_330 = arith.constant 0 : i32
        %dma_wait3A_331 = tpu.memref_slice %dma_wait3A_328[%dma_wait3A_329, %dma_wait3A_330] : memref<128x64xf32, #tpu.memory_space<vmem>> -> memref<128x64xf32, #tpu.memory_space<vmem>>
        %dma_wait3A_332 = arith.constant 0 : i32
        %dma_wait3A_333 = tpu.memref_slice %arg2[%arg0, %add3A_292, %dma_wait3A_332] : memref<2x10000x64xf32, #tpu.memory_space<hbm>> -> memref<1x128x64xf32, #tpu.memory_space<hbm>>
        %dma_wait3A_334 = tpu.memref_squeeze %dma_wait3A_333 : memref<1x128x64xf32, #tpu.memory_space<hbm>> -> memref<128x64xf32, #tpu.memory_space<hbm>>
        tpu.wait_dma2 semaphore(%arg14 : memref<!tpu.dma_semaphore, #tpu.memory_space<semaphore_mem>>) src(%dma_wait3A_334 : memref<128x64xf32, #tpu.memory_space<hbm>>) dst(%dma_wait3A_331 : memref<128x64xf32, #tpu.memory_space<vmem>>)
        %scan3A_335 = arith.constant 0 : i32
        %scan3A_336 = arith.constant 128 : i32
        %scan3A_337 = arith.addi %scan3A_335, %scan3A_336 : i32
        %scan3A_338 = arith.constant 1 : i32
        scf.for %scan3A_422 = %scan3A_335 to %scan3A_337 step %scan3A_338  : i32 {
          %mul3A_423 = arith.constant 1 : i32
          %mul3A_424 = arith.muli %scan3A_422, %mul3A_423 : i32
          %add3A_425 = arith.constant 0 : i32
          %add3A_426 = arith.addi %add3A_425, %mul3A_424 : i32
          %add3A_427 = arith.addi %add3A_291, %add3A_426 : i32
          %get3A = arith.index_cast %add3A_427 : i32 to index
          %get3A_428 = arith.constant 0 : index
          %get3A_429 = tpu.vector_load %arg11[%get3A, %get3A_428] {strides = array<i32>} : memref<640x16xf32, #tpu.memory_space<vmem>>, vector<16xf32>,
          %get3A_430 = arith.constant 0 : i32
          %get3A_431 = arith.index_cast %get3A_430 : i32 to index
          %get3A_432 = arith.index_cast %add3A_426 : i32 to index
          %get3A_433 = arith.constant 0 : index
          %get3A_434 = tpu.vector_load %arg10[%get3A_431, %get3A_432, %get3A_433] {strides = array<i32>} : memref<3x128x64xf32, #tpu.memory_space<vmem>>, vector<16xf32>,
          %mul3A_435 = arith.mulf %get3A_434, %get3A_429 : vector<16xf32>
          %swap3A = arith.constant 0 : i32
          %swap3A_436 = arith.index_cast %swap3A : i32 to index
          %swap3A_437 = arith.index_cast %add3A_426 : i32 to index
          %swap3A_438 = arith.constant 0 : index
          %swap3A_439 = tpu.vector_load %arg10[%swap3A_436, %swap3A_437, %swap3A_438] {strides = array<i32>} : memref<3x128x64xf32, #tpu.memory_space<vmem>>, vector<16xf32>,
          tpu.vector_store %arg10[%swap3A_436, %swap3A_437, %swap3A_438], %mul3A_435 {strides = array<i32>} : memref<3x128x64xf32, #tpu.memory_space<vmem>>, vector<16xf32>,
          %get3A_440 = arith.constant 0 : i32
          %get3A_441 = arith.index_cast %get3A_440 : i32 to index
          %get3A_442 = arith.index_cast %add3A_426 : i32 to index
          %get3A_443 = arith.constant 16 : index
          %get3A_444 = tpu.vector_load %arg10[%get3A_441, %get3A_442, %get3A_443] {strides = array<i32>} : memref<3x128x64xf32, #tpu.memory_space<vmem>>, vector<16xf32>,
          %mul3A_445 = arith.mulf %get3A_444, %get3A_429 : vector<16xf32>
          %swap3A_446 = arith.constant 0 : i32
          %swap3A_447 = arith.index_cast %swap3A_446 : i32 to index
          %swap3A_448 = arith.index_cast %add3A_426 : i32 to index
          %swap3A_449 = arith.constant 16 : index
          %swap3A_450 = tpu.vector_load %arg10[%swap3A_447, %swap3A_448, %swap3A_449] {strides = array<i32>} : memref<3x128x64xf32, #tpu.memory_space<vmem>>, vector<16xf32>,
          tpu.vector_store %arg10[%swap3A_447, %swap3A_448, %swap3A_449], %mul3A_445 {strides = array<i32>} : memref<3x128x64xf32, #tpu.memory_space<vmem>>, vector<16xf32>,
          %get3A_451 = arith.constant 0 : i32
          %get3A_452 = arith.index_cast %get3A_451 : i32 to index
          %get3A_453 = arith.index_cast %add3A_426 : i32 to index
          %get3A_454 = arith.constant 32 : index
          %get3A_455 = tpu.vector_load %arg10[%get3A_452, %get3A_453, %get3A_454] {strides = array<i32>} : memref<3x128x64xf32, #tpu.memory_space<vmem>>, vector<16xf32>,
          %mul3A_456 = arith.mulf %get3A_455, %get3A_429 : vector<16xf32>
          %swap3A_457 = arith.constant 0 : i32
          %swap3A_458 = arith.index_cast %swap3A_457 : i32 to index
          %swap3A_459 = arith.index_cast %add3A_426 : i32 to index
          %swap3A_460 = arith.constant 32 : index
          %swap3A_461 = tpu.vector_load %arg10[%swap3A_458, %swap3A_459, %swap3A_460] {strides = array<i32>} : memref<3x128x64xf32, #tpu.memory_space<vmem>>, vector<16xf32>,
          tpu.vector_store %arg10[%swap3A_458, %swap3A_459, %swap3A_460], %mul3A_456 {strides = array<i32>} : memref<3x128x64xf32, #tpu.memory_space<vmem>>, vector<16xf32>,
          %get3A_462 = arith.constant 0 : i32
          %get3A_463 = arith.index_cast %get3A_462 : i32 to index
          %get3A_464 = arith.index_cast %add3A_426 : i32 to index
          %get3A_465 = arith.constant 48 : index
          %get3A_466 = tpu.vector_load %arg10[%get3A_463, %get3A_464, %get3A_465] {strides = array<i32>} : memref<3x128x64xf32, #tpu.memory_space<vmem>>, vector<16xf32>,
          %mul3A_467 = arith.mulf %get3A_466, %get3A_429 : vector<16xf32>
          %swap3A_468 = arith.constant 0 : i32
          %swap3A_469 = arith.index_cast %swap3A_468 : i32 to index
          %swap3A_470 = arith.index_cast %add3A_426 : i32 to index
          %swap3A_471 = arith.constant 48 : index
          %swap3A_472 = tpu.vector_load %arg10[%swap3A_469, %swap3A_470, %swap3A_471] {strides = array<i32>} : memref<3x128x64xf32, #tpu.memory_space<vmem>>, vector<16xf32>,
          tpu.vector_store %arg10[%swap3A_469, %swap3A_470, %swap3A_471], %mul3A_467 {strides = array<i32>} : memref<3x128x64xf32, #tpu.memory_space<vmem>>, vector<16xf32>,
        }
        %scan3A_339 = arith.constant 128 : i32
        %add3A_340 = arith.addi %mul3A_0, %add3A_291 : i32
        %dma_start3A_341 = arith.constant 0 : i32
        %dma_start3A_342 = arith.constant 0 : i32
        %dma_start3A_343 = arith.constant 0 : i32
        %dma_start3A_344 = tpu.memref_slice %arg10[%dma_start3A_341, %dma_start3A_342, %dma_start3A_343] : memref<3x128x64xf32, #tpu.memory_space<vmem>> -> memref<1x128x64xf32, #tpu.memory_space<vmem>>
        %dma_start3A_345 = tpu.memref_squeeze %dma_start3A_344 : memref<1x128x64xf32, #tpu.memory_space<vmem>> -> memref<128x64xf32, #tpu.memory_space<vmem>>
        %dma_start3A_346 = arith.constant 0 : i32
        %dma_start3A_347 = arith.constant 0 : i32
        %dma_start3A_348 = tpu.memref_slice %dma_start3A_345[%dma_start3A_346, %dma_start3A_347] : memref<128x64xf32, #tpu.memory_space<vmem>> -> memref<128x64xf32, #tpu.memory_space<vmem>>
        %dma_start3A_349 = arith.constant 0 : i32
        %dma_start3A_350 = tpu.memref_slice %arg7[%arg0, %add3A_340, %dma_start3A_349] : memref<2x10000x64xf32, #tpu.memory_space<hbm>> -> memref<1x128x64xf32, #tpu.memory_space<hbm>>
        %dma_start3A_351 = tpu.memref_squeeze %dma_start3A_350 : memref<1x128x64xf32, #tpu.memory_space<hbm>> -> memref<128x64xf32, #tpu.memory_space<hbm>>
        %dma_start3A_352 = arith.constant 0 : i32
        %dma_start3A_353 = tpu.memref_slice %arg7[%arg0, %add3A_340, %dma_start3A_352] : memref<2x10000x64xf32, #tpu.memory_space<hbm>> -> memref<1x128x64xf32, #tpu.memory_space<hbm>>
        %dma_start3A_354 = tpu.memref_squeeze %dma_start3A_353 : memref<1x128x64xf32, #tpu.memory_space<hbm>> -> memref<128x64xf32, #tpu.memory_space<hbm>>
        %dma_start3A_355 = arith.constant 0 : i32
        %dma_start3A_356 = arith.constant 0 : i32
        %dma_start3A_357 = tpu.memref_slice %arg10[%dma_start3A_341, %dma_start3A_355, %dma_start3A_356] : memref<3x128x64xf32, #tpu.memory_space<vmem>> -> memref<1x128x64xf32, #tpu.memory_space<vmem>>
        %dma_start3A_358 = tpu.memref_squeeze %dma_start3A_357 : memref<1x128x64xf32, #tpu.memory_space<vmem>> -> memref<128x64xf32, #tpu.memory_space<vmem>>
        %dma_start3A_359 = arith.constant 0 : i32
        %dma_start3A_360 = arith.constant 0 : i32
        %dma_start3A_361 = tpu.memref_slice %dma_start3A_358[%dma_start3A_359, %dma_start3A_360] : memref<128x64xf32, #tpu.memory_space<vmem>> -> memref<128x64xf32, #tpu.memory_space<vmem>>
        tpu.enqueue_dma source(%dma_start3A_361 : memref<128x64xf32, #tpu.memory_space<vmem>>) target(%dma_start3A_354 : memref<128x64xf32, #tpu.memory_space<hbm>>) target_semaphore(%arg14 : memref<!tpu.dma_semaphore, #tpu.memory_space<semaphore_mem>>)
        %dma_wait3A_362 = arith.constant 0 : i32
        %dma_wait3A_363 = arith.constant 0 : i32
        %dma_wait3A_364 = arith.constant 0 : i32
        %dma_wait3A_365 = tpu.memref_slice %arg10[%dma_wait3A_362, %dma_wait3A_363, %dma_wait3A_364] : memref<3x128x64xf32, #tpu.memory_space<vmem>> -> memref<1x128x64xf32, #tpu.memory_space<vmem>>
        %dma_wait3A_366 = tpu.memref_squeeze %dma_wait3A_365 : memref<1x128x64xf32, #tpu.memory_space<vmem>> -> memref<128x64xf32, #tpu.memory_space<vmem>>
        %dma_wait3A_367 = arith.constant 0 : i32
        %dma_wait3A_368 = arith.constant 0 : i32
        %dma_wait3A_369 = tpu.memref_slice %dma_wait3A_366[%dma_wait3A_367, %dma_wait3A_368] : memref<128x64xf32, #tpu.memory_space<vmem>> -> memref<128x64xf32, #tpu.memory_space<vmem>>
        %dma_wait3A_370 = arith.constant 0 : i32
        %dma_wait3A_371 = tpu.memref_slice %arg7[%arg0, %add3A_340, %dma_wait3A_370] : memref<2x10000x64xf32, #tpu.memory_space<hbm>> -> memref<1x128x64xf32, #tpu.memory_space<hbm>>
        %dma_wait3A_372 = tpu.memref_squeeze %dma_wait3A_371 : memref<1x128x64xf32, #tpu.memory_space<hbm>> -> memref<128x64xf32, #tpu.memory_space<hbm>>
        %dma_wait3A_373 = arith.constant 0 : i32
        %dma_wait3A_374 = tpu.memref_slice %arg7[%arg0, %add3A_340, %dma_wait3A_373] : memref<2x10000x64xf32, #tpu.memory_space<hbm>> -> memref<1x128x64xf32, #tpu.memory_space<hbm>>
        %dma_wait3A_375 = tpu.memref_squeeze %dma_wait3A_374 : memref<1x128x64xf32, #tpu.memory_space<hbm>> -> memref<128x64xf32, #tpu.memory_space<hbm>>
        %dma_wait3A_376 = arith.constant 0 : i32
        %dma_wait3A_377 = arith.constant 0 : i32
        %dma_wait3A_378 = tpu.memref_slice %arg10[%dma_wait3A_362, %dma_wait3A_376, %dma_wait3A_377] : memref<3x128x64xf32, #tpu.memory_space<vmem>> -> memref<1x128x64xf32, #tpu.memory_space<vmem>>
        %dma_wait3A_379 = tpu.memref_squeeze %dma_wait3A_378 : memref<1x128x64xf32, #tpu.memory_space<vmem>> -> memref<128x64xf32, #tpu.memory_space<vmem>>
        %dma_wait3A_380 = arith.constant 0 : i32
        %dma_wait3A_381 = arith.constant 0 : i32
        %dma_wait3A_382 = tpu.memref_slice %dma_wait3A_379[%dma_wait3A_380, %dma_wait3A_381] : memref<128x64xf32, #tpu.memory_space<vmem>> -> memref<128x64xf32, #tpu.memory_space<vmem>>
        tpu.wait_dma2 semaphore(%arg14 : memref<!tpu.dma_semaphore, #tpu.memory_space<semaphore_mem>>) src(%dma_wait3A_382 : memref<128x64xf32, #tpu.memory_space<vmem>>) dst(%dma_wait3A_375 : memref<128x64xf32, #tpu.memory_space<hbm>>)
        %add3A_383 = arith.addi %mul3A_0, %add3A_291 : i32
        %dma_start3A_384 = arith.constant 0 : i32
        %dma_start3A_385 = arith.constant 0 : i32
        %dma_start3A_386 = arith.constant 0 : i32
        %dma_start3A_387 = tpu.memref_slice %arg10[%dma_start3A_384, %dma_start3A_385, %dma_start3A_386] : memref<3x128x64xf32, #tpu.memory_space<vmem>> -> memref<1x128x64xf32, #tpu.memory_space<vmem>>
        %dma_start3A_388 = tpu.memref_squeeze %dma_start3A_387 : memref<1x128x64xf32, #tpu.memory_space<vmem>> -> memref<128x64xf32, #tpu.memory_space<vmem>>
        %dma_start3A_389 = arith.constant 0 : i32
        %dma_start3A_390 = arith.constant 0 : i32
        %dma_start3A_391 = tpu.memref_slice %dma_start3A_388[%dma_start3A_389, %dma_start3A_390] : memref<128x64xf32, #tpu.memory_space<vmem>> -> memref<128x64xf32, #tpu.memory_space<vmem>>
        %dma_start3A_392 = arith.constant 0 : i32
        %dma_start3A_393 = tpu.memref_slice %arg13[%add3A_383, %dma_start3A_392] : memref<10240x64xf32, #tpu.memory_space<vmem_shared>> -> memref<128x64xf32, #tpu.memory_space<vmem_shared>>
        %dma_start3A_394 = arith.constant 0 : i32
        %dma_start3A_395 = tpu.memref_slice %arg13[%add3A_383, %dma_start3A_394] : memref<10240x64xf32, #tpu.memory_space<vmem_shared>> -> memref<128x64xf32, #tpu.memory_space<vmem_shared>>
        %dma_start3A_396 = arith.constant 0 : i32
        %dma_start3A_397 = arith.constant 0 : i32
        %dma_start3A_398 = tpu.memref_slice %arg10[%dma_start3A_384, %dma_start3A_396, %dma_start3A_397] : memref<3x128x64xf32, #tpu.memory_space<vmem>> -> memref<1x128x64xf32, #tpu.memory_space<vmem>>
        %dma_start3A_399 = tpu.memref_squeeze %dma_start3A_398 : memref<1x128x64xf32, #tpu.memory_space<vmem>> -> memref<128x64xf32, #tpu.memory_space<vmem>>
        %dma_start3A_400 = arith.constant 0 : i32
        %dma_start3A_401 = arith.constant 0 : i32
        %dma_start3A_402 = tpu.memref_slice %dma_start3A_399[%dma_start3A_400, %dma_start3A_401] : memref<128x64xf32, #tpu.memory_space<vmem>> -> memref<128x64xf32, #tpu.memory_space<vmem>>
        tpu.enqueue_dma source(%dma_start3A_402 : memref<128x64xf32, #tpu.memory_space<vmem>>) target(%dma_start3A_395 : memref<128x64xf32, #tpu.memory_space<vmem_shared>>) target_semaphore(%arg14 : memref<!tpu.dma_semaphore, #tpu.memory_space<semaphore_mem>>)
        %dma_wait3A_403 = arith.constant 0 : i32
        %dma_wait3A_404 = arith.constant 0 : i32
        %dma_wait3A_405 = arith.constant 0 : i32
        %dma_wait3A_406 = tpu.memref_slice %arg10[%dma_wait3A_403, %dma_wait3A_404, %dma_wait3A_405] : memref<3x128x64xf32, #tpu.memory_space<vmem>> -> memref<1x128x64xf32, #tpu.memory_space<vmem>>
        %dma_wait3A_407 = tpu.memref_squeeze %dma_wait3A_406 : memref<1x128x64xf32, #tpu.memory_space<vmem>> -> memref<128x64xf32, #tpu.memory_space<vmem>>
        %dma_wait3A_408 = arith.constant 0 : i32
        %dma_wait3A_409 = arith.constant 0 : i32
        %dma_wait3A_410 = tpu.memref_slice %dma_wait3A_407[%dma_wait3A_408, %dma_wait3A_409] : memref<128x64xf32, #tpu.memory_space<vmem>> -> memref<128x64xf32, #tpu.memory_space<vmem>>
        %dma_wait3A_411 = arith.constant 0 : i32
        %dma_wait3A_412 = tpu.memref_slice %arg13[%add3A_383, %dma_wait3A_411] : memref<10240x64xf32, #tpu.memory_space<vmem_shared>> -> memref<128x64xf32, #tpu.memory_space<vmem_shared>>
        %dma_wait3A_413 = arith.constant 0 : i32
        %dma_wait3A_414 = tpu.memref_slice %arg13[%add3A_383, %dma_wait3A_413] : memref<10240x64xf32, #tpu.memory_space<vmem_shared>> -> memref<128x64xf32, #tpu.memory_space<vmem_shared>>
        %dma_wait3A_415 = arith.constant 0 : i32
        %dma_wait3A_416 = arith.constant 0 : i32
        %dma_wait3A_417 = tpu.memref_slice %arg10[%dma_wait3A_403, %dma_wait3A_415, %dma_wait3A_416] : memref<3x128x64xf32, #tpu.memory_space<vmem>> -> memref<1x128x64xf32, #tpu.memory_space<vmem>>
        %dma_wait3A_418 = tpu.memref_squeeze %dma_wait3A_417 : memref<1x128x64xf32, #tpu.memory_space<vmem>> -> memref<128x64xf32, #tpu.memory_space<vmem>>
        %dma_wait3A_419 = arith.constant 0 : i32
        %dma_wait3A_420 = arith.constant 0 : i32
        %dma_wait3A_421 = tpu.memref_slice %dma_wait3A_418[%dma_wait3A_419, %dma_wait3A_420] : memref<128x64xf32, #tpu.memory_space<vmem>> -> memref<128x64xf32, #tpu.memory_space<vmem>>
        tpu.wait_dma2 semaphore(%arg14 : memref<!tpu.dma_semaphore, #tpu.memory_space<semaphore_mem>>) src(%dma_wait3A_421 : memref<128x64xf32, #tpu.memory_space<vmem>>) dst(%dma_wait3A_414 : memref<128x64xf32, #tpu.memory_space<vmem_shared>>)
      }
      %scan3A_286 = arith.constant 5 : i32
    } else {
    }
    %mul3A_20 = arith.constant 2 : i32
    %mul3A_21 = arith.muli %mul3A_20, %arg1 : i32
    %dma_start3A = arith.constant 0 : i32
    %dma_start3A_22 = arith.constant 0 : i32
    %dma_start3A_23 = arith.constant 0 : i32
    %dma_start3A_24 = tpu.memref_slice %arg8[%dma_start3A_22, %dma_start3A_23] : memref<162x128xi32, #tpu.memory_space<vmem>> -> memref<81x128xi32, #tpu.memory_space<vmem>>
    %dma_start3A_25 = arith.constant 0 : i32
    %dma_start3A_26 = arith.constant 0 : i32
    %dma_start3A_27 = tpu.memref_slice %arg3[%dma_start3A, %mul3A_21, %dma_start3A_25, %dma_start3A_26] : memref<2x32x81x128xi32, #tpu.memory_space<hbm>> -> memref<1x1x81x128xi32, #tpu.memory_space<hbm>>
    %dma_start3A_28 = tpu.memref_squeeze %dma_start3A_27 : memref<1x1x81x128xi32, #tpu.memory_space<hbm>> -> memref<81x128xi32, #tpu.memory_space<hbm>>
    %dma_start3A_29 = arith.constant 0 : i32
    %dma_start3A_30 = arith.constant 0 : i32
    %dma_start3A_31 = tpu.memref_slice %arg8[%dma_start3A_29, %dma_start3A_30] : memref<162x128xi32, #tpu.memory_space<vmem>> -> memref<81x128xi32, #tpu.memory_space<vmem>>
    %dma_start3A_32 = arith.constant 0 : i32
    %dma_start3A_33 = arith.constant 0 : i32
    %dma_start3A_34 = tpu.memref_slice %arg3[%dma_start3A, %mul3A_21, %dma_start3A_32, %dma_start3A_33] : memref<2x32x81x128xi32, #tpu.memory_space<hbm>> -> memref<1x1x81x128xi32, #tpu.memory_space<hbm>>
    %dma_start3A_35 = tpu.memref_squeeze %dma_start3A_34 : memref<1x1x81x128xi32, #tpu.memory_space<hbm>> -> memref<81x128xi32, #tpu.memory_space<hbm>>
    tpu.enqueue_dma source(%dma_start3A_35 : memref<81x128xi32, #tpu.memory_space<hbm>>) target(%dma_start3A_31 : memref<81x128xi32, #tpu.memory_space<vmem>>) target_semaphore(%arg14 : memref<!tpu.dma_semaphore, #tpu.memory_space<semaphore_mem>>)
    %dma_wait3A = arith.constant 0 : i32
    %dma_wait3A_36 = arith.constant 0 : i32
    %dma_wait3A_37 = arith.constant 0 : i32
    %dma_wait3A_38 = tpu.memref_slice %arg8[%dma_wait3A_36, %dma_wait3A_37] : memref<162x128xi32, #tpu.memory_space<vmem>> -> memref<81x128xi32, #tpu.memory_space<vmem>>
    %dma_wait3A_39 = arith.constant 0 : i32
    %dma_wait3A_40 = arith.constant 0 : i32
    %dma_wait3A_41 = tpu.memref_slice %arg3[%dma_wait3A, %mul3A_21, %dma_wait3A_39, %dma_wait3A_40] : memref<2x32x81x128xi32, #tpu.memory_space<hbm>> -> memref<1x1x81x128xi32, #tpu.memory_space<hbm>>
    %dma_wait3A_42 = tpu.memref_squeeze %dma_wait3A_41 : memref<1x1x81x128xi32, #tpu.memory_space<hbm>> -> memref<81x128xi32, #tpu.memory_space<hbm>>
    %dma_wait3A_43 = arith.constant 0 : i32
    %dma_wait3A_44 = arith.constant 0 : i32
    %dma_wait3A_45 = tpu.memref_slice %arg8[%dma_wait3A_43, %dma_wait3A_44] : memref<162x128xi32, #tpu.memory_space<vmem>> -> memref<81x128xi32, #tpu.memory_space<vmem>>
    %dma_wait3A_46 = arith.constant 0 : i32
    %dma_wait3A_47 = arith.constant 0 : i32
    %dma_wait3A_48 = tpu.memref_slice %arg3[%dma_wait3A, %mul3A_21, %dma_wait3A_46, %dma_wait3A_47] : memref<2x32x81x128xi32, #tpu.memory_space<hbm>> -> memref<1x1x81x128xi32, #tpu.memory_space<hbm>>
    %dma_wait3A_49 = tpu.memref_squeeze %dma_wait3A_48 : memref<1x1x81x128xi32, #tpu.memory_space<hbm>> -> memref<81x128xi32, #tpu.memory_space<hbm>>
    tpu.wait_dma2 semaphore(%arg14 : memref<!tpu.dma_semaphore, #tpu.memory_space<semaphore_mem>>) src(%dma_wait3A_49 : memref<81x128xi32, #tpu.memory_space<hbm>>) dst(%dma_wait3A_45 : memref<81x128xi32, #tpu.memory_space<vmem>>)
    %mul3A_50 = arith.constant 2 : i32
    %mul3A_51 = arith.muli %mul3A_50, %arg1 : i32
    %add3A = arith.constant 1 : i32
    %add3A_52 = arith.addi %mul3A_51, %add3A : i32
    %dma_start3A_53 = arith.constant 0 : i32
    %dma_start3A_54 = arith.constant 81 : i32
    %dma_start3A_55 = arith.constant 0 : i32
    %dma_start3A_56 = tpu.memref_slice %arg8[%dma_start3A_54, %dma_start3A_55] : memref<162x128xi32, #tpu.memory_space<vmem>> -> memref<81x128xi32, #tpu.memory_space<vmem>>
    %dma_start3A_57 = arith.constant 0 : i32
    %dma_start3A_58 = arith.constant 0 : i32
    %dma_start3A_59 = tpu.memref_slice %arg3[%dma_start3A_53, %add3A_52, %dma_start3A_57, %dma_start3A_58] : memref<2x32x81x128xi32, #tpu.memory_space<hbm>> -> memref<1x1x81x128xi32, #tpu.memory_space<hbm>>
    %dma_start3A_60 = tpu.memref_squeeze %dma_start3A_59 : memref<1x1x81x128xi32, #tpu.memory_space<hbm>> -> memref<81x128xi32, #tpu.memory_space<hbm>>
    %dma_start3A_61 = arith.constant 81 : i32
    %dma_start3A_62 = arith.constant 0 : i32
    %dma_start3A_63 = tpu.memref_slice %arg8[%dma_start3A_61, %dma_start3A_62] : memref<162x128xi32, #tpu.memory_space<vmem>> -> memref<81x128xi32, #tpu.memory_space<vmem>>
    %dma_start3A_64 = arith.constant 0 : i32
    %dma_start3A_65 = arith.constant 0 : i32
    %dma_start3A_66 = tpu.memref_slice %arg3[%dma_start3A_53, %add3A_52, %dma_start3A_64, %dma_start3A_65] : memref<2x32x81x128xi32, #tpu.memory_space<hbm>> -> memref<1x1x81x128xi32, #tpu.memory_space<hbm>>
    %dma_start3A_67 = tpu.memref_squeeze %dma_start3A_66 : memref<1x1x81x128xi32, #tpu.memory_space<hbm>> -> memref<81x128xi32, #tpu.memory_space<hbm>>
    tpu.enqueue_dma source(%dma_start3A_67 : memref<81x128xi32, #tpu.memory_space<hbm>>) target(%dma_start3A_63 : memref<81x128xi32, #tpu.memory_space<vmem>>) target_semaphore(%arg14 : memref<!tpu.dma_semaphore, #tpu.memory_space<semaphore_mem>>)
    %dma_wait3A_68 = arith.constant 0 : i32
    %dma_wait3A_69 = arith.constant 81 : i32
    %dma_wait3A_70 = arith.constant 0 : i32
    %dma_wait3A_71 = tpu.memref_slice %arg8[%dma_wait3A_69, %dma_wait3A_70] : memref<162x128xi32, #tpu.memory_space<vmem>> -> memref<81x128xi32, #tpu.memory_space<vmem>>
    %dma_wait3A_72 = arith.constant 0 : i32
    %dma_wait3A_73 = arith.constant 0 : i32
    %dma_wait3A_74 = tpu.memref_slice %arg3[%dma_wait3A_68, %add3A_52, %dma_wait3A_72, %dma_wait3A_73] : memref<2x32x81x128xi32, #tpu.memory_space<hbm>> -> memref<1x1x81x128xi32, #tpu.memory_space<hbm>>
    %dma_wait3A_75 = tpu.memref_squeeze %dma_wait3A_74 : memref<1x1x81x128xi32, #tpu.memory_space<hbm>> -> memref<81x128xi32, #tpu.memory_space<hbm>>
    %dma_wait3A_76 = arith.constant 81 : i32
    %dma_wait3A_77 = arith.constant 0 : i32
    %dma_wait3A_78 = tpu.memref_slice %arg8[%dma_wait3A_76, %dma_wait3A_77] : memref<162x128xi32, #tpu.memory_space<vmem>> -> memref<81x128xi32, #tpu.memory_space<vmem>>
    %dma_wait3A_79 = arith.constant 0 : i32
    %dma_wait3A_80 = arith.constant 0 : i32
    %dma_wait3A_81 = tpu.memref_slice %arg3[%dma_wait3A_68, %add3A_52, %dma_wait3A_79, %dma_wait3A_80] : memref<2x32x81x128xi32, #tpu.memory_space<hbm>> -> memref<1x1x81x128xi32, #tpu.memory_space<hbm>>
    %dma_wait3A_82 = tpu.memref_squeeze %dma_wait3A_81 : memref<1x1x81x128xi32, #tpu.memory_space<hbm>> -> memref<81x128xi32, #tpu.memory_space<hbm>>
    tpu.wait_dma2 semaphore(%arg14 : memref<!tpu.dma_semaphore, #tpu.memory_space<semaphore_mem>>) src(%dma_wait3A_82 : memref<81x128xi32, #tpu.memory_space<hbm>>) dst(%dma_wait3A_78 : memref<81x128xi32, #tpu.memory_space<vmem>>)
    %mul3A_83 = arith.constant 2 : i32
    %mul3A_84 = arith.muli %mul3A_83, %arg1 : i32
    %dma_start3A_85 = arith.constant 1 : i32
    %dma_start3A_86 = arith.constant 0 : i32
    %dma_start3A_87 = arith.constant 0 : i32
    %dma_start3A_88 = tpu.memref_slice %arg9[%dma_start3A_86, %dma_start3A_87] : memref<162x128xi32, #tpu.memory_space<vmem>> -> memref<81x128xi32, #tpu.memory_space<vmem>>
    %dma_start3A_89 = arith.constant 0 : i32
    %dma_start3A_90 = arith.constant 0 : i32
    %dma_start3A_91 = tpu.memref_slice %arg3[%dma_start3A_85, %mul3A_84, %dma_start3A_89, %dma_start3A_90] : memref<2x32x81x128xi32, #tpu.memory_space<hbm>> -> memref<1x1x81x128xi32, #tpu.memory_space<hbm>>
    %dma_start3A_92 = tpu.memref_squeeze %dma_start3A_91 : memref<1x1x81x128xi32, #tpu.memory_space<hbm>> -> memref<81x128xi32, #tpu.memory_space<hbm>>
    %dma_start3A_93 = arith.constant 0 : i32
    %dma_start3A_94 = arith.constant 0 : i32
    %dma_start3A_95 = tpu.memref_slice %arg9[%dma_start3A_93, %dma_start3A_94] : memref<162x128xi32, #tpu.memory_space<vmem>> -> memref<81x128xi32, #tpu.memory_space<vmem>>
    %dma_start3A_96 = arith.constant 0 : i32
    %dma_start3A_97 = arith.constant 0 : i32
    %dma_start3A_98 = tpu.memref_slice %arg3[%dma_start3A_85, %mul3A_84, %dma_start3A_96, %dma_start3A_97] : memref<2x32x81x128xi32, #tpu.memory_space<hbm>> -> memref<1x1x81x128xi32, #tpu.memory_space<hbm>>
    %dma_start3A_99 = tpu.memref_squeeze %dma_start3A_98 : memref<1x1x81x128xi32, #tpu.memory_space<hbm>> -> memref<81x128xi32, #tpu.memory_space<hbm>>
    tpu.enqueue_dma source(%dma_start3A_99 : memref<81x128xi32, #tpu.memory_space<hbm>>) target(%dma_start3A_95 : memref<81x128xi32, #tpu.memory_space<vmem>>) target_semaphore(%arg14 : memref<!tpu.dma_semaphore, #tpu.memory_space<semaphore_mem>>)
    %dma_wait3A_100 = arith.constant 1 : i32
    %dma_wait3A_101 = arith.constant 0 : i32
    %dma_wait3A_102 = arith.constant 0 : i32
    %dma_wait3A_103 = tpu.memref_slice %arg9[%dma_wait3A_101, %dma_wait3A_102] : memref<162x128xi32, #tpu.memory_space<vmem>> -> memref<81x128xi32, #tpu.memory_space<vmem>>
    %dma_wait3A_104 = arith.constant 0 : i32
    %dma_wait3A_105 = arith.constant 0 : i32
    %dma_wait3A_106 = tpu.memref_slice %arg3[%dma_wait3A_100, %mul3A_84, %dma_wait3A_104, %dma_wait3A_105] : memref<2x32x81x128xi32, #tpu.memory_space<hbm>> -> memref<1x1x81x128xi32, #tpu.memory_space<hbm>>
    %dma_wait3A_107 = tpu.memref_squeeze %dma_wait3A_106 : memref<1x1x81x128xi32, #tpu.memory_space<hbm>> -> memref<81x128xi32, #tpu.memory_space<hbm>>
    %dma_wait3A_108 = arith.constant 0 : i32
    %dma_wait3A_109 = arith.constant 0 : i32
    %dma_wait3A_110 = tpu.memref_slice %arg9[%dma_wait3A_108, %dma_wait3A_109] : memref<162x128xi32, #tpu.memory_space<vmem>> -> memref<81x128xi32, #tpu.memory_space<vmem>>
    %dma_wait3A_111 = arith.constant 0 : i32
    %dma_wait3A_112 = arith.constant 0 : i32
    %dma_wait3A_113 = tpu.memref_slice %arg3[%dma_wait3A_100, %mul3A_84, %dma_wait3A_111, %dma_wait3A_112] : memref<2x32x81x128xi32, #tpu.memory_space<hbm>> -> memref<1x1x81x128xi32, #tpu.memory_space<hbm>>
    %dma_wait3A_114 = tpu.memref_squeeze %dma_wait3A_113 : memref<1x1x81x128xi32, #tpu.memory_space<hbm>> -> memref<81x128xi32, #tpu.memory_space<hbm>>
    tpu.wait_dma2 semaphore(%arg14 : memref<!tpu.dma_semaphore, #tpu.memory_space<semaphore_mem>>) src(%dma_wait3A_114 : memref<81x128xi32, #tpu.memory_space<hbm>>) dst(%dma_wait3A_110 : memref<81x128xi32, #tpu.memory_space<vmem>>)
    %mul3A_115 = arith.constant 2 : i32
    %mul3A_116 = arith.muli %mul3A_115, %arg1 : i32
    %add3A_117 = arith.constant 1 : i32
    %add3A_118 = arith.addi %mul3A_116, %add3A_117 : i32
    %dma_start3A_119 = arith.constant 1 : i32
    %dma_start3A_120 = arith.constant 81 : i32
    %dma_start3A_121 = arith.constant 0 : i32
    %dma_start3A_122 = tpu.memref_slice %arg9[%dma_start3A_120, %dma_start3A_121] : memref<162x128xi32, #tpu.memory_space<vmem>> -> memref<81x128xi32, #tpu.memory_space<vmem>>
    %dma_start3A_123 = arith.constant 0 : i32
    %dma_start3A_124 = arith.constant 0 : i32
    %dma_start3A_125 = tpu.memref_slice %arg3[%dma_start3A_119, %add3A_118, %dma_start3A_123, %dma_start3A_124] : memref<2x32x81x128xi32, #tpu.memory_space<hbm>> -> memref<1x1x81x128xi32, #tpu.memory_space<hbm>>
    %dma_start3A_126 = tpu.memref_squeeze %dma_start3A_125 : memref<1x1x81x128xi32, #tpu.memory_space<hbm>> -> memref<81x128xi32, #tpu.memory_space<hbm>>
    %dma_start3A_127 = arith.constant 81 : i32
    %dma_start3A_128 = arith.constant 0 : i32
    %dma_start3A_129 = tpu.memref_slice %arg9[%dma_start3A_127, %dma_start3A_128] : memref<162x128xi32, #tpu.memory_space<vmem>> -> memref<81x128xi32, #tpu.memory_space<vmem>>
    %dma_start3A_130 = arith.constant 0 : i32
    %dma_start3A_131 = arith.constant 0 : i32
    %dma_start3A_132 = tpu.memref_slice %arg3[%dma_start3A_119, %add3A_118, %dma_start3A_130, %dma_start3A_131] : memref<2x32x81x128xi32, #tpu.memory_space<hbm>> -> memref<1x1x81x128xi32, #tpu.memory_space<hbm>>
    %dma_start3A_133 = tpu.memref_squeeze %dma_start3A_132 : memref<1x1x81x128xi32, #tpu.memory_space<hbm>> -> memref<81x128xi32, #tpu.memory_space<hbm>>
    tpu.enqueue_dma source(%dma_start3A_133 : memref<81x128xi32, #tpu.memory_space<hbm>>) target(%dma_start3A_129 : memref<81x128xi32, #tpu.memory_space<vmem>>) target_semaphore(%arg14 : memref<!tpu.dma_semaphore, #tpu.memory_space<semaphore_mem>>)
    %dma_wait3A_134 = arith.constant 1 : i32
    %dma_wait3A_135 = arith.constant 81 : i32
    %dma_wait3A_136 = arith.constant 0 : i32
    %dma_wait3A_137 = tpu.memref_slice %arg9[%dma_wait3A_135, %dma_wait3A_136] : memref<162x128xi32, #tpu.memory_space<vmem>> -> memref<81x128xi32, #tpu.memory_space<vmem>>
    %dma_wait3A_138 = arith.constant 0 : i32
    %dma_wait3A_139 = arith.constant 0 : i32
    %dma_wait3A_140 = tpu.memref_slice %arg3[%dma_wait3A_134, %add3A_118, %dma_wait3A_138, %dma_wait3A_139] : memref<2x32x81x128xi32, #tpu.memory_space<hbm>> -> memref<1x1x81x128xi32, #tpu.memory_space<hbm>>
    %dma_wait3A_141 = tpu.memref_squeeze %dma_wait3A_140 : memref<1x1x81x128xi32, #tpu.memory_space<hbm>> -> memref<81x128xi32, #tpu.memory_space<hbm>>
    %dma_wait3A_142 = arith.constant 81 : i32
    %dma_wait3A_143 = arith.constant 0 : i32
    %dma_wait3A_144 = tpu.memref_slice %arg9[%dma_wait3A_142, %dma_wait3A_143] : memref<162x128xi32, #tpu.memory_space<vmem>> -> memref<81x128xi32, #tpu.memory_space<vmem>>
    %dma_wait3A_145 = arith.constant 0 : i32
    %dma_wait3A_146 = arith.constant 0 : i32
    %dma_wait3A_147 = tpu.memref_slice %arg3[%dma_wait3A_134, %add3A_118, %dma_wait3A_145, %dma_wait3A_146] : memref<2x32x81x128xi32, #tpu.memory_space<hbm>> -> memref<1x1x81x128xi32, #tpu.memory_space<hbm>>
    %dma_wait3A_148 = tpu.memref_squeeze %dma_wait3A_147 : memref<1x1x81x128xi32, #tpu.memory_space<hbm>> -> memref<81x128xi32, #tpu.memory_space<hbm>>
    tpu.wait_dma2 semaphore(%arg14 : memref<!tpu.dma_semaphore, #tpu.memory_space<semaphore_mem>>) src(%dma_wait3A_148 : memref<81x128xi32, #tpu.memory_space<hbm>>) dst(%dma_wait3A_144 : memref<81x128xi32, #tpu.memory_space<vmem>>)
    %iota3A = tpu.iota {dimensions = array<i32: 0>} : vector<16xi32>
    %scan3A_149 = arith.constant 0 : i32
    %scan3A_150 = arith.constant 162 : i32
    %scan3A_151 = arith.addi %scan3A_149, %scan3A_150 : i32
    %scan3A_152 = arith.constant 1 : i32
    scf.for %scan3A_282 = %scan3A_149 to %scan3A_151 step %scan3A_152  : i32 {
      %mul3A_283 = arith.constant 1 : i32
      %mul3A_284 = arith.muli %scan3A_282, %mul3A_283 : i32
      %add3A_285 = arith.constant 0 : i32
      %add3A_286 = arith.addi %add3A_285, %mul3A_284 : i32
      %scan3A_287 = arith.constant 0 : i32
      %scan3A_288 = arith.constant 8 : i32
      %scan3A_289 = arith.addi %scan3A_287, %scan3A_288 : i32
      %scan3A_290 = arith.constant 1 : i32
      scf.for %scan3A_292 = %scan3A_287 to %scan3A_289 step %scan3A_290  : i32 {
        %mul3A_293 = arith.constant 1 : i32
        %mul3A_294 = arith.muli %scan3A_292, %mul3A_293 : i32
        %add3A_295 = arith.constant 0 : i32
        %add3A_296 = arith.addi %add3A_295, %mul3A_294 : i32
        %mul3A_297 = arith.constant 16 : i32
        %mul3A_298 = arith.muli %add3A_296, %mul3A_297 : i32
        %add3A_299 = vector.broadcast %mul3A_298 : i32 to vector<16xi32>
        %add3A_300 = arith.addi %add3A_299, %iota3A : vector<16xi32>
        %and3A = arith.constant 127 : i32
        %and3A_301 = vector.broadcast %and3A : i32 to vector<16xi32>
        %and3A_302 = arith.andi %add3A_300, %and3A_301 : vector<16xi32>
        %add3A_303 = arith.constant 10000 : i32
        %add3A_304 = vector.broadcast %add3A_303 : i32 to vector<16xi32>
        %add3A_305 = arith.addi %add3A_304, %and3A_302 : vector<16xi32>
        %mul3A_306 = arith.constant 16 : i32
        %mul3A_307 = arith.muli %add3A_296, %mul3A_306 : i32
        %get3A = arith.index_cast %add3A_286 : i32 to index
        %get3A_308 = arith.index_cast %mul3A_307 : i32 to index
        %get3A_309 = tpu.vector_load %arg8[%get3A, %get3A_308] {strides = array<i32>} : memref<162x128xi32, #tpu.memory_space<vmem>>, vector<16xi32>,
        %mul3A_310 = arith.constant 16 : i32
        %mul3A_311 = arith.muli %add3A_296, %mul3A_310 : i32
        %get3A_312 = arith.index_cast %add3A_286 : i32 to index
        %get3A_313 = arith.index_cast %mul3A_311 : i32 to index
        %get3A_314 = tpu.vector_load %arg9[%get3A_312, %get3A_313] {strides = array<i32>} : memref<162x128xi32, #tpu.memory_space<vmem>>, vector<16xi32>,
        %eq3A_315 = arith.cmpi eq, %get3A_309, %get3A_314 : vector<16xi32>
        %select_n3A_316 = arith.select %eq3A_315, %add3A_305, %get3A_314 : vector<16xi1>, vector<16xi32>
        %mul3A_317 = arith.constant 16 : i32
        %mul3A_318 = arith.muli %add3A_296, %mul3A_317 : i32
        %swap3A = arith.index_cast %add3A_286 : i32 to index
        %swap3A_319 = arith.index_cast %mul3A_318 : i32 to index
        %swap3A_320 = tpu.vector_load %arg9[%swap3A, %swap3A_319] {strides = array<i32>} : memref<162x128xi32, #tpu.memory_space<vmem>>, vector<16xi32>,
        tpu.vector_store %arg9[%swap3A, %swap3A_319], %select_n3A_316 {strides = array<i32>} : memref<162x128xi32, #tpu.memory_space<vmem>>, vector<16xi32>,
      }
      %scan3A_291 = arith.constant 8 : i32
    }
    %scan3A_153 = arith.constant 162 : i32
    %barrier3A = arith.constant 0 : index
    tpu.barrier barrier_id(%barrier3A)
    %dma_start3A_154 = arith.constant 0 : i32
    %dma_start3A_155 = arith.constant 0 : i32
    %dma_start3A_156 = arith.constant 0 : i32
    %dma_start3A_157 = arith.constant 0 : i32
    %dma_start3A_158 = tpu.memref_slice %arg10[%dma_start3A_155, %dma_start3A_156, %dma_start3A_157] : memref<3x128x64xf32, #tpu.memory_space<vmem>> -> memref<1x128x64xf32, #tpu.memory_space<vmem>>
    %dma_start3A_159 = tpu.memref_squeeze %dma_start3A_158 : memref<1x128x64xf32, #tpu.memory_space<vmem>> -> memref<128x64xf32, #tpu.memory_space<vmem>>
    %dma_start3A_160 = arith.constant 0 : i32
    %dma_start3A_161 = tpu.memref_slice %arg8[%dma_start3A_154, %dma_start3A_160] : memref<162x128xi32, #tpu.memory_space<vmem>> -> memref<1x128xi32, #tpu.memory_space<vmem>>
    %dma_start3A_162 = tpu.memref_squeeze %dma_start3A_161 : memref<1x128xi32, #tpu.memory_space<vmem>> -> memref<128xi32, #tpu.memory_space<vmem>>
    %dma_start3A_163 = arith.constant 0 : i32
    %dma_start3A_164 = arith.constant 0 : i32
    %dma_start3A_165 = tpu.memref_slice %arg7[%arg0, %dma_start3A_163, %dma_start3A_164] : memref<2x10000x64xf32, #tpu.memory_space<hbm>> -> memref<1x10000x64xf32, #tpu.memory_space<hbm>>
    %dma_start3A_166 = tpu.memref_squeeze %dma_start3A_165 : memref<1x10000x64xf32, #tpu.memory_space<hbm>> -> memref<10000x64xf32, #tpu.memory_space<hbm>>
    %dma_start3A_167 = arith.constant 0 : i32
    %dma_start3A_168 = arith.constant 0 : i32
    %dma_start3A_169 = tpu.memref_slice %dma_start3A_166[%dma_start3A_167, %dma_start3A_168] : memref<10000x64xf32, #tpu.memory_space<hbm>> -> memref<10000x64xf32, #tpu.memory_space<hbm>>
    tpu.enqueue_indirect_dma source(%dma_start3A_169 : memref<10000x64xf32, #tpu.memory_space<hbm>>) target(%dma_start3A_159 : memref<128x64xf32, #tpu.memory_space<vmem>>) offsets(%dma_start3A_162 : memref<128xi32, #tpu.memory_space<vmem>>) semaphore(%arg15 : memref<!tpu.dma_semaphore, #tpu.memory_space<semaphore_mem>>)
    %dma_start3A_170 = arith.constant 1 : i32
    %dma_start3A_171 = arith.constant 1 : i32
    %dma_start3A_172 = arith.constant 0 : i32
    %dma_start3A_173 = arith.constant 0 : i32
    %dma_start3A_174 = tpu.memref_slice %arg10[%dma_start3A_171, %dma_start3A_172, %dma_start3A_173] : memref<3x128x64xf32, #tpu.memory_space<vmem>> -> memref<1x128x64xf32, #tpu.memory_space<vmem>>
    %dma_start3A_175 = tpu.memref_squeeze %dma_start3A_174 : memref<1x128x64xf32, #tpu.memory_space<vmem>> -> memref<128x64xf32, #tpu.memory_space<vmem>>
    %dma_start3A_176 = arith.constant 0 : i32
    %dma_start3A_177 = tpu.memref_slice %arg8[%dma_start3A_170, %dma_start3A_176] : memref<162x128xi32, #tpu.memory_space<vmem>> -> memref<1x128xi32, #tpu.memory_space<vmem>>
    %dma_start3A_178 = tpu.memref_squeeze %dma_start3A_177 : memref<1x128xi32, #tpu.memory_space<vmem>> -> memref<128xi32, #tpu.memory_space<vmem>>
    %dma_start3A_179 = arith.constant 0 : i32
    %dma_start3A_180 = arith.constant 0 : i32
    %dma_start3A_181 = tpu.memref_slice %arg7[%arg0, %dma_start3A_179, %dma_start3A_180] : memref<2x10000x64xf32, #tpu.memory_space<hbm>> -> memref<1x10000x64xf32, #tpu.memory_space<hbm>>
    %dma_start3A_182 = tpu.memref_squeeze %dma_start3A_181 : memref<1x10000x64xf32, #tpu.memory_space<hbm>> -> memref<10000x64xf32, #tpu.memory_space<hbm>>
    %dma_start3A_183 = arith.constant 0 : i32
    %dma_start3A_184 = arith.constant 0 : i32
    %dma_start3A_185 = tpu.memref_slice %dma_start3A_182[%dma_start3A_183, %dma_start3A_184] : memref<10000x64xf32, #tpu.memory_space<hbm>> -> memref<10000x64xf32, #tpu.memory_space<hbm>>
    tpu.enqueue_indirect_dma source(%dma_start3A_185 : memref<10000x64xf32, #tpu.memory_space<hbm>>) target(%dma_start3A_175 : memref<128x64xf32, #tpu.memory_space<vmem>>) offsets(%dma_start3A_178 : memref<128xi32, #tpu.memory_space<vmem>>) semaphore(%arg16 : memref<!tpu.dma_semaphore, #tpu.memory_space<semaphore_mem>>)
    %dma_start3A_186 = arith.constant 2 : i32
    %dma_start3A_187 = arith.constant 2 : i32
    %dma_start3A_188 = arith.constant 0 : i32
    %dma_start3A_189 = arith.constant 0 : i32
    %dma_start3A_190 = tpu.memref_slice %arg10[%dma_start3A_187, %dma_start3A_188, %dma_start3A_189] : memref<3x128x64xf32, #tpu.memory_space<vmem>> -> memref<1x128x64xf32, #tpu.memory_space<vmem>>
    %dma_start3A_191 = tpu.memref_squeeze %dma_start3A_190 : memref<1x128x64xf32, #tpu.memory_space<vmem>> -> memref<128x64xf32, #tpu.memory_space<vmem>>
    %dma_start3A_192 = arith.constant 0 : i32
    %dma_start3A_193 = tpu.memref_slice %arg8[%dma_start3A_186, %dma_start3A_192] : memref<162x128xi32, #tpu.memory_space<vmem>> -> memref<1x128xi32, #tpu.memory_space<vmem>>
    %dma_start3A_194 = tpu.memref_squeeze %dma_start3A_193 : memref<1x128xi32, #tpu.memory_space<vmem>> -> memref<128xi32, #tpu.memory_space<vmem>>
    %dma_start3A_195 = arith.constant 0 : i32
    %dma_start3A_196 = arith.constant 0 : i32
    %dma_start3A_197 = tpu.memref_slice %arg7[%arg0, %dma_start3A_195, %dma_start3A_196] : memref<2x10000x64xf32, #tpu.memory_space<hbm>> -> memref<1x10000x64xf32, #tpu.memory_space<hbm>>
    %dma_start3A_198 = tpu.memref_squeeze %dma_start3A_197 : memref<1x10000x64xf32, #tpu.memory_space<hbm>> -> memref<10000x64xf32, #tpu.memory_space<hbm>>
    %dma_start3A_199 = arith.constant 0 : i32
    %dma_start3A_200 = arith.constant 0 : i32
    %dma_start3A_201 = tpu.memref_slice %dma_start3A_198[%dma_start3A_199, %dma_start3A_200] : memref<10000x64xf32, #tpu.memory_space<hbm>> -> memref<10000x64xf32, #tpu.memory_space<hbm>>
    tpu.enqueue_indirect_dma source(%dma_start3A_201 : memref<10000x64xf32, #tpu.memory_space<hbm>>) target(%dma_start3A_191 : memref<128x64xf32, #tpu.memory_space<vmem>>) offsets(%dma_start3A_194 : memref<128xi32, #tpu.memory_space<vmem>>) semaphore(%arg17 : memref<!tpu.dma_semaphore, #tpu.memory_space<semaphore_mem>>)
    %scan3A_202 = arith.constant 0 : i32
    %scan3A_203 = arith.constant 54 : i32
    %scan3A_204 = arith.addi %scan3A_202, %scan3A_203 : i32
    %scan3A_205 = arith.constant 1 : i32
    scf.for %scan3A_282 = %scan3A_202 to %scan3A_204 step %scan3A_205  : i32 {
      %mul3A_283 = arith.constant 3 : i32
      %mul3A_284 = arith.muli %scan3A_282, %mul3A_283 : i32
      %add3A_285 = arith.constant 0 : i32
      %add3A_286 = arith.addi %add3A_285, %mul3A_284 : i32
      %add3A_287 = arith.constant 0 : i32
      %add3A_288 = arith.addi %add3A_286, %add3A_287 : i32
      %dma_wait3A_289 = arith.constant 0 : i32
      %dma_wait3A_290 = arith.constant 0 : i32
      %dma_wait3A_291 = arith.constant 0 : i32
      %dma_wait3A_292 = tpu.memref_slice %arg10[%dma_wait3A_289, %dma_wait3A_290, %dma_wait3A_291] : memref<3x128x64xf32, #tpu.memory_space<vmem>> -> memref<1x128x64xf32, #tpu.memory_space<vmem>>
      %dma_wait3A_293 = tpu.memref_squeeze %dma_wait3A_292 : memref<1x128x64xf32, #tpu.memory_space<vmem>> -> memref<128x64xf32, #tpu.memory_space<vmem>>
      %dma_wait3A_294 = arith.constant 0 : i32
      %dma_wait3A_295 = arith.constant 0 : i32
      %dma_wait3A_296 = tpu.memref_slice %arg7[%arg0, %dma_wait3A_294, %dma_wait3A_295] : memref<2x10000x64xf32, #tpu.memory_space<hbm>> -> memref<1x10000x64xf32, #tpu.memory_space<hbm>>
      %dma_wait3A_297 = tpu.memref_squeeze %dma_wait3A_296 : memref<1x10000x64xf32, #tpu.memory_space<hbm>> -> memref<10000x64xf32, #tpu.memory_space<hbm>>
      %dma_wait3A_298 = arith.constant 0 : i32
      %dma_wait3A_299 = arith.constant 0 : i32
      %dma_wait3A_300 = tpu.memref_slice %dma_wait3A_297[%dma_wait3A_298, %dma_wait3A_299] : memref<10000x64xf32, #tpu.memory_space<hbm>> -> memref<128x64xf32, #tpu.memory_space<hbm>>
      %dma_wait3A_301 = arith.constant 0 : i32
      %dma_wait3A_302 = arith.constant 0 : i32
      %dma_wait3A_303 = tpu.memref_slice %arg10[%dma_wait3A_289, %dma_wait3A_301, %dma_wait3A_302] : memref<3x128x64xf32, #tpu.memory_space<vmem>> -> memref<1x128x64xf32, #tpu.memory_space<vmem>>
      %dma_wait3A_304 = tpu.memref_squeeze %dma_wait3A_303 : memref<1x128x64xf32, #tpu.memory_space<vmem>> -> memref<128x64xf32, #tpu.memory_space<vmem>>
      %dma_wait3A_305 = arith.constant 0 : i32
      %dma_wait3A_306 = arith.constant 0 : i32
      %dma_wait3A_307 = tpu.memref_slice %arg7[%arg0, %dma_wait3A_305, %dma_wait3A_306] : memref<2x10000x64xf32, #tpu.memory_space<hbm>> -> memref<1x10000x64xf32, #tpu.memory_space<hbm>>
      %dma_wait3A_308 = tpu.memref_squeeze %dma_wait3A_307 : memref<1x10000x64xf32, #tpu.memory_space<hbm>> -> memref<10000x64xf32, #tpu.memory_space<hbm>>
      %dma_wait3A_309 = arith.constant 0 : i32
      %dma_wait3A_310 = arith.constant 0 : i32
      %dma_wait3A_311 = tpu.memref_slice %dma_wait3A_308[%dma_wait3A_309, %dma_wait3A_310] : memref<10000x64xf32, #tpu.memory_space<hbm>> -> memref<128x64xf32, #tpu.memory_space<hbm>>
      tpu.wait_dma2 semaphore(%arg15 : memref<!tpu.dma_semaphore, #tpu.memory_space<semaphore_mem>>) src(%dma_wait3A_311 : memref<128x64xf32, #tpu.memory_space<hbm>>) dst(%dma_wait3A_304 : memref<128x64xf32, #tpu.memory_space<vmem>>)
      %dma_start3A_312 = arith.constant 0 : i32
      %dma_start3A_313 = arith.constant 0 : i32
      %dma_start3A_314 = arith.constant 0 : i32
      %dma_start3A_315 = tpu.memref_slice %arg10[%dma_start3A_312, %dma_start3A_313, %dma_start3A_314] : memref<3x128x64xf32, #tpu.memory_space<vmem>> -> memref<1x128x64xf32, #tpu.memory_space<vmem>>
      %dma_start3A_316 = tpu.memref_squeeze %dma_start3A_315 : memref<1x128x64xf32, #tpu.memory_space<vmem>> -> memref<128x64xf32, #tpu.memory_space<vmem>>
      %dma_start3A_317 = arith.constant 0 : i32
      %dma_start3A_318 = tpu.memref_slice %arg9[%add3A_288, %dma_start3A_317] : memref<162x128xi32, #tpu.memory_space<vmem>> -> memref<1x128xi32, #tpu.memory_space<vmem>>
      %dma_start3A_319 = tpu.memref_squeeze %dma_start3A_318 : memref<1x128xi32, #tpu.memory_space<vmem>> -> memref<128xi32, #tpu.memory_space<vmem>>
      %dma_start3A_320 = arith.constant 0 : i32
      %dma_start3A_321 = arith.constant 0 : i32
      %dma_start3A_322 = tpu.memref_slice %arg13[%dma_start3A_320, %dma_start3A_321] : memref<10240x64xf32, #tpu.memory_space<vmem_shared>> -> memref<10240x64xf32, #tpu.memory_space<vmem_shared>>
      tpu.enqueue_indirect_dma source(%dma_start3A_316 : memref<128x64xf32, #tpu.memory_space<vmem>>) target(%dma_start3A_322 : memref<10240x64xf32, #tpu.memory_space<vmem_shared>>) offsets(%dma_start3A_319 : memref<128xi32, #tpu.memory_space<vmem>>) semaphore(%arg18 : memref<!tpu.dma_semaphore, #tpu.memory_space<semaphore_mem>>) {add = true}
      %add3A_323 = arith.constant 3 : i32
      %add3A_324 = arith.addi %add3A_288, %add3A_323 : i32
      %lt3A = arith.constant 162 : i32
      %lt3A_325 = arith.cmpi slt, %add3A_324, %lt3A : i32
      %convert_element_type3A_326 = arith.extui %lt3A_325 : i1 to i32
      %cond3A_327 = arith.constant 0 : i32
      %cond3A_328 = arith.cmpi ne, %convert_element_type3A_326, %cond3A_327 : i32
      scf.if %cond3A_328 {
        %dma_wait3A_415 = arith.constant 0 : i32
        %dma_wait3A_416 = arith.constant 0 : i32
        %dma_wait3A_417 = arith.constant 0 : i32
        %dma_wait3A_418 = tpu.memref_slice %arg10[%dma_wait3A_415, %dma_wait3A_416, %dma_wait3A_417] : memref<3x128x64xf32, #tpu.memory_space<vmem>> -> memref<1x128x64xf32, #tpu.memory_space<vmem>>
        %dma_wait3A_419 = tpu.memref_squeeze %dma_wait3A_418 : memref<1x128x64xf32, #tpu.memory_space<vmem>> -> memref<128x64xf32, #tpu.memory_space<vmem>>
        %dma_wait3A_420 = arith.constant 0 : i32
        %dma_wait3A_421 = arith.constant 0 : i32
        %dma_wait3A_422 = tpu.memref_slice %arg7[%arg0, %dma_wait3A_420, %dma_wait3A_421] : memref<2x10000x64xf32, #tpu.memory_space<hbm>> -> memref<1x10000x64xf32, #tpu.memory_space<hbm>>
        %dma_wait3A_423 = tpu.memref_squeeze %dma_wait3A_422 : memref<1x10000x64xf32, #tpu.memory_space<hbm>> -> memref<10000x64xf32, #tpu.memory_space<hbm>>
        %dma_wait3A_424 = arith.constant 0 : i32
        %dma_wait3A_425 = arith.constant 0 : i32
        %dma_wait3A_426 = tpu.memref_slice %dma_wait3A_423[%dma_wait3A_424, %dma_wait3A_425] : memref<10000x64xf32, #tpu.memory_space<hbm>> -> memref<128x64xf32, #tpu.memory_space<hbm>>
        %dma_wait3A_427 = arith.constant 0 : i32
        %dma_wait3A_428 = arith.constant 0 : i32
        %dma_wait3A_429 = tpu.memref_slice %arg10[%dma_wait3A_415, %dma_wait3A_427, %dma_wait3A_428] : memref<3x128x64xf32, #tpu.memory_space<vmem>> -> memref<1x128x64xf32, #tpu.memory_space<vmem>>
        %dma_wait3A_430 = tpu.memref_squeeze %dma_wait3A_429 : memref<1x128x64xf32, #tpu.memory_space<vmem>> -> memref<128x64xf32, #tpu.memory_space<vmem>>
        %dma_wait3A_431 = arith.constant 0 : i32
        %dma_wait3A_432 = arith.constant 0 : i32
        %dma_wait3A_433 = tpu.memref_slice %arg7[%arg0, %dma_wait3A_431, %dma_wait3A_432] : memref<2x10000x64xf32, #tpu.memory_space<hbm>> -> memref<1x10000x64xf32, #tpu.memory_space<hbm>>
        %dma_wait3A_434 = tpu.memref_squeeze %dma_wait3A_433 : memref<1x10000x64xf32, #tpu.memory_space<hbm>> -> memref<10000x64xf32, #tpu.memory_space<hbm>>
        %dma_wait3A_435 = arith.constant 0 : i32
        %dma_wait3A_436 = arith.constant 0 : i32
        %dma_wait3A_437 = tpu.memref_slice %dma_wait3A_434[%dma_wait3A_435, %dma_wait3A_436] : memref<10000x64xf32, #tpu.memory_space<hbm>> -> memref<128x64xf32, #tpu.memory_space<hbm>>
        tpu.wait_dma2 semaphore(%arg18 : memref<!tpu.dma_semaphore, #tpu.memory_space<semaphore_mem>>) src(%dma_wait3A_437 : memref<128x64xf32, #tpu.memory_space<hbm>>) dst(%dma_wait3A_430 : memref<128x64xf32, #tpu.memory_space<vmem>>)
        %add3A_438 = arith.constant 3 : i32
        %add3A_439 = arith.addi %add3A_288, %add3A_438 : i32
        %dma_start3A_440 = arith.constant 0 : i32
        %dma_start3A_441 = arith.constant 0 : i32
        %dma_start3A_442 = arith.constant 0 : i32
        %dma_start3A_443 = tpu.memref_slice %arg10[%dma_start3A_440, %dma_start3A_441, %dma_start3A_442] : memref<3x128x64xf32, #tpu.memory_space<vmem>> -> memref<1x128x64xf32, #tpu.memory_space<vmem>>
        %dma_start3A_444 = tpu.memref_squeeze %dma_start3A_443 : memref<1x128x64xf32, #tpu.memory_space<vmem>> -> memref<128x64xf32, #tpu.memory_space<vmem>>
        %dma_start3A_445 = arith.constant 0 : i32
        %dma_start3A_446 = tpu.memref_slice %arg8[%add3A_439, %dma_start3A_445] : memref<162x128xi32, #tpu.memory_space<vmem>> -> memref<1x128xi32, #tpu.memory_space<vmem>>
        %dma_start3A_447 = tpu.memref_squeeze %dma_start3A_446 : memref<1x128xi32, #tpu.memory_space<vmem>> -> memref<128xi32, #tpu.memory_space<vmem>>
        %dma_start3A_448 = arith.constant 0 : i32
        %dma_start3A_449 = arith.constant 0 : i32
        %dma_start3A_450 = tpu.memref_slice %arg7[%arg0, %dma_start3A_448, %dma_start3A_449] : memref<2x10000x64xf32, #tpu.memory_space<hbm>> -> memref<1x10000x64xf32, #tpu.memory_space<hbm>>
        %dma_start3A_451 = tpu.memref_squeeze %dma_start3A_450 : memref<1x10000x64xf32, #tpu.memory_space<hbm>> -> memref<10000x64xf32, #tpu.memory_space<hbm>>
        %dma_start3A_452 = arith.constant 0 : i32
        %dma_start3A_453 = arith.constant 0 : i32
        %dma_start3A_454 = tpu.memref_slice %dma_start3A_451[%dma_start3A_452, %dma_start3A_453] : memref<10000x64xf32, #tpu.memory_space<hbm>> -> memref<10000x64xf32, #tpu.memory_space<hbm>>
        tpu.enqueue_indirect_dma source(%dma_start3A_454 : memref<10000x64xf32, #tpu.memory_space<hbm>>) target(%dma_start3A_444 : memref<128x64xf32, #tpu.memory_space<vmem>>) offsets(%dma_start3A_447 : memref<128xi32, #tpu.memory_space<vmem>>) semaphore(%arg15 : memref<!tpu.dma_semaphore, #tpu.memory_space<semaphore_mem>>)
      } else {
      }
      %add3A_329 = arith.constant 1 : i32
      %add3A_330 = arith.addi %add3A_286, %add3A_329 : i32
      %dma_wait3A_331 = arith.constant 1 : i32
      %dma_wait3A_332 = arith.constant 0 : i32
      %dma_wait3A_333 = arith.constant 0 : i32
      %dma_wait3A_334 = tpu.memref_slice %arg10[%dma_wait3A_331, %dma_wait3A_332, %dma_wait3A_333] : memref<3x128x64xf32, #tpu.memory_space<vmem>> -> memref<1x128x64xf32, #tpu.memory_space<vmem>>
      %dma_wait3A_335 = tpu.memref_squeeze %dma_wait3A_334 : memref<1x128x64xf32, #tpu.memory_space<vmem>> -> memref<128x64xf32, #tpu.memory_space<vmem>>
      %dma_wait3A_336 = arith.constant 0 : i32
      %dma_wait3A_337 = arith.constant 0 : i32
      %dma_wait3A_338 = tpu.memref_slice %arg7[%arg0, %dma_wait3A_336, %dma_wait3A_337] : memref<2x10000x64xf32, #tpu.memory_space<hbm>> -> memref<1x10000x64xf32, #tpu.memory_space<hbm>>
      %dma_wait3A_339 = tpu.memref_squeeze %dma_wait3A_338 : memref<1x10000x64xf32, #tpu.memory_space<hbm>> -> memref<10000x64xf32, #tpu.memory_space<hbm>>
      %dma_wait3A_340 = arith.constant 0 : i32
      %dma_wait3A_341 = arith.constant 0 : i32
      %dma_wait3A_342 = tpu.memref_slice %dma_wait3A_339[%dma_wait3A_340, %dma_wait3A_341] : memref<10000x64xf32, #tpu.memory_space<hbm>> -> memref<128x64xf32, #tpu.memory_space<hbm>>
      %dma_wait3A_343 = arith.constant 0 : i32
      %dma_wait3A_344 = arith.constant 0 : i32
      %dma_wait3A_345 = tpu.memref_slice %arg10[%dma_wait3A_331, %dma_wait3A_343, %dma_wait3A_344] : memref<3x128x64xf32, #tpu.memory_space<vmem>> -> memref<1x128x64xf32, #tpu.memory_space<vmem>>
      %dma_wait3A_346 = tpu.memref_squeeze %dma_wait3A_345 : memref<1x128x64xf32, #tpu.memory_space<vmem>> -> memref<128x64xf32, #tpu.memory_space<vmem>>
      %dma_wait3A_347 = arith.constant 0 : i32
      %dma_wait3A_348 = arith.constant 0 : i32
      %dma_wait3A_349 = tpu.memref_slice %arg7[%arg0, %dma_wait3A_347, %dma_wait3A_348] : memref<2x10000x64xf32, #tpu.memory_space<hbm>> -> memref<1x10000x64xf32, #tpu.memory_space<hbm>>
      %dma_wait3A_350 = tpu.memref_squeeze %dma_wait3A_349 : memref<1x10000x64xf32, #tpu.memory_space<hbm>> -> memref<10000x64xf32, #tpu.memory_space<hbm>>
      %dma_wait3A_351 = arith.constant 0 : i32
      %dma_wait3A_352 = arith.constant 0 : i32
      %dma_wait3A_353 = tpu.memref_slice %dma_wait3A_350[%dma_wait3A_351, %dma_wait3A_352] : memref<10000x64xf32, #tpu.memory_space<hbm>> -> memref<128x64xf32, #tpu.memory_space<hbm>>
      tpu.wait_dma2 semaphore(%arg16 : memref<!tpu.dma_semaphore, #tpu.memory_space<semaphore_mem>>) src(%dma_wait3A_353 : memref<128x64xf32, #tpu.memory_space<hbm>>) dst(%dma_wait3A_346 : memref<128x64xf32, #tpu.memory_space<vmem>>)
      %dma_start3A_354 = arith.constant 1 : i32
      %dma_start3A_355 = arith.constant 0 : i32
      %dma_start3A_356 = arith.constant 0 : i32
      %dma_start3A_357 = tpu.memref_slice %arg10[%dma_start3A_354, %dma_start3A_355, %dma_start3A_356] : memref<3x128x64xf32, #tpu.memory_space<vmem>> -> memref<1x128x64xf32, #tpu.memory_space<vmem>>
      %dma_start3A_358 = tpu.memref_squeeze %dma_start3A_357 : memref<1x128x64xf32, #tpu.memory_space<vmem>> -> memref<128x64xf32, #tpu.memory_space<vmem>>
      %dma_start3A_359 = arith.constant 0 : i32
      %dma_start3A_360 = tpu.memref_slice %arg9[%add3A_330, %dma_start3A_359] : memref<162x128xi32, #tpu.memory_space<vmem>> -> memref<1x128xi32, #tpu.memory_space<vmem>>
      %dma_start3A_361 = tpu.memref_squeeze %dma_start3A_360 : memref<1x128xi32, #tpu.memory_space<vmem>> -> memref<128xi32, #tpu.memory_space<vmem>>
      %dma_start3A_362 = arith.constant 0 : i32
      %dma_start3A_363 = arith.constant 0 : i32
      %dma_start3A_364 = tpu.memref_slice %arg13[%dma_start3A_362, %dma_start3A_363] : memref<10240x64xf32, #tpu.memory_space<vmem_shared>> -> memref<10240x64xf32, #tpu.memory_space<vmem_shared>>
      tpu.enqueue_indirect_dma source(%dma_start3A_358 : memref<128x64xf32, #tpu.memory_space<vmem>>) target(%dma_start3A_364 : memref<10240x64xf32, #tpu.memory_space<vmem_shared>>) offsets(%dma_start3A_361 : memref<128xi32, #tpu.memory_space<vmem>>) semaphore(%arg19 : memref<!tpu.dma_semaphore, #tpu.memory_space<semaphore_mem>>) {add = true}
      %add3A_365 = arith.constant 3 : i32
      %add3A_366 = arith.addi %add3A_330, %add3A_365 : i32
      %lt3A_367 = arith.constant 162 : i32
      %lt3A_368 = arith.cmpi slt, %add3A_366, %lt3A_367 : i32
      %convert_element_type3A_369 = arith.extui %lt3A_368 : i1 to i32
      %cond3A_370 = arith.constant 0 : i32
      %cond3A_371 = arith.cmpi ne, %convert_element_type3A_369, %cond3A_370 : i32
      scf.if %cond3A_371 {
        %dma_wait3A_415 = arith.constant 1 : i32
        %dma_wait3A_416 = arith.constant 0 : i32
        %dma_wait3A_417 = arith.constant 0 : i32
        %dma_wait3A_418 = tpu.memref_slice %arg10[%dma_wait3A_415, %dma_wait3A_416, %dma_wait3A_417] : memref<3x128x64xf32, #tpu.memory_space<vmem>> -> memref<1x128x64xf32, #tpu.memory_space<vmem>>
        %dma_wait3A_419 = tpu.memref_squeeze %dma_wait3A_418 : memref<1x128x64xf32, #tpu.memory_space<vmem>> -> memref<128x64xf32, #tpu.memory_space<vmem>>
        %dma_wait3A_420 = arith.constant 0 : i32
        %dma_wait3A_421 = arith.constant 0 : i32
        %dma_wait3A_422 = tpu.memref_slice %arg7[%arg0, %dma_wait3A_420, %dma_wait3A_421] : memref<2x10000x64xf32, #tpu.memory_space<hbm>> -> memref<1x10000x64xf32, #tpu.memory_space<hbm>>
        %dma_wait3A_423 = tpu.memref_squeeze %dma_wait3A_422 : memref<1x10000x64xf32, #tpu.memory_space<hbm>> -> memref<10000x64xf32, #tpu.memory_space<hbm>>
        %dma_wait3A_424 = arith.constant 0 : i32
        %dma_wait3A_425 = arith.constant 0 : i32
        %dma_wait3A_426 = tpu.memref_slice %dma_wait3A_423[%dma_wait3A_424, %dma_wait3A_425] : memref<10000x64xf32, #tpu.memory_space<hbm>> -> memref<128x64xf32, #tpu.memory_space<hbm>>
        %dma_wait3A_427 = arith.constant 0 : i32
        %dma_wait3A_428 = arith.constant 0 : i32
        %dma_wait3A_429 = tpu.memref_slice %arg10[%dma_wait3A_415, %dma_wait3A_427, %dma_wait3A_428] : memref<3x128x64xf32, #tpu.memory_space<vmem>> -> memref<1x128x64xf32, #tpu.memory_space<vmem>>
        %dma_wait3A_430 = tpu.memref_squeeze %dma_wait3A_429 : memref<1x128x64xf32, #tpu.memory_space<vmem>> -> memref<128x64xf32, #tpu.memory_space<vmem>>
        %dma_wait3A_431 = arith.constant 0 : i32
        %dma_wait3A_432 = arith.constant 0 : i32
        %dma_wait3A_433 = tpu.memref_slice %arg7[%arg0, %dma_wait3A_431, %dma_wait3A_432] : memref<2x10000x64xf32, #tpu.memory_space<hbm>> -> memref<1x10000x64xf32, #tpu.memory_space<hbm>>
        %dma_wait3A_434 = tpu.memref_squeeze %dma_wait3A_433 : memref<1x10000x64xf32, #tpu.memory_space<hbm>> -> memref<10000x64xf32, #tpu.memory_space<hbm>>
        %dma_wait3A_435 = arith.constant 0 : i32
        %dma_wait3A_436 = arith.constant 0 : i32
        %dma_wait3A_437 = tpu.memref_slice %dma_wait3A_434[%dma_wait3A_435, %dma_wait3A_436] : memref<10000x64xf32, #tpu.memory_space<hbm>> -> memref<128x64xf32, #tpu.memory_space<hbm>>
        tpu.wait_dma2 semaphore(%arg19 : memref<!tpu.dma_semaphore, #tpu.memory_space<semaphore_mem>>) src(%dma_wait3A_437 : memref<128x64xf32, #tpu.memory_space<hbm>>) dst(%dma_wait3A_430 : memref<128x64xf32, #tpu.memory_space<vmem>>)
        %add3A_438 = arith.constant 3 : i32
        %add3A_439 = arith.addi %add3A_330, %add3A_438 : i32
        %dma_start3A_440 = arith.constant 1 : i32
        %dma_start3A_441 = arith.constant 0 : i32
        %dma_start3A_442 = arith.constant 0 : i32
        %dma_start3A_443 = tpu.memref_slice %arg10[%dma_start3A_440, %dma_start3A_441, %dma_start3A_442] : memref<3x128x64xf32, #tpu.memory_space<vmem>> -> memref<1x128x64xf32, #tpu.memory_space<vmem>>
        %dma_start3A_444 = tpu.memref_squeeze %dma_start3A_443 : memref<1x128x64xf32, #tpu.memory_space<vmem>> -> memref<128x64xf32, #tpu.memory_space<vmem>>
        %dma_start3A_445 = arith.constant 0 : i32
        %dma_start3A_446 = tpu.memref_slice %arg8[%add3A_439, %dma_start3A_445] : memref<162x128xi32, #tpu.memory_space<vmem>> -> memref<1x128xi32, #tpu.memory_space<vmem>>
        %dma_start3A_447 = tpu.memref_squeeze %dma_start3A_446 : memref<1x128xi32, #tpu.memory_space<vmem>> -> memref<128xi32, #tpu.memory_space<vmem>>
        %dma_start3A_448 = arith.constant 0 : i32
        %dma_start3A_449 = arith.constant 0 : i32
        %dma_start3A_450 = tpu.memref_slice %arg7[%arg0, %dma_start3A_448, %dma_start3A_449] : memref<2x10000x64xf32, #tpu.memory_space<hbm>> -> memref<1x10000x64xf32, #tpu.memory_space<hbm>>
        %dma_start3A_451 = tpu.memref_squeeze %dma_start3A_450 : memref<1x10000x64xf32, #tpu.memory_space<hbm>> -> memref<10000x64xf32, #tpu.memory_space<hbm>>
        %dma_start3A_452 = arith.constant 0 : i32
        %dma_start3A_453 = arith.constant 0 : i32
        %dma_start3A_454 = tpu.memref_slice %dma_start3A_451[%dma_start3A_452, %dma_start3A_453] : memref<10000x64xf32, #tpu.memory_space<hbm>> -> memref<10000x64xf32, #tpu.memory_space<hbm>>
        tpu.enqueue_indirect_dma source(%dma_start3A_454 : memref<10000x64xf32, #tpu.memory_space<hbm>>) target(%dma_start3A_444 : memref<128x64xf32, #tpu.memory_space<vmem>>) offsets(%dma_start3A_447 : memref<128xi32, #tpu.memory_space<vmem>>) semaphore(%arg16 : memref<!tpu.dma_semaphore, #tpu.memory_space<semaphore_mem>>)
      } else {
      }
      %add3A_372 = arith.constant 2 : i32
      %add3A_373 = arith.addi %add3A_286, %add3A_372 : i32
      %dma_wait3A_374 = arith.constant 2 : i32
      %dma_wait3A_375 = arith.constant 0 : i32
      %dma_wait3A_376 = arith.constant 0 : i32
      %dma_wait3A_377 = tpu.memref_slice %arg10[%dma_wait3A_374, %dma_wait3A_375, %dma_wait3A_376] : memref<3x128x64xf32, #tpu.memory_space<vmem>> -> memref<1x128x64xf32, #tpu.memory_space<vmem>>
      %dma_wait3A_378 = tpu.memref_squeeze %dma_wait3A_377 : memref<1x128x64xf32, #tpu.memory_space<vmem>> -> memref<128x64xf32, #tpu.memory_space<vmem>>
      %dma_wait3A_379 = arith.constant 0 : i32
      %dma_wait3A_380 = arith.constant 0 : i32
      %dma_wait3A_381 = tpu.memref_slice %arg7[%arg0, %dma_wait3A_379, %dma_wait3A_380] : memref<2x10000x64xf32, #tpu.memory_space<hbm>> -> memref<1x10000x64xf32, #tpu.memory_space<hbm>>
      %dma_wait3A_382 = tpu.memref_squeeze %dma_wait3A_381 : memref<1x10000x64xf32, #tpu.memory_space<hbm>> -> memref<10000x64xf32, #tpu.memory_space<hbm>>
      %dma_wait3A_383 = arith.constant 0 : i32
      %dma_wait3A_384 = arith.constant 0 : i32
      %dma_wait3A_385 = tpu.memref_slice %dma_wait3A_382[%dma_wait3A_383, %dma_wait3A_384] : memref<10000x64xf32, #tpu.memory_space<hbm>> -> memref<128x64xf32, #tpu.memory_space<hbm>>
      %dma_wait3A_386 = arith.constant 0 : i32
      %dma_wait3A_387 = arith.constant 0 : i32
      %dma_wait3A_388 = tpu.memref_slice %arg10[%dma_wait3A_374, %dma_wait3A_386, %dma_wait3A_387] : memref<3x128x64xf32, #tpu.memory_space<vmem>> -> memref<1x128x64xf32, #tpu.memory_space<vmem>>
      %dma_wait3A_389 = tpu.memref_squeeze %dma_wait3A_388 : memref<1x128x64xf32, #tpu.memory_space<vmem>> -> memref<128x64xf32, #tpu.memory_space<vmem>>
      %dma_wait3A_390 = arith.constant 0 : i32
      %dma_wait3A_391 = arith.constant 0 : i32
      %dma_wait3A_392 = tpu.memref_slice %arg7[%arg0, %dma_wait3A_390, %dma_wait3A_391] : memref<2x10000x64xf32, #tpu.memory_space<hbm>> -> memref<1x10000x64xf32, #tpu.memory_space<hbm>>
      %dma_wait3A_393 = tpu.memref_squeeze %dma_wait3A_392 : memref<1x10000x64xf32, #tpu.memory_space<hbm>> -> memref<10000x64xf32, #tpu.memory_space<hbm>>
      %dma_wait3A_394 = arith.constant 0 : i32
      %dma_wait3A_395 = arith.constant 0 : i32
      %dma_wait3A_396 = tpu.memref_slice %dma_wait3A_393[%dma_wait3A_394, %dma_wait3A_395] : memref<10000x64xf32, #tpu.memory_space<hbm>> -> memref<128x64xf32, #tpu.memory_space<hbm>>
      tpu.wait_dma2 semaphore(%arg17 : memref<!tpu.dma_semaphore, #tpu.memory_space<semaphore_mem>>) src(%dma_wait3A_396 : memref<128x64xf32, #tpu.memory_space<hbm>>) dst(%dma_wait3A_389 : memref<128x64xf32, #tpu.memory_space<vmem>>)
      %dma_start3A_397 = arith.constant 2 : i32
      %dma_start3A_398 = arith.constant 0 : i32
      %dma_start3A_399 = arith.constant 0 : i32
      %dma_start3A_400 = tpu.memref_slice %arg10[%dma_start3A_397, %dma_start3A_398, %dma_start3A_399] : memref<3x128x64xf32, #tpu.memory_space<vmem>> -> memref<1x128x64xf32, #tpu.memory_space<vmem>>
      %dma_start3A_401 = tpu.memref_squeeze %dma_start3A_400 : memref<1x128x64xf32, #tpu.memory_space<vmem>> -> memref<128x64xf32, #tpu.memory_space<vmem>>
      %dma_start3A_402 = arith.constant 0 : i32
      %dma_start3A_403 = tpu.memref_slice %arg9[%add3A_373, %dma_start3A_402] : memref<162x128xi32, #tpu.memory_space<vmem>> -> memref<1x128xi32, #tpu.memory_space<vmem>>
      %dma_start3A_404 = tpu.memref_squeeze %dma_start3A_403 : memref<1x128xi32, #tpu.memory_space<vmem>> -> memref<128xi32, #tpu.memory_space<vmem>>
      %dma_start3A_405 = arith.constant 0 : i32
      %dma_start3A_406 = arith.constant 0 : i32
      %dma_start3A_407 = tpu.memref_slice %arg13[%dma_start3A_405, %dma_start3A_406] : memref<10240x64xf32, #tpu.memory_space<vmem_shared>> -> memref<10240x64xf32, #tpu.memory_space<vmem_shared>>
      tpu.enqueue_indirect_dma source(%dma_start3A_401 : memref<128x64xf32, #tpu.memory_space<vmem>>) target(%dma_start3A_407 : memref<10240x64xf32, #tpu.memory_space<vmem_shared>>) offsets(%dma_start3A_404 : memref<128xi32, #tpu.memory_space<vmem>>) semaphore(%arg20 : memref<!tpu.dma_semaphore, #tpu.memory_space<semaphore_mem>>) {add = true}
      %add3A_408 = arith.constant 3 : i32
      %add3A_409 = arith.addi %add3A_373, %add3A_408 : i32
      %lt3A_410 = arith.constant 162 : i32
      %lt3A_411 = arith.cmpi slt, %add3A_409, %lt3A_410 : i32
      %convert_element_type3A_412 = arith.extui %lt3A_411 : i1 to i32
      %cond3A_413 = arith.constant 0 : i32
      %cond3A_414 = arith.cmpi ne, %convert_element_type3A_412, %cond3A_413 : i32
      scf.if %cond3A_414 {
        %dma_wait3A_415 = arith.constant 2 : i32
        %dma_wait3A_416 = arith.constant 0 : i32
        %dma_wait3A_417 = arith.constant 0 : i32
        %dma_wait3A_418 = tpu.memref_slice %arg10[%dma_wait3A_415, %dma_wait3A_416, %dma_wait3A_417] : memref<3x128x64xf32, #tpu.memory_space<vmem>> -> memref<1x128x64xf32, #tpu.memory_space<vmem>>
        %dma_wait3A_419 = tpu.memref_squeeze %dma_wait3A_418 : memref<1x128x64xf32, #tpu.memory_space<vmem>> -> memref<128x64xf32, #tpu.memory_space<vmem>>
        %dma_wait3A_420 = arith.constant 0 : i32
        %dma_wait3A_421 = arith.constant 0 : i32
        %dma_wait3A_422 = tpu.memref_slice %arg7[%arg0, %dma_wait3A_420, %dma_wait3A_421] : memref<2x10000x64xf32, #tpu.memory_space<hbm>> -> memref<1x10000x64xf32, #tpu.memory_space<hbm>>
        %dma_wait3A_423 = tpu.memref_squeeze %dma_wait3A_422 : memref<1x10000x64xf32, #tpu.memory_space<hbm>> -> memref<10000x64xf32, #tpu.memory_space<hbm>>
        %dma_wait3A_424 = arith.constant 0 : i32
        %dma_wait3A_425 = arith.constant 0 : i32
        %dma_wait3A_426 = tpu.memref_slice %dma_wait3A_423[%dma_wait3A_424, %dma_wait3A_425] : memref<10000x64xf32, #tpu.memory_space<hbm>> -> memref<128x64xf32, #tpu.memory_space<hbm>>
        %dma_wait3A_427 = arith.constant 0 : i32
        %dma_wait3A_428 = arith.constant 0 : i32
        %dma_wait3A_429 = tpu.memref_slice %arg10[%dma_wait3A_415, %dma_wait3A_427, %dma_wait3A_428] : memref<3x128x64xf32, #tpu.memory_space<vmem>> -> memref<1x128x64xf32, #tpu.memory_space<vmem>>
        %dma_wait3A_430 = tpu.memref_squeeze %dma_wait3A_429 : memref<1x128x64xf32, #tpu.memory_space<vmem>> -> memref<128x64xf32, #tpu.memory_space<vmem>>
        %dma_wait3A_431 = arith.constant 0 : i32
        %dma_wait3A_432 = arith.constant 0 : i32
        %dma_wait3A_433 = tpu.memref_slice %arg7[%arg0, %dma_wait3A_431, %dma_wait3A_432] : memref<2x10000x64xf32, #tpu.memory_space<hbm>> -> memref<1x10000x64xf32, #tpu.memory_space<hbm>>
        %dma_wait3A_434 = tpu.memref_squeeze %dma_wait3A_433 : memref<1x10000x64xf32, #tpu.memory_space<hbm>> -> memref<10000x64xf32, #tpu.memory_space<hbm>>
        %dma_wait3A_435 = arith.constant 0 : i32
        %dma_wait3A_436 = arith.constant 0 : i32
        %dma_wait3A_437 = tpu.memref_slice %dma_wait3A_434[%dma_wait3A_435, %dma_wait3A_436] : memref<10000x64xf32, #tpu.memory_space<hbm>> -> memref<128x64xf32, #tpu.memory_space<hbm>>
        tpu.wait_dma2 semaphore(%arg20 : memref<!tpu.dma_semaphore, #tpu.memory_space<semaphore_mem>>) src(%dma_wait3A_437 : memref<128x64xf32, #tpu.memory_space<hbm>>) dst(%dma_wait3A_430 : memref<128x64xf32, #tpu.memory_space<vmem>>)
        %add3A_438 = arith.constant 3 : i32
        %add3A_439 = arith.addi %add3A_373, %add3A_438 : i32
        %dma_start3A_440 = arith.constant 2 : i32
        %dma_start3A_441 = arith.constant 0 : i32
        %dma_start3A_442 = arith.constant 0 : i32
        %dma_start3A_443 = tpu.memref_slice %arg10[%dma_start3A_440, %dma_start3A_441, %dma_start3A_442] : memref<3x128x64xf32, #tpu.memory_space<vmem>> -> memref<1x128x64xf32, #tpu.memory_space<vmem>>
        %dma_start3A_444 = tpu.memref_squeeze %dma_start3A_443 : memref<1x128x64xf32, #tpu.memory_space<vmem>> -> memref<128x64xf32, #tpu.memory_space<vmem>>
        %dma_start3A_445 = arith.constant 0 : i32
        %dma_start3A_446 = tpu.memref_slice %arg8[%add3A_439, %dma_start3A_445] : memref<162x128xi32, #tpu.memory_space<vmem>> -> memref<1x128xi32, #tpu.memory_space<vmem>>
        %dma_start3A_447 = tpu.memref_squeeze %dma_start3A_446 : memref<1x128xi32, #tpu.memory_space<vmem>> -> memref<128xi32, #tpu.memory_space<vmem>>
        %dma_start3A_448 = arith.constant 0 : i32
        %dma_start3A_449 = arith.constant 0 : i32
        %dma_start3A_450 = tpu.memref_slice %arg7[%arg0, %dma_start3A_448, %dma_start3A_449] : memref<2x10000x64xf32, #tpu.memory_space<hbm>> -> memref<1x10000x64xf32, #tpu.memory_space<hbm>>
        %dma_start3A_451 = tpu.memref_squeeze %dma_start3A_450 : memref<1x10000x64xf32, #tpu.memory_space<hbm>> -> memref<10000x64xf32, #tpu.memory_space<hbm>>
        %dma_start3A_452 = arith.constant 0 : i32
        %dma_start3A_453 = arith.constant 0 : i32
        %dma_start3A_454 = tpu.memref_slice %dma_start3A_451[%dma_start3A_452, %dma_start3A_453] : memref<10000x64xf32, #tpu.memory_space<hbm>> -> memref<10000x64xf32, #tpu.memory_space<hbm>>
        tpu.enqueue_indirect_dma source(%dma_start3A_454 : memref<10000x64xf32, #tpu.memory_space<hbm>>) target(%dma_start3A_444 : memref<128x64xf32, #tpu.memory_space<vmem>>) offsets(%dma_start3A_447 : memref<128xi32, #tpu.memory_space<vmem>>) semaphore(%arg17 : memref<!tpu.dma_semaphore, #tpu.memory_space<semaphore_mem>>)
      } else {
      }
    }
    %scan3A_206 = arith.constant 54 : i32
    %dma_wait3A_207 = arith.constant 0 : i32
    %dma_wait3A_208 = arith.constant 0 : i32
    %dma_wait3A_209 = arith.constant 0 : i32
    %dma_wait3A_210 = tpu.memref_slice %arg10[%dma_wait3A_207, %dma_wait3A_208, %dma_wait3A_209] : memref<3x128x64xf32, #tpu.memory_space<vmem>> -> memref<1x128x64xf32, #tpu.memory_space<vmem>>
    %dma_wait3A_211 = tpu.memref_squeeze %dma_wait3A_210 : memref<1x128x64xf32, #tpu.memory_space<vmem>> -> memref<128x64xf32, #tpu.memory_space<vmem>>
    %dma_wait3A_212 = arith.constant 0 : i32
    %dma_wait3A_213 = arith.constant 0 : i32
    %dma_wait3A_214 = tpu.memref_slice %arg7[%arg0, %dma_wait3A_212, %dma_wait3A_213] : memref<2x10000x64xf32, #tpu.memory_space<hbm>> -> memref<1x10000x64xf32, #tpu.memory_space<hbm>>
    %dma_wait3A_215 = tpu.memref_squeeze %dma_wait3A_214 : memref<1x10000x64xf32, #tpu.memory_space<hbm>> -> memref<10000x64xf32, #tpu.memory_space<hbm>>
    %dma_wait3A_216 = arith.constant 0 : i32
    %dma_wait3A_217 = arith.constant 0 : i32
    %dma_wait3A_218 = tpu.memref_slice %dma_wait3A_215[%dma_wait3A_216, %dma_wait3A_217] : memref<10000x64xf32, #tpu.memory_space<hbm>> -> memref<128x64xf32, #tpu.memory_space<hbm>>
    %dma_wait3A_219 = arith.constant 0 : i32
    %dma_wait3A_220 = arith.constant 0 : i32
    %dma_wait3A_221 = tpu.memref_slice %arg10[%dma_wait3A_207, %dma_wait3A_219, %dma_wait3A_220] : memref<3x128x64xf32, #tpu.memory_space<vmem>> -> memref<1x128x64xf32, #tpu.memory_space<vmem>>
    %dma_wait3A_222 = tpu.memref_squeeze %dma_wait3A_221 : memref<1x128x64xf32, #tpu.memory_space<vmem>> -> memref<128x64xf32, #tpu.memory_space<vmem>>
    %dma_wait3A_223 = arith.constant 0 : i32
    %dma_wait3A_224 = arith.constant 0 : i32
    %dma_wait3A_225 = tpu.memref_slice %arg7[%arg0, %dma_wait3A_223, %dma_wait3A_224] : memref<2x10000x64xf32, #tpu.memory_space<hbm>> -> memref<1x10000x64xf32, #tpu.memory_space<hbm>>
    %dma_wait3A_226 = tpu.memref_squeeze %dma_wait3A_225 : memref<1x10000x64xf32, #tpu.memory_space<hbm>> -> memref<10000x64xf32, #tpu.memory_space<hbm>>
    %dma_wait3A_227 = arith.constant 0 : i32
    %dma_wait3A_228 = arith.constant 0 : i32
    %dma_wait3A_229 = tpu.memref_slice %dma_wait3A_226[%dma_wait3A_227, %dma_wait3A_228] : memref<10000x64xf32, #tpu.memory_space<hbm>> -> memref<128x64xf32, #tpu.memory_space<hbm>>
    tpu.wait_dma2 semaphore(%arg18 : memref<!tpu.dma_semaphore, #tpu.memory_space<semaphore_mem>>) src(%dma_wait3A_229 : memref<128x64xf32, #tpu.memory_space<hbm>>) dst(%dma_wait3A_222 : memref<128x64xf32, #tpu.memory_space<vmem>>)
    %dma_wait3A_230 = arith.constant 1 : i32
    %dma_wait3A_231 = arith.constant 0 : i32
    %dma_wait3A_232 = arith.constant 0 : i32
    %dma_wait3A_233 = tpu.memref_slice %arg10[%dma_wait3A_230, %dma_wait3A_231, %dma_wait3A_232] : memref<3x128x64xf32, #tpu.memory_space<vmem>> -> memref<1x128x64xf32, #tpu.memory_space<vmem>>
    %dma_wait3A_234 = tpu.memref_squeeze %dma_wait3A_233 : memref<1x128x64xf32, #tpu.memory_space<vmem>> -> memref<128x64xf32, #tpu.memory_space<vmem>>
    %dma_wait3A_235 = arith.constant 0 : i32
    %dma_wait3A_236 = arith.constant 0 : i32
    %dma_wait3A_237 = tpu.memref_slice %arg7[%arg0, %dma_wait3A_235, %dma_wait3A_236] : memref<2x10000x64xf32, #tpu.memory_space<hbm>> -> memref<1x10000x64xf32, #tpu.memory_space<hbm>>
    %dma_wait3A_238 = tpu.memref_squeeze %dma_wait3A_237 : memref<1x10000x64xf32, #tpu.memory_space<hbm>> -> memref<10000x64xf32, #tpu.memory_space<hbm>>
    %dma_wait3A_239 = arith.constant 0 : i32
    %dma_wait3A_240 = arith.constant 0 : i32
    %dma_wait3A_241 = tpu.memref_slice %dma_wait3A_238[%dma_wait3A_239, %dma_wait3A_240] : memref<10000x64xf32, #tpu.memory_space<hbm>> -> memref<128x64xf32, #tpu.memory_space<hbm>>
    %dma_wait3A_242 = arith.constant 0 : i32
    %dma_wait3A_243 = arith.constant 0 : i32
    %dma_wait3A_244 = tpu.memref_slice %arg10[%dma_wait3A_230, %dma_wait3A_242, %dma_wait3A_243] : memref<3x128x64xf32, #tpu.memory_space<vmem>> -> memref<1x128x64xf32, #tpu.memory_space<vmem>>
    %dma_wait3A_245 = tpu.memref_squeeze %dma_wait3A_244 : memref<1x128x64xf32, #tpu.memory_space<vmem>> -> memref<128x64xf32, #tpu.memory_space<vmem>>
    %dma_wait3A_246 = arith.constant 0 : i32
    %dma_wait3A_247 = arith.constant 0 : i32
    %dma_wait3A_248 = tpu.memref_slice %arg7[%arg0, %dma_wait3A_246, %dma_wait3A_247] : memref<2x10000x64xf32, #tpu.memory_space<hbm>> -> memref<1x10000x64xf32, #tpu.memory_space<hbm>>
    %dma_wait3A_249 = tpu.memref_squeeze %dma_wait3A_248 : memref<1x10000x64xf32, #tpu.memory_space<hbm>> -> memref<10000x64xf32, #tpu.memory_space<hbm>>
    %dma_wait3A_250 = arith.constant 0 : i32
    %dma_wait3A_251 = arith.constant 0 : i32
    %dma_wait3A_252 = tpu.memref_slice %dma_wait3A_249[%dma_wait3A_250, %dma_wait3A_251] : memref<10000x64xf32, #tpu.memory_space<hbm>> -> memref<128x64xf32, #tpu.memory_space<hbm>>
    tpu.wait_dma2 semaphore(%arg19 : memref<!tpu.dma_semaphore, #tpu.memory_space<semaphore_mem>>) src(%dma_wait3A_252 : memref<128x64xf32, #tpu.memory_space<hbm>>) dst(%dma_wait3A_245 : memref<128x64xf32, #tpu.memory_space<vmem>>)
    %dma_wait3A_253 = arith.constant 2 : i32
    %dma_wait3A_254 = arith.constant 0 : i32
    %dma_wait3A_255 = arith.constant 0 : i32
    %dma_wait3A_256 = tpu.memref_slice %arg10[%dma_wait3A_253, %dma_wait3A_254, %dma_wait3A_255] : memref<3x128x64xf32, #tpu.memory_space<vmem>> -> memref<1x128x64xf32, #tpu.memory_space<vmem>>
    %dma_wait3A_257 = tpu.memref_squeeze %dma_wait3A_256 : memref<1x128x64xf32, #tpu.memory_space<vmem>> -> memref<128x64xf32, #tpu.memory_space<vmem>>
    %dma_wait3A_258 = arith.constant 0 : i32
    %dma_wait3A_259 = arith.constant 0 : i32
    %dma_wait3A_260 = tpu.memref_slice %arg7[%arg0, %dma_wait3A_258, %dma_wait3A_259] : memref<2x10000x64xf32, #tpu.memory_space<hbm>> -> memref<1x10000x64xf32, #tpu.memory_space<hbm>>
    %dma_wait3A_261 = tpu.memref_squeeze %dma_wait3A_260 : memref<1x10000x64xf32, #tpu.memory_space<hbm>> -> memref<10000x64xf32, #tpu.memory_space<hbm>>
    %dma_wait3A_262 = arith.constant 0 : i32
    %dma_wait3A_263 = arith.constant 0 : i32
    %dma_wait3A_264 = tpu.memref_slice %dma_wait3A_261[%dma_wait3A_262, %dma_wait3A_263] : memref<10000x64xf32, #tpu.memory_space<hbm>> -> memref<128x64xf32, #tpu.memory_space<hbm>>
    %dma_wait3A_265 = arith.constant 0 : i32
    %dma_wait3A_266 = arith.constant 0 : i32
    %dma_wait3A_267 = tpu.memref_slice %arg10[%dma_wait3A_253, %dma_wait3A_265, %dma_wait3A_266] : memref<3x128x64xf32, #tpu.memory_space<vmem>> -> memref<1x128x64xf32, #tpu.memory_space<vmem>>
    %dma_wait3A_268 = tpu.memref_squeeze %dma_wait3A_267 : memref<1x128x64xf32, #tpu.memory_space<vmem>> -> memref<128x64xf32, #tpu.memory_space<vmem>>
    %dma_wait3A_269 = arith.constant 0 : i32
    %dma_wait3A_270 = arith.constant 0 : i32
    %dma_wait3A_271 = tpu.memref_slice %arg7[%arg0, %dma_wait3A_269, %dma_wait3A_270] : memref<2x10000x64xf32, #tpu.memory_space<hbm>> -> memref<1x10000x64xf32, #tpu.memory_space<hbm>>
    %dma_wait3A_272 = tpu.memref_squeeze %dma_wait3A_271 : memref<1x10000x64xf32, #tpu.memory_space<hbm>> -> memref<10000x64xf32, #tpu.memory_space<hbm>>
    %dma_wait3A_273 = arith.constant 0 : i32
    %dma_wait3A_274 = arith.constant 0 : i32
    %dma_wait3A_275 = tpu.memref_slice %dma_wait3A_272[%dma_wait3A_273, %dma_wait3A_274] : memref<10000x64xf32, #tpu.memory_space<hbm>> -> memref<128x64xf32, #tpu.memory_space<hbm>>
    tpu.wait_dma2 semaphore(%arg20 : memref<!tpu.dma_semaphore, #tpu.memory_space<semaphore_mem>>) src(%dma_wait3A_275 : memref<128x64xf32, #tpu.memory_space<hbm>>) dst(%dma_wait3A_268 : memref<128x64xf32, #tpu.memory_space<vmem>>)
    %barrier3A_276 = arith.constant 0 : index
    tpu.barrier barrier_id(%barrier3A_276)
    %scan3A_277 = arith.constant 0 : i32
    %scan3A_278 = arith.constant 5 : i32
    %scan3A_279 = arith.addi %scan3A_277, %scan3A_278 : i32
    %scan3A_280 = arith.constant 1 : i32
    scf.for %scan3A_282 = %scan3A_277 to %scan3A_279 step %scan3A_280  : i32 {
      %mul3A_283 = arith.constant 128 : i32
      %mul3A_284 = arith.muli %scan3A_282, %mul3A_283 : i32
      %add3A_285 = arith.constant 0 : i32
      %add3A_286 = arith.addi %add3A_285, %mul3A_284 : i32
      %add3A_287 = arith.addi %mul3A_0, %add3A_286 : i32
      %dma_start3A_288 = arith.constant 0 : i32
      %dma_start3A_289 = arith.constant 0 : i32
      %dma_start3A_290 = arith.constant 0 : i32
      %dma_start3A_291 = tpu.memref_slice %arg10[%dma_start3A_288, %dma_start3A_289, %dma_start3A_290] : memref<3x128x64xf32, #tpu.memory_space<vmem>> -> memref<1x128x64xf32, #tpu.memory_space<vmem>>
      %dma_start3A_292 = tpu.memref_squeeze %dma_start3A_291 : memref<1x128x64xf32, #tpu.memory_space<vmem>> -> memref<128x64xf32, #tpu.memory_space<vmem>>
      %dma_start3A_293 = arith.constant 0 : i32
      %dma_start3A_294 = tpu.memref_slice %arg13[%add3A_287, %dma_start3A_293] : memref<10240x64xf32, #tpu.memory_space<vmem_shared>> -> memref<128x64xf32, #tpu.memory_space<vmem_shared>>
      %dma_start3A_295 = arith.constant 0 : i32
      %dma_start3A_296 = arith.constant 0 : i32
      %dma_start3A_297 = tpu.memref_slice %arg10[%dma_start3A_288, %dma_start3A_295, %dma_start3A_296] : memref<3x128x64xf32, #tpu.memory_space<vmem>> -> memref<1x128x64xf32, #tpu.memory_space<vmem>>
      %dma_start3A_298 = tpu.memref_squeeze %dma_start3A_297 : memref<1x128x64xf32, #tpu.memory_space<vmem>> -> memref<128x64xf32, #tpu.memory_space<vmem>>
      %dma_start3A_299 = arith.constant 0 : i32
      %dma_start3A_300 = tpu.memref_slice %arg13[%add3A_287, %dma_start3A_299] : memref<10240x64xf32, #tpu.memory_space<vmem_shared>> -> memref<128x64xf32, #tpu.memory_space<vmem_shared>>
      tpu.enqueue_dma source(%dma_start3A_300 : memref<128x64xf32, #tpu.memory_space<vmem_shared>>) target(%dma_start3A_298 : memref<128x64xf32, #tpu.memory_space<vmem>>) target_semaphore(%arg14 : memref<!tpu.dma_semaphore, #tpu.memory_space<semaphore_mem>>)
      %dma_wait3A_301 = arith.constant 0 : i32
      %dma_wait3A_302 = arith.constant 0 : i32
      %dma_wait3A_303 = arith.constant 0 : i32
      %dma_wait3A_304 = tpu.memref_slice %arg10[%dma_wait3A_301, %dma_wait3A_302, %dma_wait3A_303] : memref<3x128x64xf32, #tpu.memory_space<vmem>> -> memref<1x128x64xf32, #tpu.memory_space<vmem>>
      %dma_wait3A_305 = tpu.memref_squeeze %dma_wait3A_304 : memref<1x128x64xf32, #tpu.memory_space<vmem>> -> memref<128x64xf32, #tpu.memory_space<vmem>>
      %dma_wait3A_306 = arith.constant 0 : i32
      %dma_wait3A_307 = tpu.memref_slice %arg13[%add3A_287, %dma_wait3A_306] : memref<10240x64xf32, #tpu.memory_space<vmem_shared>> -> memref<128x64xf32, #tpu.memory_space<vmem_shared>>
      %dma_wait3A_308 = arith.constant 0 : i32
      %dma_wait3A_309 = arith.constant 0 : i32
      %dma_wait3A_310 = tpu.memref_slice %arg10[%dma_wait3A_301, %dma_wait3A_308, %dma_wait3A_309] : memref<3x128x64xf32, #tpu.memory_space<vmem>> -> memref<1x128x64xf32, #tpu.memory_space<vmem>>
      %dma_wait3A_311 = tpu.memref_squeeze %dma_wait3A_310 : memref<1x128x64xf32, #tpu.memory_space<vmem>> -> memref<128x64xf32, #tpu.memory_space<vmem>>
      %dma_wait3A_312 = arith.constant 0 : i32
      %dma_wait3A_313 = tpu.memref_slice %arg13[%add3A_287, %dma_wait3A_312] : memref<10240x64xf32, #tpu.memory_space<vmem_shared>> -> memref<128x64xf32, #tpu.memory_space<vmem_shared>>
      tpu.wait_dma2 semaphore(%arg14 : memref<!tpu.dma_semaphore, #tpu.memory_space<semaphore_mem>>) src(%dma_wait3A_313 : memref<128x64xf32, #tpu.memory_space<vmem_shared>>) dst(%dma_wait3A_311 : memref<128x64xf32, #tpu.memory_space<vmem>>)
      %scan3A_314 = arith.constant 0 : i32
      %scan3A_315 = arith.constant 128 : i32
      %scan3A_316 = arith.addi %scan3A_314, %scan3A_315 : i32
      %scan3A_317 = arith.constant 1 : i32
      scf.for %scan3A_350 = %scan3A_314 to %scan3A_316 step %scan3A_317  : i32 {
        %mul3A_351 = arith.constant 1 : i32
        %mul3A_352 = arith.muli %scan3A_350, %mul3A_351 : i32
        %add3A_353 = arith.constant 0 : i32
        %add3A_354 = arith.addi %add3A_353, %mul3A_352 : i32
        %add3A_355 = arith.addi %add3A_286, %add3A_354 : i32
        %get3A = arith.index_cast %add3A_355 : i32 to index
        %get3A_356 = arith.constant 0 : index
        %get3A_357 = tpu.vector_load %arg11[%get3A, %get3A_356] {strides = array<i32>} : memref<640x16xf32, #tpu.memory_space<vmem>>, vector<16xf32>,
        %get3A_358 = arith.constant 0 : i32
        %get3A_359 = arith.index_cast %get3A_358 : i32 to index
        %get3A_360 = arith.index_cast %add3A_354 : i32 to index
        %get3A_361 = arith.constant 0 : index
        %get3A_362 = tpu.vector_load %arg10[%get3A_359, %get3A_360, %get3A_361] {strides = array<i32>} : memref<3x128x64xf32, #tpu.memory_space<vmem>>, vector<16xf32>,
        %mul3A_363 = arith.mulf %get3A_362, %get3A_357 : vector<16xf32>
        %swap3A = arith.constant 0 : i32
        %swap3A_364 = arith.index_cast %swap3A : i32 to index
        %swap3A_365 = arith.index_cast %add3A_354 : i32 to index
        %swap3A_366 = arith.constant 0 : index
        %swap3A_367 = tpu.vector_load %arg10[%swap3A_364, %swap3A_365, %swap3A_366] {strides = array<i32>} : memref<3x128x64xf32, #tpu.memory_space<vmem>>, vector<16xf32>,
        tpu.vector_store %arg10[%swap3A_364, %swap3A_365, %swap3A_366], %mul3A_363 {strides = array<i32>} : memref<3x128x64xf32, #tpu.memory_space<vmem>>, vector<16xf32>,
        %get3A_368 = arith.constant 0 : i32
        %get3A_369 = arith.index_cast %get3A_368 : i32 to index
        %get3A_370 = arith.index_cast %add3A_354 : i32 to index
        %get3A_371 = arith.constant 16 : index
        %get3A_372 = tpu.vector_load %arg10[%get3A_369, %get3A_370, %get3A_371] {strides = array<i32>} : memref<3x128x64xf32, #tpu.memory_space<vmem>>, vector<16xf32>,
        %mul3A_373 = arith.mulf %get3A_372, %get3A_357 : vector<16xf32>
        %swap3A_374 = arith.constant 0 : i32
        %swap3A_375 = arith.index_cast %swap3A_374 : i32 to index
        %swap3A_376 = arith.index_cast %add3A_354 : i32 to index
        %swap3A_377 = arith.constant 16 : index
        %swap3A_378 = tpu.vector_load %arg10[%swap3A_375, %swap3A_376, %swap3A_377] {strides = array<i32>} : memref<3x128x64xf32, #tpu.memory_space<vmem>>, vector<16xf32>,
        tpu.vector_store %arg10[%swap3A_375, %swap3A_376, %swap3A_377], %mul3A_373 {strides = array<i32>} : memref<3x128x64xf32, #tpu.memory_space<vmem>>, vector<16xf32>,
        %get3A_379 = arith.constant 0 : i32
        %get3A_380 = arith.index_cast %get3A_379 : i32 to index
        %get3A_381 = arith.index_cast %add3A_354 : i32 to index
        %get3A_382 = arith.constant 32 : index
        %get3A_383 = tpu.vector_load %arg10[%get3A_380, %get3A_381, %get3A_382] {strides = array<i32>} : memref<3x128x64xf32, #tpu.memory_space<vmem>>, vector<16xf32>,
        %mul3A_384 = arith.mulf %get3A_383, %get3A_357 : vector<16xf32>
        %swap3A_385 = arith.constant 0 : i32
        %swap3A_386 = arith.index_cast %swap3A_385 : i32 to index
        %swap3A_387 = arith.index_cast %add3A_354 : i32 to index
        %swap3A_388 = arith.constant 32 : index
        %swap3A_389 = tpu.vector_load %arg10[%swap3A_386, %swap3A_387, %swap3A_388] {strides = array<i32>} : memref<3x128x64xf32, #tpu.memory_space<vmem>>, vector<16xf32>,
        tpu.vector_store %arg10[%swap3A_386, %swap3A_387, %swap3A_388], %mul3A_384 {strides = array<i32>} : memref<3x128x64xf32, #tpu.memory_space<vmem>>, vector<16xf32>,
        %get3A_390 = arith.constant 0 : i32
        %get3A_391 = arith.index_cast %get3A_390 : i32 to index
        %get3A_392 = arith.index_cast %add3A_354 : i32 to index
        %get3A_393 = arith.constant 48 : index
        %get3A_394 = tpu.vector_load %arg10[%get3A_391, %get3A_392, %get3A_393] {strides = array<i32>} : memref<3x128x64xf32, #tpu.memory_space<vmem>>, vector<16xf32>,
        %mul3A_395 = arith.mulf %get3A_394, %get3A_357 : vector<16xf32>
        %swap3A_396 = arith.constant 0 : i32
        %swap3A_397 = arith.index_cast %swap3A_396 : i32 to index
        %swap3A_398 = arith.index_cast %add3A_354 : i32 to index
        %swap3A_399 = arith.constant 48 : index
        %swap3A_400 = tpu.vector_load %arg10[%swap3A_397, %swap3A_398, %swap3A_399] {strides = array<i32>} : memref<3x128x64xf32, #tpu.memory_space<vmem>>, vector<16xf32>,
        tpu.vector_store %arg10[%swap3A_397, %swap3A_398, %swap3A_399], %mul3A_395 {strides = array<i32>} : memref<3x128x64xf32, #tpu.memory_space<vmem>>, vector<16xf32>,
      }
      %scan3A_318 = arith.constant 128 : i32
      %add3A_319 = arith.addi %mul3A_0, %add3A_286 : i32
      %dma_start3A_320 = arith.constant 0 : i32
      %dma_start3A_321 = arith.constant 0 : i32
      %dma_start3A_322 = arith.constant 0 : i32
      %dma_start3A_323 = tpu.memref_slice %arg10[%dma_start3A_320, %dma_start3A_321, %dma_start3A_322] : memref<3x128x64xf32, #tpu.memory_space<vmem>> -> memref<1x128x64xf32, #tpu.memory_space<vmem>>
      %dma_start3A_324 = tpu.memref_squeeze %dma_start3A_323 : memref<1x128x64xf32, #tpu.memory_space<vmem>> -> memref<128x64xf32, #tpu.memory_space<vmem>>
      %dma_start3A_325 = arith.constant 0 : i32
      %dma_start3A_326 = tpu.memref_slice %arg6[%arg0, %add3A_319, %dma_start3A_325] : memref<2x10240x64xf32, #tpu.memory_space<hbm>> -> memref<1x128x64xf32, #tpu.memory_space<hbm>>
      %dma_start3A_327 = tpu.memref_squeeze %dma_start3A_326 : memref<1x128x64xf32, #tpu.memory_space<hbm>> -> memref<128x64xf32, #tpu.memory_space<hbm>>
      %dma_start3A_328 = arith.constant 0 : i32
      %dma_start3A_329 = tpu.memref_slice %arg6[%arg0, %add3A_319, %dma_start3A_328] : memref<2x10240x64xf32, #tpu.memory_space<hbm>> -> memref<1x128x64xf32, #tpu.memory_space<hbm>>
      %dma_start3A_330 = tpu.memref_squeeze %dma_start3A_329 : memref<1x128x64xf32, #tpu.memory_space<hbm>> -> memref<128x64xf32, #tpu.memory_space<hbm>>
      %dma_start3A_331 = arith.constant 0 : i32
      %dma_start3A_332 = arith.constant 0 : i32
      %dma_start3A_333 = tpu.memref_slice %arg10[%dma_start3A_320, %dma_start3A_331, %dma_start3A_332] : memref<3x128x64xf32, #tpu.memory_space<vmem>> -> memref<1x128x64xf32, #tpu.memory_space<vmem>>
      %dma_start3A_334 = tpu.memref_squeeze %dma_start3A_333 : memref<1x128x64xf32, #tpu.memory_space<vmem>> -> memref<128x64xf32, #tpu.memory_space<vmem>>
      tpu.enqueue_dma source(%dma_start3A_334 : memref<128x64xf32, #tpu.memory_space<vmem>>) target(%dma_start3A_330 : memref<128x64xf32, #tpu.memory_space<hbm>>) target_semaphore(%arg14 : memref<!tpu.dma_semaphore, #tpu.memory_space<semaphore_mem>>)
      %dma_wait3A_335 = arith.constant 0 : i32
      %dma_wait3A_336 = arith.constant 0 : i32
      %dma_wait3A_337 = arith.constant 0 : i32
      %dma_wait3A_338 = tpu.memref_slice %arg10[%dma_wait3A_335, %dma_wait3A_336, %dma_wait3A_337] : memref<3x128x64xf32, #tpu.memory_space<vmem>> -> memref<1x128x64xf32, #tpu.memory_space<vmem>>
      %dma_wait3A_339 = tpu.memref_squeeze %dma_wait3A_338 : memref<1x128x64xf32, #tpu.memory_space<vmem>> -> memref<128x64xf32, #tpu.memory_space<vmem>>
      %dma_wait3A_340 = arith.constant 0 : i32
      %dma_wait3A_341 = tpu.memref_slice %arg6[%arg0, %add3A_319, %dma_wait3A_340] : memref<2x10240x64xf32, #tpu.memory_space<hbm>> -> memref<1x128x64xf32, #tpu.memory_space<hbm>>
      %dma_wait3A_342 = tpu.memref_squeeze %dma_wait3A_341 : memref<1x128x64xf32, #tpu.memory_space<hbm>> -> memref<128x64xf32, #tpu.memory_space<hbm>>
      %dma_wait3A_343 = arith.constant 0 : i32
      %dma_wait3A_344 = tpu.memref_slice %arg6[%arg0, %add3A_319, %dma_wait3A_343] : memref<2x10240x64xf32, #tpu.memory_space<hbm>> -> memref<1x128x64xf32, #tpu.memory_space<hbm>>
      %dma_wait3A_345 = tpu.memref_squeeze %dma_wait3A_344 : memref<1x128x64xf32, #tpu.memory_space<hbm>> -> memref<128x64xf32, #tpu.memory_space<hbm>>
      %dma_wait3A_346 = arith.constant 0 : i32
      %dma_wait3A_347 = arith.constant 0 : i32
      %dma_wait3A_348 = tpu.memref_slice %arg10[%dma_wait3A_335, %dma_wait3A_346, %dma_wait3A_347] : memref<3x128x64xf32, #tpu.memory_space<vmem>> -> memref<1x128x64xf32, #tpu.memory_space<vmem>>
      %dma_wait3A_349 = tpu.memref_squeeze %dma_wait3A_348 : memref<1x128x64xf32, #tpu.memory_space<vmem>> -> memref<128x64xf32, #tpu.memory_space<vmem>>
      tpu.wait_dma2 semaphore(%arg14 : memref<!tpu.dma_semaphore, #tpu.memory_space<semaphore_mem>>) src(%dma_wait3A_349 : memref<128x64xf32, #tpu.memory_space<vmem>>) dst(%dma_wait3A_345 : memref<128x64xf32, #tpu.memory_space<hbm>>)
    }
    %scan3A_281 = arith.constant 5 : i32
    return
  }
}

</mosaic_0001>

<sc_bundles>
// kernel: kernel.4.cloned.1.call-start
scs
__scs_entry_jumppad:
0x0: {  	(pc) =	sbr.rel $0x88, $3  }
0x1: {  	(tag) =	ssettag $0x0;
	lr =	simm.s32 $0x1  }
0x2: {  	[smem:$0x3F9F] =	sst lr;
	_ =	strace $0xD0000000  }
0x3: {  	_ = 	snop  }
0x4: {  	_ = 	snop  }
0x5: {  	_ = 	snop  }
0x6: {  	_ = 	snop  }
0x7: {  	_ = 	snop  }
__scs_overlays_trampoline_lowered:
0x8: {  	[smem:$0x3FAE] =	sst s0  }
0x9: {  	[smem:$0x3FAF] =	sst s1  }
0xa: {  	[smem:$0x3FB0] =	sst s2  }
0xb: {  	[smem:$0x3FB1] =	sst s3  }
0xc: {  	[smem:$0x3FB2] =	sst s4  }
0xd: {  	[smem:$0x3FB3] =	sst s5  }
0xe: {  	[smem:$0x3FB4] =	sst s6  }
0xf: {  	[smem:$0x3FB5] =	sst s7  }
0x10: {  	[smem:$0x3FB6] =	sst s8  }
0x11: {  	[smem:$0x3FB7] =	sst s9;
	s0 =	simm.s32 @!p0 $0x0  }
0x12: {  	s1 =	sld [smem:$0x3F9D];
	s0 =	simm.s32 @p0 $0x1  }
0x13: {  	[smem:$0x3FB8] =	sst s0;
	s0 =	simm.s32 @!p1 $0x0  }
0x14: {  	s2 =	sld [smem:$0x3F9C];
	s0 =	simm.s32 @p1 $0x1  }
0x15: {  	[smem:$0x3FB9] =	sst s0;
	s0 =	simm.s32 @!p2 $0x0  }
0x16: {  	s3 =	sld [smem:$0x3FDB];
	s0 =	simm.s32 @p2 $0x1  }
0x17: {  	s4 =	simm.s32 $0x1BF5;
	[smem:$0x3FBB] =	sst s0  }
0x18: {  	s0 =	sld [smem:$0x3F9E];
	_ =	swait.ge [sflag:s4], $0x0  }
0x19: {  	s7 =	sld [smem:$0x3F9F]  }
0x1a: {  	s8 =	sadd.s32 $0xFFFFE003, lr  }
0x1b: {  	s9 =	sadd.s32 $0xFFFFFEF7, lr;
	s5 =	simm.s32 $0xFFFFFFFF;
	p2 =	slt.u32 s8, $0xFFFFF086  }
0x1c: {  	p1 =	slt.u32 s9, $0xF7A;
	s5 =	simm.s32 @!p2 $0x0  }
0x1d: {  	s5 =	simm.s32 @p1 $0x1;
	p0 =	seq.s32 s7, s2  }
0x1e: {  	s7 =	smul.u32 @!p0 $0xF7A, s2;
	p2 =	seq.s32 @!p0 s5, $0x0  }
0x1f: {  	s9 =	smul.u32 $0xF7A, s1;
	s8 =	simm.s32 @!p0 $0x1BF5;
	p2 =	por !p2, p0  }
0x20: {  	[sflag:s8] =	ssyncset.s32 @!p0 $0xFFFFF086;
	s6 =	sadd.s32 @!p0 s3, s7;
	s7 =	simm.s32 @!p0 $0x108  }
0x21: {  	s3 =	sadd.s32 s3, s9;
	s6 =	sadd.s32 @!p0 $0x88, s6;
	s7 =	simm.s32 @p2 $0x1082  }
0x22: {  	[simem:s7], [sflag:s8] =	dma.local @!p0 [hbm:s6], $0xF7A  }
0x23: {  	s9 =	sor.u32 $0xD0000000, s2;
	s6 =	simm.s32 $0x108;
	_ =	swait.ge @!p0 [sflag:s8], $0x0  }
0x24: {  	s3 =	sadd.s32 $0x88, s3;
	s6 =	simm.s32 @!p1 $0x1082;
	[sflag:s4] =	ssyncset.s32 $0xFFFFF086  }
0x25: {  	[simem:s6], [sflag:s4] =	dma.local [hbm:s3], $0xF7A  }
0x26: {  	[smem:$0x3F9F] =	sst s1;
	(tag) =	ssettag s2;
	_ =	strace s9  }
0x27: {  	s1 =	sld [smem:$0x3FAF]  }
0x28: {  	s2 =	sld [smem:$0x3FB0]  }
0x29: {  	s4 =	sld [smem:$0x3FB2]  }
0x2a: {  	p0 =	seq.s32 s5, $0x0;
	s5 =	sld [smem:$0x3FB3]  }
0x2b: {  	s6 =	sld [smem:$0x3FB4]  }
0x2c: {  	s7 =	sld [smem:$0x3FB5]  }
0x2d: {  	s3 =	simm.s32 $0x108;
	s8 =	sld [smem:$0x3FB6]  }
0x2e: {  	s3 =	simm.s32 @!p0 $0x1082;
	s9 =	sld [smem:$0x3FB7]  }
0x2f: {  	lr =	sadd.s32 s0, s3;
	s0 =	sld [smem:$0x3FAE]  }
0x30: {  	s3 =	sld [smem:$0x3FB1]  }
0x31: {  	[smem:$0x3FBA] =	sst s10  }
0x32: {  	s10 =	sld [smem:$0x3FB8];
	_ =	sdelay $0x3  }
0x33: {  	p0 =	seq.s32 s10, $0x1;
	s10 =	sld [smem:$0x3FBA];
	_ =	sdelay $0x3  }
0x34: {  	[smem:$0x3FBA] =	sst s10  }
0x35: {  	s10 =	sld [smem:$0x3FB9];
	_ =	sdelay $0x3  }
0x36: {  	p1 =	seq.s32 s10, $0x1;
	s10 =	sld [smem:$0x3FBA];
	_ =	sdelay $0x3  }
0x37: {  	[smem:$0x3FBA] =	sst s10  }
0x38: {  	s10 =	sld [smem:$0x3FBB]  }
0x39: {  	_ = 	snop;
	(pc) =	sbr.ind lr, $3  }
0x3a: {  	_ = 	snop  }
0x3b: {  	_ = 	snop  }
0x3c: {  	p2 =	seq.s32 s10, $0x1;
	s10 =	sld [smem:$0x3FBA]  }
0x3d: {  	_ =	shalt  }
0x3e: {  	_ =	shalt  }
0x3f: {  	_ =	shalt  }
0x40: {  	_ =	shalt  }
0x41: {  	_ =	shalt  }
0x42: {  	_ =	shalt  }
0x43: {  	_ =	shalt  }
0x44: {  	_ =	shalt  }
0x45: {  	_ =	shalt  }
0x46: {  	_ =	shalt  }
0x47: {  	_ =	shalt  }
0x48: {  	_ =	shalt  }
0x49: {  	_ =	shalt  }
0x4a: {  	_ =	shalt  }
0x4b: {  	_ =	shalt  }
0x4c: {  	_ =	shalt  }
0x4d: {  	_ =	shalt  }
0x4e: {  	_ =	shalt  }
0x4f: {  	_ =	shalt  }
0x50: {  	_ =	shalt  }
0x51: {  	_ =	shalt  }
0x52: {  	_ =	shalt  }
0x53: {  	_ =	shalt  }
0x54: {  	_ =	shalt  }
0x55: {  	_ =	shalt  }
0x56: {  	_ =	shalt  }
0x57: {  	_ =	shalt  }
0x58: {  	_ =	shalt  }
0x59: {  	_ =	shalt  }
0x5a: {  	_ =	shalt  }
0x5b: {  	_ =	shalt  }
0x5c: {  	_ =	shalt  }
0x5d: {  	_ =	shalt  }
0x5e: {  	_ =	shalt  }
0x5f: {  	_ =	shalt  }
0x60: {  	_ =	shalt  }
0x61: {  	_ =	shalt  }
0x62: {  	_ =	shalt  }
0x63: {  	_ =	shalt  }
0x64: {  	_ =	shalt  }
0x65: {  	_ =	shalt  }
0x66: {  	_ =	shalt  }
0x67: {  	_ =	shalt  }
0x68: {  	_ =	shalt  }
0x69: {  	_ =	shalt  }
0x6a: {  	_ =	shalt  }
0x6b: {  	_ =	shalt  }
0x6c: {  	_ =	shalt  }
0x6d: {  	_ =	shalt  }
0x6e: {  	_ =	shalt  }
0x6f: {  	_ =	shalt  }
0x70: {  	_ =	shalt  }
0x71: {  	_ =	shalt  }
0x72: {  	_ =	shalt  }
0x73: {  	_ =	shalt  }
0x74: {  	_ =	shalt  }
0x75: {  	_ =	shalt  }
0x76: {  	_ =	shalt  }
0x77: {  	_ =	shalt  }
0x78: {  	_ =	shalt  }
0x79: {  	_ =	shalt  }
0x7a: {  	_ =	shalt  }
0x7b: {  	_ =	shalt  }
0x7c: {  	_ =	shalt  }
0x7d: {  	_ =	shalt  }
0x7e: {  	_ =	shalt  }
0x7f: {  	_ =	shalt  }
0x80: {  	_ =	shalt  }
0x81: {  	_ =	shalt  }
0x82: {  	_ =	shalt  }
0x83: {  	_ =	shalt  }
0x84: {  	_ =	shalt  }
0x85: {  	_ =	shalt  }
0x86: {  	_ =	shalt  }
0x87: {  	_ =	shalt  }
.Lfunc_end0:
.L_simem_size_0:
called_computation_lowered:
.L_overlay_start_0:
0x88: {  	s2 =	sld [smem:$0x3FD9]  }
0x89: {  	s3 =	sld [smem:$0x3FFE];
	_ =	sdelay $0x1  }
0x8a: {  	s1 =	srdreg.scid  }
0x8b: {  	s0 =	sand.u32 $0x1, s1  }
0x8c: {  	s16 =	sshll.u32 s0, $0xA;
	s2 =	sadd.s32 s3, s2  }
0x8d: {  	s2 =	sadd.s32 s2, s16  }
0x8e: {  	[smem:$0x3FC6] =	sst s2  }
0x8f: {  	_ = 	snop  }
0x90: {  	(tm) =	ssettm $0x1  }
0x91: {  	s17 =	sld [smem:$0x3FFB];
	_ =	sdelay $0x3  }
0x92: {  	_ =	strace s17  }
0x93: {  	s2 =	sld [smem:$0x3FFC];
	_ =	sdelay $0x3  }
0x94: {  	_ =	strace s2  }
0x95: {  	s2 =	sld [smem:$0x3FFD];
	_ =	sdelay $0x3  }
0x96: {  	_ =	strace s2  }
0x97: {  	_ =	strace $0x8FFFFFFF  }
0x98: {  	s18 =	sld [smem:$0x3FDB];
	_ =	sdelay $0x1  }
0x99: {  	s19 =	simm.s32 $_scs_section_size  }
0x9a: {  	s4 =	simm.s32 $_size__tile_overlayer_lowered;
	s5 =	simm.s32 $_tile_overlayer_lowered  }
0x9b: {  	s22 =	simm.s32 $0x1BFF;
	s21 =	sshll.u32 s5, $0x1;
	s2 =	sadd.s32 s19, s18  }
0x9c: {  	s6 =	simm.s32 $0x0;
	s20 =	sshll.u32 s4, $0x1;
	s4 =	sadd.s32 s21, s2  }
0x9d: {  	[timem:s6], [sflag:s22] =	dma.local [hbm:s4], s20  }
0x9e: {  	_ =	swait.ge [sflag:s22], s20  }
0x9f: {  	s3 =	ssub.s32 $0x0, s20;
	[sflag:s22] =	ssyncset.done $0x0  }
0xa0: {  	[sflag:s22] =	ssyncadd.s32 s3;
	_ =	sdelay $0x1  }
0xa1: {  	s23 =	simm.s32 $0x1B8B  }
0xa2: {  	_ =	swait.ge [sflag:s23], $0x1  }
0xa3: {  	[sflag:s23] =	ssyncset.done $0x0  }
0xa4: {  	s25 =	simm.s32 $0x1B8E;
	s24 =	sld [smem:$0x3FFE];
	[sflag:s23] =	ssyncadd.s32 $0xFFFFFFFF  }
0xa5: {  	s26 =	simm.s32 $execute0_lowered;
	[smem:$0x3FD2] =	sst s25  }
0xa6: {  	s4 =	sshll.u32 s26, $0x1;
	_ =	strace $0x80000046;
	[dreg:$0x1] =	wrdreg $0xFFFFFFFF  }
0xa7: {  	s28 =	simm.s32 $_size_execute0_lowered;
	s2 =	sadd.s32 s2, s4;
	[dreg:$0x0] =	wrdreg $0x0  }
0xa8: {  	s4 =	sshll.u32 s28, $0x1;
	[dreg:$0x2] =	wrdreg s2  }
0xa9: {  	[dreg:$0x3] =	wrdreg s4  }
0xaa: {  	[dreg:$0x4] =	wrdreg $0xC0  }
0xab: {  	_ =	task [dreg:s6], $0x5FFFF  }
0xac: {  	[dreg:$0x1] =	wrdreg $0xFFFFFFFF  }
0xad: {  	[dreg:$0x0] =	wrdreg $0x60  }
0xae: {  	[dreg:$0x2] =	wrdreg s24  }
0xaf: {  	[dreg:$0x3] =	wrdreg $0x81800  }
0xb0: {  	[dreg:$0x4] =	wrdreg $0x9  }
0xb1: {  	_ =	task.clear_ibuf [dreg:s6], $0x5FFFF;
	_ =	strace $0x90000046  }
0xb2: {  	s29 =	simm.s32 $0x9;
	_ =	strace $0x80000048  }
0xb3: {  	_ =	swait.ge [sflag:s29], $0x1  }
0xb4: {  	[sflag:s29] =	ssyncadd.s32 $0xFFFFFFFF  }
0xb5: {  	_ =	strace $0x90000048  }
0xb6: {  	_ =	sfence  }
0xb7: {  	s30 =	sld [smem:$0x0];
	_ =	sdelay $0x2  }
0xb8: {  	s31 =	sshll.u32 s1, $0xD;
	s1 =	sshrl.u32 s1, $0x2  }
0xb9: {  	s3 =	sand.u32 $0x4000, s31;
	s1 =	sadd.s32 s1, s30  }
0xba: {  	s0 =	sor.u32 s3, s0;
	s1 =	sshll.u32 s1, $0x11  }
0xbb: {  	s0 =	sor.u32 s1, s0  }
0xbc: {  	s0 =	sadd.s32 $0x8F2B, s0  }
0xbd: {  	[sflag:s0] =	ssyncadd.remote.s32 $0x1  }
0xbe: {  	_ =	sfence.sel $0xFFFF  }
0xbf: {  	[dreg:$0x0] =	wrdreg $0xFFFFFFFF;
	(pc) =	sbr.abs _section_cstart, $3  }
0xc0: {  	[dreg:$0x1] =	wrdreg $0xFFFFFFFF  }
0xc1: {  	_ =	task.clear_ibuf [dreg:s6], $0x2FFFF;
	_ =	strace $0x9FFFFFFF  }
0xc2: {  	(tm) =	ssettm $0x7FFFFFFF  }
0xc3: {  	_ =	shalt  }
tec
execute0_lowered:
.L_overlay_start_1:
0x0: {  	(tag) =	ssettag $0x1  }
0x1: {  	s6 =	rddreg [dreg:$0x0]  }
0x2: {  	s0 =	srdreg.scid;
	s2 =	rddreg [dreg:$0x1];
	s3 =	simm.s32 $0x0  }
0x3: {  	s13 =	simm.s32 $0x7980;
	s14 =	simm.s32 $0x80;
	s15 =	simm.s32 $0x2  }
0x4: {  	s16 =	simm.s32 $0x0;
	s5 =	sand.u32 $0x1, s0;
	s0 =	stileid.u32  }
0x5: {  	[smem:$0x7FF] =	sst s3;
	s1 =	sshll.u32 s5, $0x4;
	s7 =	smul.u32 $0x2800, s0  }
0x6: {  	s8 =	smul.u32 $0x28000, s5;
	s10 =	ssub.s32 $0x2, s5;
	s5 =	sadd.s32 $0x16200, s6  }
0x7: {  	s30 =	sshll.u32 s0, $0x6;
	s1 =	sor.u32 s0, s1;
	s11 =	sshrl.u32 s10, $0x1  }
0x8: {  	s4 =	smul.u32 $0x2880, s1;
	s1 =	rddreg [dreg:$0x2];
	_ =	strace $0x80000047  }
0x9: {  	s8 =	sadd.s32 s7, s8;
	s10 =	ssub.s32 s10, s11;
	s31 =	sadd.s32 s7, s2  }
0xa: {  	s8 =	sshrl.u32 s8, $0x3;
	s10 =	smax.u32 s10, $0x1;
	s4 =	sshrl.u32 s4, $0x3  }
0xb: {  	s11 =	sshrl.u32 s31, $0x3;
	s12 =	sadd.s32 s8, s6;
	s9 =	sadd.s32 s4, s6  }
0xc: {  	v0 =	vlaneseq.u32;
	s4 =	sadd.s32 $0x15C00, s6;
	s6 =	sor.u32 $0x1C01, s30;
	s7 =	sadd.s32 $0x1800, s9  }
0xd: {  	v0 =	vor.u32 $0x2710, v0;
	s8 =	sadd.s32 $0xBA00, s9;
	s9 =	sadd.s32 $0x16400, s12;
	s12 =	simm.s32 $0x1  }
.LBB2_1:
0xe: {  	[spmem:s11], [sflag:s6] =	dma.local [hbm:s4], $0x500  }
0xf: {  	_ =	swait.ge [sflag:s12], $0x500  }
0x10: {  	[sflag:s12] =	ssyncset.done $0x0  }
0x11: {  	[sflag:s12] =	ssyncadd.s32 $0xFFFFFB00  }
0x12: {  	[tilespmem:s3], [sflag:$0x1] =	stream.linear.gather [hbm4b:s7+s3], $0x2880, $0x38;
	[tilespmem:$0xA980] =	vst v63  }
0x13: {  	_ =	swait.ge [sflag:s12], $0x2880  }
0x14: {  	[sflag:s12] =	ssyncset.done $0x0  }
0x15: {  	s17 =	simm.s32 $0x2880;
	[sflag:s12] =	ssyncadd.s32 $0xFFFFD780  }
0x16: {  	[tilespmem:s17], [sflag:$0x1] =	stream.linear.gather [hbm4b:s8+s3], $0x2880, $0x38;
	[tilespmem:$0xA980] =	vst v63  }
0x17: {  	_ =	swait.ge [sflag:s12], $0x2880  }
0x18: {  	[sflag:s12] =	ssyncset.done $0x0  }
0x19: {  	[sflag:s12] =	ssyncadd.s32 $0xFFFFD780  }
0x1a: {  	[tilespmem:s13], [sflag:$0x1] =	stream.linear.gather [hbm4b:s5+s3], $0x800, $0x38;
	[tilespmem:$0xA980] =	vst v63  }
0x1b: {  	_ =	swait.ge [sflag:s12], $0x800  }
0x1c: {  	[sflag:s12] =	ssyncset.done $0x0  }
0x1d: {  	s18 =	simm.s32 $0x5100;
	[sflag:s12] =	ssyncadd.s32 $0xFFFFF800  }
0x1e: {  	s19 =	simm.s32 $0x0;
	s20 =	simm.s32 $0x0;
	[bflag:$0x0] =	sbarrier.arrive $0xFFFF  }
.LBB2_2:
0x1f: {  	v1 =	vld [tilespmem:s17+$0x0]  }
0x20: {  	v2 =	vld [tilespmem:s19+$0x0];
	_ =	sdelay $0x3  }
0x21: {  	s21 =	simm.s32 $0x0  }
0x22: {  	v3 =	vadd.s32 s21, v0;
	vm0 =	veq.s32 v2, v1  }
0x23: {  	v1 =	vsel vm0, v3, v2  }
0x24: {  	s21 =	sadd.s32 $0x10, s17;
	[tilespmem:s18+$0x0] =	vst v1  }
0x25: {  	s23 =	sadd.s32 $0x10, s19;
	v1 =	vld [tilespmem:s21+$0x0]  }
0x26: {  	s24 =	simm.s32 $0x10;
	s25 =	simm.s32 $0x20;
	s22 =	smov.u32 s18;
	v2 =	vld [tilespmem:s23+$0x0]  }
.LBB2_3:
0x27: {  	p0 =	sne.s32 s25, $0x70;
	_ =	sdelay $0x3  }
.Ltmp0:
0x28: {  	v3 =	vadd.s32 s24, v0;
	s24 =	smov.u32 s25;
	vm0 =	veq.s32 v2, v1;
	(pc) =	sbr.rel @p0 .LBB2_3-.Ltmp0, $4  }
0x29: {  	s22 =	sadd.s32 $0x10, s22;
	v1 =	vsel vm0, v3, v2  }
0x2a: {  	s21 =	sadd.s32 $0x10, s21;
	[tilespmem:s22+$0x0] =	vst v1  }
0x2b: {  	s23 =	sadd.s32 $0x10, s23;
	v1 =	vld [tilespmem:s21+$0x0]  }
0x2c: {  	s25 =	sadd.s32 $0x10, s25;
	v2 =	vld [tilespmem:s23+$0x0]  }
0x2d: {  	_ = 	snop  }
0x2e: {  	s21 =	sshll.u32 s20, $0x7;
	s20 =	sadd.s32 $0x1, s20  }
0x2f: {  	p0 =	sne.s32 s20, $0x51  }
.Ltmp1:
0x30: {  	_ = 	snop;
	(pc) =	sbr.rel @p0 .LBB2_2-.Ltmp1, $4  }
0x31: {  	v3 =	vadd.s32 s24, v0;
	vm0 =	veq.s32 v2, v1  }
0x32: {  	s22 =	sadd.s32 $0x10, s22;
	s19 =	sadd.s32 $0x80, s19;
	s21 =	sand.u32 $0x3FFFFF80, s21;
	v1 =	vsel vm0, v3, v2  }
0x33: {  	s17 =	sadd.s32 $0x80, s17;
	s18 =	sadd.s32 $0x80, s18;
	s21 =	sadd.s32 $0x5100, s21;
	[tilespmem:s22+$0x0] =	vst v1  }
0x34: {  	[spmem:s2] =	stream.indirect.scatter.add.f32 [tilespmem:s13], [sflag:$0x2], $0x10, s21, s14, $0xb8;
	[tilespmem:$0xA980] =	vst v63  }
0x35: {  	_ =	swait.ge [sflag:s15], $0x800  }
0x36: {  	s17 =	simm.s32 $0x50;
	[sflag:s15] =	ssyncset.done $0x0  }
.LBB2_6:
0x37: {  	p0 =	sne.s32 s17, $0x1;
	s17 =	sadd.s32 $0xFFFFFFFF, s17;
	[sflag:s15] =	ssyncadd.s32 $0xFFFFF800  }
.Ltmp2:
0x38: {  	(pc) =	sbr.rel @p0 .LBB2_6-.Ltmp2, $3  }
0x39: {  	_ =	sdelay $0x1  }
0x3a: {  	_ =	swait.ge [sflag:s15], $0x800  }
0x3b: {  	[sflag:s15] =	ssyncset.done $0x0  }
0x3c: {  	s16 =	sadd.s32 $0x1, s16  }
0x3d: {  	[sflag:s15] =	ssyncadd.s32 $0xFFFFF800;
	p0 =	sne.s32 s16, s10  }
.Ltmp3:
0x3e: {  	[bflag:$0x0] =	sbarrier.arrive $0xFFFF;
	(pc) =	sbr.rel @p0 .LBB2_1-.Ltmp3, $4  }
0x3f: {  	[hbm:s9], [sflag:s6] =	dma.local [spmem:s11], $0x500  }
0x40: {  	_ =	swait.ge [sflag:s12], $0x500  }
0x41: {  	[sflag:s12] =	ssyncset.done $0x0  }
0x42: {  	[sflag:s12] =	ssyncadd.s32 $0xFFFFFB00  }
0x43: {  	_ =	sfence.sel $0x180000  }
0x44: {  	[bflag:$0x0] =	sbarrier.arrive $0xFFFF  }
0x45: {  	p0 =	sne.s32 s0, $0x0;
	_ =	strace $0x90000047  }
0x46: {  	s0 =	sadd.s32 @!p0 $0x100000, s1;
	[bflag:$0x2] =	sbarrier.arrive $0xFFFF  }
0x47: {  	[sflag:s0] =	ssyncadd.tile.s32 @!p0 $0x1;
	_ =	shalt  }
.Lfunc_end2:
_tile_overlayer_lowered:
.L_overlay_start_2:
0x48: {  	(tag) =	ssettag $0x2  }
0x49: {  	s0 =	rddreg [dreg:$0x0];
	s2 =	stileid.u32  }
0x4a: {  	s1 =	rddreg [dreg:$0x1];
	p0 =	sne.s32 s2, $0x0  }
0x4b: {  	s3 =	rddreg [dreg:$0x2];
	[bflag:$0x3] =	sbarrier.arrive $0xFFFF;
	s2 =	simm.s32 @!p0 $0x1C03  }
0x4c: {  	[timem:s3], [sflag:s2] =	dma.local @!p0 [hbm:s0], s1  }
0x4d: {  	s0 =	simm.s32 @!p0 $0x3  }
0x4e: {  	_ =	swait.ge @!p0 [sflag:s0], s1  }
0x4f: {  	s1 =	ssub.s32 @!p0 $0x0, s1;
	[sflag:s0] =	ssyncset.done @!p0 $0x0  }
0x50: {  	[sflag:s0] =	ssyncadd.s32 @!p0 s1  }
0x51: {  	[bflag:$0x3] =	sbarrier.arrive $0xFFFF  }
0x52: {  	_ =	shalt  }

// kernel: kernel.7.cloned.1.call-start
scs
__scs_entry_jumppad:
0x0: {  	(pc) =	sbr.rel $0x88, $3  }
0x1: {  	(tag) =	ssettag $0x0;
	lr =	simm.s32 $0x1  }
0x2: {  	[smem:$0x3F9F] =	sst lr;
	_ =	strace $0xD0000000  }
0x3: {  	_ = 	snop  }
0x4: {  	_ = 	snop  }
0x5: {  	_ = 	snop  }
0x6: {  	_ = 	snop  }
0x7: {  	_ = 	snop  }
__scs_overlays_trampoline_lowered:
0x8: {  	[smem:$0x3FAE] =	sst s0  }
0x9: {  	[smem:$0x3FAF] =	sst s1  }
0xa: {  	[smem:$0x3FB0] =	sst s2  }
0xb: {  	[smem:$0x3FB1] =	sst s3  }
0xc: {  	[smem:$0x3FB2] =	sst s4  }
0xd: {  	[smem:$0x3FB3] =	sst s5  }
0xe: {  	[smem:$0x3FB4] =	sst s6  }
0xf: {  	[smem:$0x3FB5] =	sst s7  }
0x10: {  	[smem:$0x3FB6] =	sst s8  }
0x11: {  	[smem:$0x3FB7] =	sst s9;
	s0 =	simm.s32 @!p0 $0x0  }
0x12: {  	s1 =	sld [smem:$0x3F9D];
	s0 =	simm.s32 @p0 $0x1  }
0x13: {  	[smem:$0x3FB8] =	sst s0;
	s0 =	simm.s32 @!p1 $0x0  }
0x14: {  	s2 =	sld [smem:$0x3F9C];
	s0 =	simm.s32 @p1 $0x1  }
0x15: {  	[smem:$0x3FB9] =	sst s0;
	s0 =	simm.s32 @!p2 $0x0  }
0x16: {  	s3 =	sld [smem:$0x3FDB];
	s0 =	simm.s32 @p2 $0x1  }
0x17: {  	s4 =	simm.s32 $0x1BF5;
	[smem:$0x3FBB] =	sst s0  }
0x18: {  	s0 =	sld [smem:$0x3F9E];
	_ =	swait.ge [sflag:s4], $0x0  }
0x19: {  	s7 =	sld [smem:$0x3F9F]  }
0x1a: {  	s8 =	sadd.s32 $0xFFFFE003, lr  }
0x1b: {  	s9 =	sadd.s32 $0xFFFFFEF7, lr;
	s5 =	simm.s32 $0xFFFFFFFF;
	p2 =	slt.u32 s8, $0xFFFFF086  }
0x1c: {  	p1 =	slt.u32 s9, $0xF7A;
	s5 =	simm.s32 @!p2 $0x0  }
0x1d: {  	s5 =	simm.s32 @p1 $0x1;
	p0 =	seq.s32 s7, s2  }
0x1e: {  	s7 =	smul.u32 @!p0 $0xF7A, s2;
	p2 =	seq.s32 @!p0 s5, $0x0  }
0x1f: {  	s9 =	smul.u32 $0xF7A, s1;
	s8 =	simm.s32 @!p0 $0x1BF5;
	p2 =	por !p2, p0  }
0x20: {  	[sflag:s8] =	ssyncset.s32 @!p0 $0xFFFFF086;
	s6 =	sadd.s32 @!p0 s3, s7;
	s7 =	simm.s32 @!p0 $0x108  }
0x21: {  	s3 =	sadd.s32 s3, s9;
	s6 =	sadd.s32 @!p0 $0x88, s6;
	s7 =	simm.s32 @p2 $0x1082  }
0x22: {  	[simem:s7], [sflag:s8] =	dma.local @!p0 [hbm:s6], $0xF7A  }
0x23: {  	s9 =	sor.u32 $0xD0000000, s2;
	s6 =	simm.s32 $0x108;
	_ =	swait.ge @!p0 [sflag:s8], $0x0  }
0x24: {  	s3 =	sadd.s32 $0x88, s3;
	s6 =	simm.s32 @!p1 $0x1082;
	[sflag:s4] =	ssyncset.s32 $0xFFFFF086  }
0x25: {  	[simem:s6], [sflag:s4] =	dma.local [hbm:s3], $0xF7A  }
0x26: {  	[smem:$0x3F9F] =	sst s1;
	(tag) =	ssettag s2;
	_ =	strace s9  }
0x27: {  	s1 =	sld [smem:$0x3FAF]  }
0x28: {  	s2 =	sld [smem:$0x3FB0]  }
0x29: {  	s4 =	sld [smem:$0x3FB2]  }
0x2a: {  	p0 =	seq.s32 s5, $0x0;
	s5 =	sld [smem:$0x3FB3]  }
0x2b: {  	s6 =	sld [smem:$0x3FB4]  }
0x2c: {  	s7 =	sld [smem:$0x3FB5]  }
0x2d: {  	s3 =	simm.s32 $0x108;
	s8 =	sld [smem:$0x3FB6]  }
0x2e: {  	s3 =	simm.s32 @!p0 $0x1082;
	s9 =	sld [smem:$0x3FB7]  }
0x2f: {  	lr =	sadd.s32 s0, s3;
	s0 =	sld [smem:$0x3FAE]  }
0x30: {  	s3 =	sld [smem:$0x3FB1]  }
0x31: {  	[smem:$0x3FBA] =	sst s10  }
0x32: {  	s10 =	sld [smem:$0x3FB8];
	_ =	sdelay $0x3  }
0x33: {  	p0 =	seq.s32 s10, $0x1;
	s10 =	sld [smem:$0x3FBA];
	_ =	sdelay $0x3  }
0x34: {  	[smem:$0x3FBA] =	sst s10  }
0x35: {  	s10 =	sld [smem:$0x3FB9];
	_ =	sdelay $0x3  }
0x36: {  	p1 =	seq.s32 s10, $0x1;
	s10 =	sld [smem:$0x3FBA];
	_ =	sdelay $0x3  }
0x37: {  	[smem:$0x3FBA] =	sst s10  }
0x38: {  	s10 =	sld [smem:$0x3FBB]  }
0x39: {  	_ = 	snop;
	(pc) =	sbr.ind lr, $3  }
0x3a: {  	_ = 	snop  }
0x3b: {  	_ = 	snop  }
0x3c: {  	p2 =	seq.s32 s10, $0x1;
	s10 =	sld [smem:$0x3FBA]  }
0x3d: {  	_ =	shalt  }
0x3e: {  	_ =	shalt  }
0x3f: {  	_ =	shalt  }
0x40: {  	_ =	shalt  }
0x41: {  	_ =	shalt  }
0x42: {  	_ =	shalt  }
0x43: {  	_ =	shalt  }
0x44: {  	_ =	shalt  }
0x45: {  	_ =	shalt  }
0x46: {  	_ =	shalt  }
0x47: {  	_ =	shalt  }
0x48: {  	_ =	shalt  }
0x49: {  	_ =	shalt  }
0x4a: {  	_ =	shalt  }
0x4b: {  	_ =	shalt  }
0x4c: {  	_ =	shalt  }
0x4d: {  	_ =	shalt  }
0x4e: {  	_ =	shalt  }
0x4f: {  	_ =	shalt  }
0x50: {  	_ =	shalt  }
0x51: {  	_ =	shalt  }
0x52: {  	_ =	shalt  }
0x53: {  	_ =	shalt  }
0x54: {  	_ =	shalt  }
0x55: {  	_ =	shalt  }
0x56: {  	_ =	shalt  }
0x57: {  	_ =	shalt  }
0x58: {  	_ =	shalt  }
0x59: {  	_ =	shalt  }
0x5a: {  	_ =	shalt  }
0x5b: {  	_ =	shalt  }
0x5c: {  	_ =	shalt  }
0x5d: {  	_ =	shalt  }
0x5e: {  	_ =	shalt  }
0x5f: {  	_ =	shalt  }
0x60: {  	_ =	shalt  }
0x61: {  	_ =	shalt  }
0x62: {  	_ =	shalt  }
0x63: {  	_ =	shalt  }
0x64: {  	_ =	shalt  }
0x65: {  	_ =	shalt  }
0x66: {  	_ =	shalt  }
0x67: {  	_ =	shalt  }
0x68: {  	_ =	shalt  }
0x69: {  	_ =	shalt  }
0x6a: {  	_ =	shalt  }
0x6b: {  	_ =	shalt  }
0x6c: {  	_ =	shalt  }
0x6d: {  	_ =	shalt  }
0x6e: {  	_ =	shalt  }
0x6f: {  	_ =	shalt  }
0x70: {  	_ =	shalt  }
0x71: {  	_ =	shalt  }
0x72: {  	_ =	shalt  }
0x73: {  	_ =	shalt  }
0x74: {  	_ =	shalt  }
0x75: {  	_ =	shalt  }
0x76: {  	_ =	shalt  }
0x77: {  	_ =	shalt  }
0x78: {  	_ =	shalt  }
0x79: {  	_ =	shalt  }
0x7a: {  	_ =	shalt  }
0x7b: {  	_ =	shalt  }
0x7c: {  	_ =	shalt  }
0x7d: {  	_ =	shalt  }
0x7e: {  	_ =	shalt  }
0x7f: {  	_ =	shalt  }
0x80: {  	_ =	shalt  }
0x81: {  	_ =	shalt  }
0x82: {  	_ =	shalt  }
0x83: {  	_ =	shalt  }
0x84: {  	_ =	shalt  }
0x85: {  	_ =	shalt  }
0x86: {  	_ =	shalt  }
0x87: {  	_ =	shalt  }
.Lfunc_end0:
.L_simem_size_0:
called_computation.1_lowered:
.L_overlay_start_0:
0x88: {  	s2 =	sld [smem:$0x3FD9]  }
0x89: {  	s3 =	sld [smem:$0x3FFE];
	_ =	sdelay $0x1  }
0x8a: {  	s1 =	srdreg.scid  }
0x8b: {  	s0 =	sand.u32 $0x1, s1  }
0x8c: {  	s17 =	sshll.u32 s0, $0xA;
	s2 =	sadd.s32 s3, s2  }
0x8d: {  	s2 =	sadd.s32 s2, s17  }
0x8e: {  	[smem:$0x3FC6] =	sst s2  }
0x8f: {  	_ = 	snop  }
0x90: {  	s2 =	sld [smem:$0x3FD0];
	(tm) =	ssettm $0x1  }
0x91: {  	s18 =	sld [smem:$0x3FFB];
	_ =	sdelay $0x3  }
0x92: {  	_ =	strace s18  }
0x93: {  	s3 =	sld [smem:$0x3FFC];
	_ =	sdelay $0x3  }
0x94: {  	_ =	strace s3  }
0x95: {  	s3 =	sld [smem:$0x3FFD];
	_ =	sdelay $0x3  }
0x96: {  	_ =	strace s3  }
0x97: {  	_ =	strace $0x8FFFFFFF  }
0x98: {  	s19 =	sld [smem:$0x3FDB];
	_ =	sdelay $0x1  }
0x99: {  	s4 =	simm.s32 $_scs_section_size  }
0x9a: {  	s5 =	simm.s32 $_size__tile_overlayer_lowered;
	s6 =	simm.s32 $_tile_overlayer_lowered  }
0x9b: {  	s22 =	simm.s32 $0x1BFF;
	s21 =	sshll.u32 s6, $0x1;
	s3 =	sadd.s32 s4, s19  }
0x9c: {  	s7 =	simm.s32 $0x0;
	s20 =	sshll.u32 s5, $0x1;
	s5 =	sadd.s32 s21, s3  }
0x9d: {  	[timem:s7], [sflag:s22] =	dma.local [hbm:s5], s20  }
0x9e: {  	_ =	swait.ge [sflag:s22], s20  }
0x9f: {  	s4 =	ssub.s32 $0x0, s20;
	[sflag:s22] =	ssyncset.done $0x0  }
0xa0: {  	[sflag:s22] =	ssyncadd.s32 s4;
	_ =	sdelay $0x1  }
0xa1: {  	s23 =	simm.s32 $0x1B8B  }
0xa2: {  	_ =	swait.ge [sflag:s23], $0x1  }
0xa3: {  	[sflag:s23] =	ssyncset.done $0x0  }
0xa4: {  	s25 =	simm.s32 $0x1B8E;
	s24 =	sld [smem:$0x3FFE];
	[sflag:s23] =	ssyncadd.s32 $0xFFFFFFFF  }
0xa5: {  	s26 =	simm.s32 $execute0_lowered;
	[smem:$0x3FD2] =	sst s25  }
0xa6: {  	s5 =	sshll.u32 s26, $0x1;
	_ =	strace $0x80000049;
	[dreg:$0x1] =	wrdreg $0xFFFFFFFF  }
0xa7: {  	s28 =	simm.s32 $_size_execute0_lowered;
	s3 =	sadd.s32 s3, s5;
	[dreg:$0x0] =	wrdreg $0x0  }
0xa8: {  	s5 =	sshll.u32 s28, $0x1;
	[dreg:$0x2] =	wrdreg s3  }
0xa9: {  	[dreg:$0x3] =	wrdreg s5  }
0xaa: {  	[dreg:$0x4] =	wrdreg $0xC0  }
0xab: {  	_ =	task [dreg:s7], $0x5FFFF  }
0xac: {  	[dreg:$0x1] =	wrdreg $0xFFFFFFFF  }
0xad: {  	[dreg:$0x0] =	wrdreg $0x60  }
0xae: {  	[dreg:$0x2] =	wrdreg s2  }
0xaf: {  	[dreg:$0x3] =	wrdreg s24  }
0xb0: {  	[dreg:$0x4] =	wrdreg $0x152000  }
0xb1: {  	[dreg:$0x5] =	wrdreg $0x9  }
0xb2: {  	_ =	task.clear_ibuf [dreg:s7], $0x6FFFF;
	_ =	strace $0x90000049  }
0xb3: {  	s29 =	simm.s32 $0x9;
	_ =	strace $0x8000004B  }
0xb4: {  	_ =	swait.ge [sflag:s29], $0x1  }
0xb5: {  	[sflag:s29] =	ssyncadd.s32 $0xFFFFFFFF  }
0xb6: {  	_ =	strace $0x9000004B  }
0xb7: {  	_ =	sfence  }
0xb8: {  	s30 =	sld [smem:$0x0];
	_ =	sdelay $0x2  }
0xb9: {  	s31 =	sshll.u32 s1, $0xD;
	s1 =	sshrl.u32 s1, $0x2  }
0xba: {  	s3 =	sand.u32 $0x4000, s31;
	s1 =	sadd.s32 s1, s30  }
0xbb: {  	s0 =	sor.u32 s3, s0;
	s1 =	sshll.u32 s1, $0x11  }
0xbc: {  	s0 =	sor.u32 s1, s0  }
0xbd: {  	s0 =	sadd.s32 $0x8F2B, s0  }
0xbe: {  	[sflag:s0] =	ssyncadd.remote.s32 $0x1  }
0xbf: {  	_ =	sfence.sel $0xFFFF  }
0xc0: {  	[dreg:$0x0] =	wrdreg $0xFFFFFFFF;
	(pc) =	sbr.abs _section_cstart, $3  }
0xc1: {  	[dreg:$0x1] =	wrdreg $0xFFFFFFFF  }
0xc2: {  	_ =	task.clear_ibuf [dreg:s7], $0x2FFFF;
	_ =	strace $0x9FFFFFFF  }
0xc3: {  	(tm) =	ssettm $0x7FFFFFFF  }
tec
execute0_lowered:
.L_overlay_start_1:
0x0: {  	(tag) =	ssettag $0x1  }
0x1: {  	s1 =	rddreg [dreg:$0x0]  }
0x2: {  	s0 =	rddreg [dreg:$0x1]  }
0x3: {  	s3 =	rddreg [dreg:$0x2];
	s4 =	simm.s32 $0x0;
	s12 =	stileid.u32  }
0x4: {  	s6 =	srdreg.scid;
	s28 =	simm.s32 $0x3;
	s2 =	smul.u32 $0x5100, s12  }
0x5: {  	s31 =	simm.s32 $0x6;
	[smem:$0x7FF] =	sst s4;
	s5 =	smul.u32 $0x2800, s12  }
0x6: {  	s7 =	sadd.s32 $0x20400, s0;
	s9 =	sand.u32 $0x1, s6;
	s8 =	sadd.s32 $0x21800, s0  }
0x7: {  	s22 =	sadd.s32 $0x1AF00, s0;
	_ =	strace $0x8000004A;
	[dreg:$0x4] =	wrdreg s7  }
0x8: {  	s10 =	ssub.s32 $0x2, s9;
	s7 =	sadd.s32 $0x48A00, s0;
	[dreg:$0x7] =	wrdreg s22  }
0x9: {  	s26 =	smul.u32 $0x13880, s9;
	s2 =	sshrl.u32 s2, $0x3;
	s5 =	sshrl.u32 s5, $0x3  }
0xa: {  	s2 =	sadd.s32 s2, s0;
	s5 =	sadd.s32 s5, s0;
	s0 =	sadd.s32 $0x1FF00, s0  }
0xb: {  	s19 =	sadd.s32 s8, s26;
	s26 =	sadd.s32 $0x9A000, s3;
	[dreg:$0x8] =	wrdreg s0  }
0xc: {  	s6 =	smul.u32 $0x9C400, s9;
	s13 =	sadd.s32 $0x16400, s5;
	[dreg:$0x18] =	wrdreg s26  }
0xd: {  	s11 =	sshrl.u32 s10, $0x1;
	s5 =	sadd.s32 $0x1B400, s5;
	[dreg:$0x5] =	wrdreg s13  }
0xe: {  	s10 =	ssub.s32 s10, s11;
	s25 =	sadd.s32 $0x1800, s2;
	[dreg:$0x6] =	wrdreg s5  }
0xf: {  	s11 =	sshrl.u32 s6, $0x3;
	s14 =	sadd.s32 $0xBA00, s2;
	[dreg:$0xb] =	wrdreg s25  }
0x10: {  	s21 =	sadd.s32 $0x13800, s11;
	s16 =	smax.u32 s10, $0x1;
	[dreg:$0xd] =	wrdreg s14  }
0x11: {  	p0 =	sne.s32 s12, $0xF;
	s23 =	sadd.s32 s1, s21;
	[dreg:$0xf] =	wrdreg s16  }
0x12: {  	s29 =	smul.u32 $0x280, s12;
	s24 =	sadd.s32 s8, s21;
	[dreg:$0x9] =	wrdreg s23  }
0x13: {  	s30 =	sadd.s32 $0x96000, s3;
	s13 =	sadd.s32 $0x1D10, s2;
	[dreg:$0xa] =	wrdreg s24  }
0x14: {  	s15 =	sadd.s32 $0x12C00, s11;
	s2 =	sadd.s32 $0xBF10, s2;
	[dreg:$0xc] =	wrdreg s13  }
0x15: {  	s20 =	smul.u32 $0xA0000, s9;
	s17 =	sadd.s32 s1, s15;
	[dreg:$0xe] =	wrdreg s2  }
0x16: {  	s18 =	sadd.s32 $0x13000, s11;
	s0 =	sadd.s32 s8, s15;
	[dreg:$0x10] =	wrdreg s17  }
0x17: {  	s26 =	simm.s32 $0x5;
	s22 =	sadd.s32 s1, s18;
	[dreg:$0x11] =	wrdreg s0  }
0x18: {  	s21 =	sadd.s32 $0x13400, s11;
	s25 =	sadd.s32 $0x98000, s3;
	[dreg:$0x12] =	wrdreg s22  }
0x19: {  	s14 =	simm.s32 $0x1;
	s2 =	sadd.s32 s8, s18;
	[dreg:$0x17] =	wrdreg s25  }
0x1a: {  	s5 =	simm.s32 $0x0;
	s23 =	sadd.s32 s1, s21;
	[dreg:$0x13] =	wrdreg s2  }
0x1b: {  	s0 =	sadd.s32 s8, s21;
	s24 =	sadd.s32 $0x9C000, s3;
	[dreg:$0x14] =	wrdreg s23  }
0x1c: {  	s13 =	simm.s32 $0xA200;
	s22 =	simm.s32 $0x80;
	[dreg:$0x15] =	wrdreg s0  }
0x1d: {  	v0 =	vlaneseq.u32;
	s25 =	simm.s32 $0x2;
	[dreg:$0x16] =	wrdreg s24;
	s23 =	simm.s32 $0xC200  }
0x1e: {  	v0 =	vor.u32 $0x2710, v0;
	s24 =	simm.s32 $0xE200;
	s0 =	simm.s32 $0x4;
	s2 =	simm.s32 $0x7  }
.LBB2_1:
0x1f: {  	s9 =	simm.s32 @p0 $0x0;
	s10 =	simm.s32 @p0 $0x12A00;
	s11 =	rddreg [dreg:$0x5]  }
0x20: {  	[tilespmem:s10], [sflag:$0x1] =	stream.linear.gather @p0 [hbm4b:s11+s9], $0x2800, $0x38;
	[tilespmem:$0x1F200] =	vst v63  }
0x21: {  	s10 =	simm.s32 @p0 $0x1  }
0x22: {  	_ =	swait.ge @p0 [sflag:s10], $0x2800  }
0x23: {  	[sflag:s10] =	ssyncset.done @p0 $0x0  }
0x24: {  	s11 =	simm.s32 @p0 $0x10200;
	s12 =	rddreg [dreg:$0x6];
	[sflag:s10] =	ssyncadd.s32 @p0 $0xFFFFD800  }
0x25: {  	[tilespmem:s11], [sflag:$0x1] =	stream.linear.gather @p0 [hbm4b:s12+s9], $0x2800, $0x38;
	[tilespmem:$0x1F200] =	vst v63  }
0x26: {  	_ =	swait.ge @p0 [sflag:s10], $0x2800  }
0x27: {  	s9 =	sshrl.u32 @!p0 s30, $0x3;
	[sflag:s10] =	ssyncset.done @p0 $0x0  }
0x28: {  	s11 =	rddreg [dreg:$0x4];
	[sflag:s10] =	ssyncadd.s32 @p0 $0xFFFFD800;
	s10 =	simm.s32 @!p0 $0x1FC1  }
0x29: {  	[spmem:s9], [sflag:s10] =	dma.local @!p0 [hbm:s11], $0x1400  }
0x2a: {  	s10 =	simm.s32 @!p0 $0x1  }
0x2b: {  	_ =	swait.ge @!p0 [sflag:s10], $0x1400  }
0x2c: {  	s9 =	simm.s32 @!p0 $0x0;
	[sflag:s10] =	ssyncset.done @!p0 $0x0  }
0x2d: {  	s11 =	simm.s32 @!p0 $0x12A00;
	s12 =	rddreg [dreg:$0x7];
	[sflag:s10] =	ssyncadd.s32 @!p0 $0xFFFFEC00  }
0x2e: {  	[tilespmem:s11], [sflag:$0x1] =	stream.linear.gather @!p0 [hbm4b:s12+s9], $0x1900, $0x38;
	[tilespmem:$0x1F200] =	vst v63  }
0x2f: {  	_ =	swait.ge @!p0 [sflag:s10], $0x1900  }
0x30: {  	[sflag:s10] =	ssyncset.done @!p0 $0x0  }
0x31: {  	s11 =	simm.s32 @!p0 $0x10200;
	s12 =	rddreg [dreg:$0x8];
	[sflag:s10] =	ssyncadd.s32 @!p0 $0xFFFFE700  }
0x32: {  	[tilespmem:s11], [sflag:$0x1] =	stream.linear.gather @!p0 [hbm4b:s12+s9], $0x1900, $0x38;
	[tilespmem:$0x1F200] =	vst v63  }
0x33: {  	s9 =	simm.s32 @!p0 $0x190;
	_ =	swait.ge @!p0 [sflag:s10], $0x1900  }
0x34: {  	s9 =	simm.s32 @p0 $0x280;
	[sflag:s10] =	ssyncset.done @!p0 $0x0  }
0x35: {  	p1 =	sle.u32 s9, $0x0;
	[sflag:s10] =	ssyncadd.s32 @!p0 $0xFFFFE700;
	s10 =	simm.s32 $0x10200  }
0x36: {  	s11 =	simm.s32 $0x12A00;
	v1 =	vld @!p1 [tilespmem:s10+$0x0]  }
0x37: {  	v2 =	vld @!p1 [tilespmem:s11+$0x0];
	_ =	sdelay $0x4  }
0x38: {  	v1 =	vadd.f32 @!p1 v1, v2;
	_ =	sdelay $0x1  }
0x39: {  	v1 =	vadd.f32 @!p1 $1.000000000e+00, v1;
	_ =	sdelay $0x1  }
0x3a: {  	v2 =	vshra.s32 @!p1 v1, $0x1;
	v1 =	vmul.f32 @!p1 $5.000000000e-01, v1  }
0x3b: {  	v2 =	vsub.s32 @!p1 $0x5F3759DF, v2  }
0x3c: {  	v3 =	vmul.f32 @!p1 v2, v1;
	_ =	sdelay $0x1  }
0x3d: {  	v3 =	vmul.f32 @!p1 v2, v3;
	_ =	sdelay $0x1  }
0x3e: {  	v3 =	vsub.f32 @!p1 $1.500000000e+00, v3;
	_ =	sdelay $0x1  }
0x3f: {  	v2 =	vmul.f32 @!p1 v2, v3;
	_ =	sdelay $0x1  }
0x40: {  	v3 =	vmul.f32 @!p1 v2, v1;
	_ =	sdelay $0x1  }
0x41: {  	v3 =	vmul.f32 @!p1 v3, v2;
	_ =	sdelay $0x1  }
0x42: {  	v3 =	vsub.f32 @!p1 $1.500000000e+00, v3;
	_ =	sdelay $0x1  }
0x43: {  	v2 =	vmul.f32 @!p1 v3, v2;
	_ =	sdelay $0x1  }
0x44: {  	v1 =	vmul.f32 @!p1 v2, v1;
	_ =	sdelay $0x1  }
0x45: {  	v1 =	vmul.f32 @!p1 v1, v2;
	_ =	sdelay $0x1  }
0x46: {  	v1 =	vsub.f32 @!p1 $1.500000000e+00, v1;
	_ =	sdelay $0x1  }
0x47: {  	s12 =	simm.s32 $0x1;
	v1 =	vmul.f32 @!p1 v1, v2  }
.LBB2_2:
0x48: {  	_ = 	snop  }
0x49: {  	[tilespmem:s10+$0x0] =	vst @!p1 v1;
	p1 =	sge.u32 s12, s9;
	s10 =	sadd.s32 $0x10, s10  }
0x4a: {  	s11 =	sadd.s32 $0x10, s11;
	s12 =	sadd.s32 $0x1, s12;
	v1 =	vld @!p1 [tilespmem:s10+$0x0]  }
0x4b: {  	p2 =	sne.s32 s12, $0x280;
	v2 =	vld @!p1 [tilespmem:s11+$0x0];
	_ =	sdelay $0x4  }
0x4c: {  	v1 =	vadd.f32 @!p1 v1, v2;
	_ =	sdelay $0x1  }
0x4d: {  	v1 =	vadd.f32 @!p1 $1.000000000e+00, v1;
	_ =	sdelay $0x1  }
0x4e: {  	v2 =	vshra.s32 @!p1 v1, $0x1;
	v1 =	vmul.f32 @!p1 $5.000000000e-01, v1  }
0x4f: {  	v2 =	vsub.s32 @!p1 $0x5F3759DF, v2  }
0x50: {  	v3 =	vmul.f32 @!p1 v2, v1;
	_ =	sdelay $0x1  }
0x51: {  	v3 =	vmul.f32 @!p1 v2, v3;
	_ =	sdelay $0x1  }
0x52: {  	v3 =	vsub.f32 @!p1 $1.500000000e+00, v3;
	_ =	sdelay $0x1  }
0x53: {  	v2 =	vmul.f32 @!p1 v2, v3;
	_ =	sdelay $0x1  }
0x54: {  	v3 =	vmul.f32 @!p1 v2, v1;
	_ =	sdelay $0x1  }
0x55: {  	v3 =	vmul.f32 @!p1 v3, v2;
	_ =	sdelay $0x1  }
0x56: {  	v3 =	vsub.f32 @!p1 $1.500000000e+00, v3;
	_ =	sdelay $0x1  }
0x57: {  	v2 =	vmul.f32 @!p1 v3, v2;
	_ =	sdelay $0x1  }
0x58: {  	v1 =	vmul.f32 @!p1 v2, v1;
	_ =	sdelay $0x1  }
.Ltmp0:
0x59: {  	v1 =	vmul.f32 @!p1 v1, v2;
	(pc) =	sbr.rel @p2 .LBB2_2-.Ltmp0, $3  }
0x5a: {  	_ = 	snop  }
0x5b: {  	v1 =	vsub.f32 @!p1 $1.500000000e+00, v1;
	_ =	sdelay $0x1  }
0x5c: {  	v1 =	vmul.f32 @!p1 v1, v2  }
.Ltmp1:
0x5d: {  	(pc) =	sbr.rel @p0 .LBB2_13-.Ltmp1, $2  }
0x5e: {  	_ =	sdelay $0x2  }
0x5f: {  	s9 =	simm.s32 $0x0;
	s11 =	simm.s32 $0x0;
	[tilespmem:s10+$0x0] =	vst @!p1 v1;
	s10 =	simm.s32 $0x10200  }
0x60: {  	s9 =	simm.s32 $0x0;
	s10 =	rddreg [dreg:$0x10]  }
0x61: {  	[tilespmem:s13], [sflag:$0x1] =	stream.linear.gather [hbm4b:s10+s9], $0x2000, $0x38;
	[tilespmem:$0x1F200] =	vst v63  }
0x62: {  	_ =	swait.ge [sflag:s14], $0x2000  }
0x63: {  	[sflag:s14] =	ssyncset.done $0x0  }
0x64: {  	s9 =	simm.s32 $0xA220;
	[sflag:s14] =	ssyncadd.s32 $0xFFFFE000  }
0x65: {  	v1 =	vld [tilespmem:s9+$0xFFFFFFF0]  }
0x66: {  	v3 =	vld [tilespmem:s9+$0x10]  }
0x67: {  	s21 =	simm.s32 $0x0;
	v2 =	vld [tilespmem:s9+$0xFFFFFFE0]  }
0x68: {  	v5 =	vld [tilespmem:s21+$0x10200]  }
0x69: {  	v6 =	vld [tilespmem:s9+$0x0];
	_ =	sdelay $0x3  }
0x6a: {  	v2 =	vmul.f32 v2, v5;
	v4 =	vmul.f32 v3, v5  }
0x6b: {  	s11 =	simm.s32 $0xA220;
	s10 =	simm.s32 $0x40;
	v3 =	vmul.f32 v1, v5;
	v1 =	vmul.f32 v6, v5  }
.LBB2_5:
0x6c: {  	p1 =	sne.s32 s10, $0x1FC0  }
0x6d: {  	[tilespmem:s9+$0x10] =	vst v4;
	s11 =	sadd.s32 $0x40, s11;
	s12 =	smov.u32 s10;
	s10 =	sadd.s32 $0x40, s10  }
0x6e: {  	v5 =	vld [tilespmem:s11+$0xFFFFFFF0];
	[tilespmem:s9+$0xFFFFFFE0] =	vst v2  }
0x6f: {  	v4 =	vld [tilespmem:s11+$0x10];
	[tilespmem:s9+$0xFFFFFFF0] =	vst v3  }
0x70: {  	s12 =	sshra.s32 s12, $0x2;
	v2 =	vld [tilespmem:s11+$0xFFFFFFE0];
	[tilespmem:s9+$0x0] =	vst v1;
	s9 =	smov.u32 s11  }
0x71: {  	v1 =	vld [tilespmem:s12+$0x10200]  }
0x72: {  	v6 =	vld [tilespmem:s11+$0x0]  }
.Ltmp2:
0x73: {  	(pc) =	sbr.rel @p1 .LBB2_5-.Ltmp2, $3  }
0x74: {  	_ =	sdelay $0x1  }
0x75: {  	v2 =	vmul.f32 v2, v1;
	v4 =	vmul.f32 v4, v1  }
0x76: {  	v3 =	vmul.f32 v5, v1;
	v1 =	vmul.f32 v6, v1  }
0x77: {  	[tilespmem:s9+$0x10] =	vst v4  }
0x78: {  	[tilespmem:s9+$0xFFFFFFE0] =	vst v2  }
0x79: {  	[tilespmem:s9+$0xFFFFFFF0] =	vst v3  }
0x7a: {  	s17 =	simm.s32 $0x0;
	s10 =	rddreg [dreg:$0x11];
	[tilespmem:s9+$0x0] =	vst v1  }
0x7b: {  	[hbm4b:s10+s17] =	stream.linear.scatter [tilespmem:s13], [sflag:$0x1], $0x2000, $0x38;
	[tilespmem:$0x1F200] =	vst v63  }
0x7c: {  	_ =	swait.ge [sflag:s14], $0x2000  }
0x7d: {  	[sflag:s14] =	ssyncset.done $0x0  }
0x7e: {  	[sflag:s14] =	ssyncadd.s32 $0xFFFFE000  }
0x7f: {  	[spmem:s30] =	stream.linear.scatter [tilespmem:s13], [sflag:$0x1], $0x2000, $0x38;
	[tilespmem:$0x1F200] =	vst v63  }
0x80: {  	_ =	swait.ge [sflag:s14], $0x2000  }
0x81: {  	[sflag:s14] =	ssyncset.done $0x0  }
0x82: {  	s18 =	rddreg [dreg:$0x12];
	[sflag:s14] =	ssyncadd.s32 $0xFFFFE000  }
0x83: {  	[tilespmem:s13], [sflag:$0x1] =	stream.linear.gather [hbm4b:s18+s17], $0x2000, $0x38;
	[tilespmem:$0x1F200] =	vst v63  }
0x84: {  	_ =	swait.ge [sflag:s14], $0x2000  }
0x85: {  	[sflag:s14] =	ssyncset.done $0x0  }
0x86: {  	s9 =	simm.s32 $0xA220;
	[sflag:s14] =	ssyncadd.s32 $0xFFFFE000  }
0x87: {  	v1 =	vld [tilespmem:s9+$0xFFFFFFF0]  }
0x88: {  	v3 =	vld [tilespmem:s9+$0x10]  }
0x89: {  	s21 =	simm.s32 $0x0;
	v2 =	vld [tilespmem:s9+$0xFFFFFFE0]  }
0x8a: {  	v5 =	vld [tilespmem:s21+$0x10A00]  }
0x8b: {  	v6 =	vld [tilespmem:s9+$0x0];
	_ =	sdelay $0x3  }
0x8c: {  	v2 =	vmul.f32 v2, v5;
	v4 =	vmul.f32 v3, v5  }
0x8d: {  	s11 =	simm.s32 $0xA220;
	s10 =	simm.s32 $0x40;
	v3 =	vmul.f32 v1, v5;
	v1 =	vmul.f32 v6, v5  }
.LBB2_7:
0x8e: {  	p1 =	sne.s32 s10, $0x1FC0  }
0x8f: {  	[tilespmem:s9+$0x10] =	vst v4;
	s11 =	sadd.s32 $0x40, s11;
	s12 =	smov.u32 s10;
	s10 =	sadd.s32 $0x40, s10  }
0x90: {  	v5 =	vld [tilespmem:s11+$0xFFFFFFF0];
	[tilespmem:s9+$0xFFFFFFE0] =	vst v2  }
0x91: {  	v4 =	vld [tilespmem:s11+$0x10];
	[tilespmem:s9+$0xFFFFFFF0] =	vst v3  }
0x92: {  	s12 =	sshra.s32 s12, $0x2;
	v2 =	vld [tilespmem:s11+$0xFFFFFFE0];
	[tilespmem:s9+$0x0] =	vst v1;
	s9 =	smov.u32 s11  }
0x93: {  	v1 =	vld [tilespmem:s12+$0x10A00]  }
0x94: {  	v6 =	vld [tilespmem:s11+$0x0]  }
.Ltmp3:
0x95: {  	(pc) =	sbr.rel @p1 .LBB2_7-.Ltmp3, $3  }
0x96: {  	_ =	sdelay $0x1  }
0x97: {  	v2 =	vmul.f32 v2, v1;
	v4 =	vmul.f32 v4, v1  }
0x98: {  	v3 =	vmul.f32 v5, v1;
	v1 =	vmul.f32 v6, v1  }
0x99: {  	[tilespmem:s9+$0x10] =	vst v4  }
0x9a: {  	[tilespmem:s9+$0xFFFFFFE0] =	vst v2  }
0x9b: {  	[tilespmem:s9+$0xFFFFFFF0] =	vst v3  }
0x9c: {  	s16 =	simm.s32 $0x0;
	s10 =	rddreg [dreg:$0x13];
	[tilespmem:s9+$0x0] =	vst v1  }
0x9d: {  	[hbm4b:s10+s16] =	stream.linear.scatter [tilespmem:s13], [sflag:$0x1], $0x2000, $0x38;
	[tilespmem:$0x1F200] =	vst v63  }
0x9e: {  	_ =	swait.ge [sflag:s14], $0x2000  }
0x9f: {  	[sflag:s14] =	ssyncset.done $0x0  }
0xa0: {  	s17 =	rddreg [dreg:$0x17];
	[sflag:s14] =	ssyncadd.s32 $0xFFFFE000  }
0xa1: {  	[spmem:s17] =	stream.linear.scatter [tilespmem:s13], [sflag:$0x1], $0x2000, $0x38;
	[tilespmem:$0x1F200] =	vst v63  }
0xa2: {  	_ =	swait.ge [sflag:s14], $0x2000  }
0xa3: {  	[sflag:s14] =	ssyncset.done $0x0  }
0xa4: {  	s18 =	rddreg [dreg:$0x14];
	[sflag:s14] =	ssyncadd.s32 $0xFFFFE000  }
0xa5: {  	[tilespmem:s13], [sflag:$0x1] =	stream.linear.gather [hbm4b:s18+s16], $0x2000, $0x38;
	[tilespmem:$0x1F200] =	vst v63  }
0xa6: {  	_ =	swait.ge [sflag:s14], $0x2000  }
0xa7: {  	[sflag:s14] =	ssyncset.done $0x0  }
0xa8: {  	s9 =	simm.s32 $0xA220;
	[sflag:s14] =	ssyncadd.s32 $0xFFFFE000  }
0xa9: {  	v1 =	vld [tilespmem:s9+$0xFFFFFFF0]  }
0xaa: {  	v3 =	vld [tilespmem:s9+$0x10]  }
0xab: {  	s21 =	simm.s32 $0x0;
	v2 =	vld [tilespmem:s9+$0xFFFFFFE0]  }
0xac: {  	v5 =	vld [tilespmem:s21+$0x11200]  }
0xad: {  	v6 =	vld [tilespmem:s9+$0x0];
	_ =	sdelay $0x3  }
0xae: {  	v2 =	vmul.f32 v2, v5;
	v4 =	vmul.f32 v3, v5  }
0xaf: {  	s11 =	simm.s32 $0xA220;
	s10 =	simm.s32 $0x40;
	v3 =	vmul.f32 v1, v5;
	v1 =	vmul.f32 v6, v5  }
.LBB2_9:
0xb0: {  	p1 =	sne.s32 s10, $0x1FC0  }
0xb1: {  	[tilespmem:s9+$0x10] =	vst v4;
	s11 =	sadd.s32 $0x40, s11;
	s12 =	smov.u32 s10;
	s10 =	sadd.s32 $0x40, s10  }
0xb2: {  	v5 =	vld [tilespmem:s11+$0xFFFFFFF0];
	[tilespmem:s9+$0xFFFFFFE0] =	vst v2  }
0xb3: {  	v4 =	vld [tilespmem:s11+$0x10];
	[tilespmem:s9+$0xFFFFFFF0] =	vst v3  }
0xb4: {  	s12 =	sshra.s32 s12, $0x2;
	v2 =	vld [tilespmem:s11+$0xFFFFFFE0];
	[tilespmem:s9+$0x0] =	vst v1;
	s9 =	smov.u32 s11  }
0xb5: {  	v1 =	vld [tilespmem:s12+$0x11200]  }
0xb6: {  	v6 =	vld [tilespmem:s11+$0x0]  }
.Ltmp4:
0xb7: {  	(pc) =	sbr.rel @p1 .LBB2_9-.Ltmp4, $3  }
0xb8: {  	_ =	sdelay $0x1  }
0xb9: {  	v2 =	vmul.f32 v2, v1;
	v4 =	vmul.f32 v4, v1  }
0xba: {  	v3 =	vmul.f32 v5, v1;
	v1 =	vmul.f32 v6, v1  }
0xbb: {  	[tilespmem:s9+$0x10] =	vst v4  }
0xbc: {  	[tilespmem:s9+$0xFFFFFFE0] =	vst v2  }
0xbd: {  	[tilespmem:s9+$0xFFFFFFF0] =	vst v3  }
0xbe: {  	s16 =	simm.s32 $0x0;
	s10 =	rddreg [dreg:$0x15];
	[tilespmem:s9+$0x0] =	vst v1  }
0xbf: {  	[hbm4b:s10+s16] =	stream.linear.scatter [tilespmem:s13], [sflag:$0x1], $0x2000, $0x38;
	[tilespmem:$0x1F200] =	vst v63  }
0xc0: {  	_ =	swait.ge [sflag:s14], $0x2000  }
0xc1: {  	[sflag:s14] =	ssyncset.done $0x0  }
0xc2: {  	s17 =	rddreg [dreg:$0x18];
	[sflag:s14] =	ssyncadd.s32 $0xFFFFE000  }
0xc3: {  	[spmem:s17] =	stream.linear.scatter [tilespmem:s13], [sflag:$0x1], $0x2000, $0x38;
	[tilespmem:$0x1F200] =	vst v63  }
0xc4: {  	_ =	swait.ge [sflag:s14], $0x2000  }
0xc5: {  	[sflag:s14] =	ssyncset.done $0x0  }
0xc6: {  	s18 =	rddreg [dreg:$0x9];
	[sflag:s14] =	ssyncadd.s32 $0xFFFFE000  }
0xc7: {  	[tilespmem:s13], [sflag:$0x1] =	stream.linear.gather [hbm4b:s18+s16], $0x400, $0x38;
	[tilespmem:$0x1F200] =	vst v63  }
0xc8: {  	_ =	swait.ge [sflag:s14], $0x400  }
0xc9: {  	[sflag:s14] =	ssyncset.done $0x0  }
0xca: {  	s9 =	simm.s32 $0xA220;
	[sflag:s14] =	ssyncadd.s32 $0xFFFFFC00  }
0xcb: {  	v1 =	vld [tilespmem:s9+$0xFFFFFFF0]  }
0xcc: {  	v3 =	vld [tilespmem:s9+$0x10]  }
0xcd: {  	s21 =	simm.s32 $0x0;
	v2 =	vld [tilespmem:s9+$0xFFFFFFE0]  }
0xce: {  	v5 =	vld [tilespmem:s21+$0x11A00]  }
0xcf: {  	v6 =	vld [tilespmem:s9+$0x0];
	_ =	sdelay $0x3  }
0xd0: {  	v2 =	vmul.f32 v2, v5;
	v4 =	vmul.f32 v3, v5  }
0xd1: {  	s11 =	simm.s32 $0xA220;
	s10 =	simm.s32 $0x40;
	v3 =	vmul.f32 v1, v5;
	v1 =	vmul.f32 v6, v5  }
.LBB2_11:
0xd2: {  	p1 =	sne.s32 s10, $0x3C0  }
0xd3: {  	[tilespmem:s9+$0x10] =	vst v4;
	s11 =	sadd.s32 $0x40, s11;
	s12 =	smov.u32 s10;
	s10 =	sadd.s32 $0x40, s10  }
0xd4: {  	v5 =	vld [tilespmem:s11+$0xFFFFFFF0];
	[tilespmem:s9+$0xFFFFFFE0] =	vst v2  }
0xd5: {  	v4 =	vld [tilespmem:s11+$0x10];
	[tilespmem:s9+$0xFFFFFFF0] =	vst v3  }
0xd6: {  	s12 =	sshra.s32 s12, $0x2;
	v2 =	vld [tilespmem:s11+$0xFFFFFFE0];
	[tilespmem:s9+$0x0] =	vst v1;
	s9 =	smov.u32 s11  }
0xd7: {  	v1 =	vld [tilespmem:s12+$0x11A00]  }
0xd8: {  	v6 =	vld [tilespmem:s11+$0x0]  }
.Ltmp5:
0xd9: {  	(pc) =	sbr.rel @p1 .LBB2_11-.Ltmp5, $3  }
0xda: {  	_ =	sdelay $0x1  }
0xdb: {  	v2 =	vmul.f32 v2, v1;
	v4 =	vmul.f32 v4, v1  }
0xdc: {  	v3 =	vmul.f32 v5, v1;
	v1 =	vmul.f32 v6, v1  }
0xdd: {  	[tilespmem:s9+$0x10] =	vst v4  }
0xde: {  	[tilespmem:s9+$0xFFFFFFE0] =	vst v2  }
0xdf: {  	[tilespmem:s9+$0xFFFFFFF0] =	vst v3  }
0xe0: {  	s18 =	rddreg [dreg:$0xa];
	[tilespmem:s9+$0x0] =	vst v1  }
0xe1: {  	[hbm4b:s18+s4] =	stream.linear.scatter [tilespmem:s13], [sflag:$0x1], $0x400, $0x38;
	[tilespmem:$0x1F200] =	vst v63  }
0xe2: {  	_ =	swait.ge [sflag:s14], $0x400  }
0xe3: {  	[sflag:s14] =	ssyncset.done $0x0  }
.Ltmp6:
0xe4: {  	s21 =	rddreg [dreg:$0x16];
	[sflag:s14] =	ssyncadd.s32 $0xFFFFFC00;
	(pc) =	sbr.rel .LBB2_16-.Ltmp6, $4  }
0xe5: {  	[spmem:s21] =	stream.linear.scatter [tilespmem:s13], [sflag:$0x1], $0x400, $0x38;
	[tilespmem:$0x1F200] =	vst v63  }
0xe6: {  	_ =	swait.ge [sflag:s14], $0x400  }
0xe7: {  	[sflag:s14] =	ssyncset.done $0x0  }
0xe8: {  	[sflag:s14] =	ssyncadd.s32 $0xFFFFFC00  }
.LBB2_13:
0xe9: {  	s12 =	sshll.u32 s11, $0x7  }
0xea: {  	s12 =	sadd.s32 s29, s12  }
0xeb: {  	s12 =	sshll.u32 s12, $0x6  }
0xec: {  	s15 =	sadd.s32 s6, s12  }
0xed: {  	s15 =	sshrl.u32 s15, $0x3  }
0xee: {  	s16 =	sadd.s32 s1, s15  }
0xef: {  	[tilespmem:s13], [sflag:$0x1] =	stream.linear.gather [hbm4b:s16+s9], $0x2000, $0x38;
	[tilespmem:$0x1F200] =	vst v63  }
0xf0: {  	v1 =	vmov s10;
	_ =	swait.ge [sflag:s14], $0x2000  }
0xf1: {  	[sflag:s14] =	ssyncset.done $0x0  }
0xf2: {  	s16 =	simm.s32 $0xA220;
	[sflag:s14] =	ssyncadd.s32 $0xFFFFE000  }
0xf3: {  	v2 =	vld [tilespmem:s16+$0xFFFFFFF0]  }
0xf4: {  	s17 =	simm.s32 $0x0;
	v4 =	vld [tilespmem:s16+$0x10]  }
0xf5: {  	v6 =	vld.idx.msk [tilespmem:v1+s17+$0x0 ss:$0x1], $0xffff  }
0xf6: {  	v3 =	vld [tilespmem:s16+$0xFFFFFFE0]  }
0xf7: {  	v7 =	vld [tilespmem:s16+$0x0];
	_ =	sdelay $0x3  }
0xf8: {  	v3 =	vmul.f32 v3, v6;
	v5 =	vmul.f32 v4, v6  }
0xf9: {  	s18 =	simm.s32 $0xA220;
	s17 =	simm.s32 $0x40;
	v4 =	vmul.f32 v2, v6;
	v2 =	vmul.f32 v7, v6  }
.LBB2_14:
0xfa: {  	p1 =	sne.s32 s17, $0x1FC0  }
0xfb: {  	[tilespmem:s16+$0x10] =	vst v5;
	s18 =	sadd.s32 $0x40, s18;
	s21 =	smov.u32 s17;
	s17 =	sadd.s32 $0x40, s17  }
0xfc: {  	[tilespmem:s16+$0xFFFFFFE0] =	vst v3  }
0xfd: {  	v6 =	vld [tilespmem:s18+$0xFFFFFFF0];
	[tilespmem:s16+$0xFFFFFFF0] =	vst v4  }
0xfe: {  	s21 =	sshra.s32 s21, $0x2;
	v4 =	vld [tilespmem:s18+$0x10];
	[tilespmem:s16+$0x0] =	vst v2;
	s16 =	smov.u32 s18  }
0xff: {  	v2 =	vld.idx.msk [tilespmem:v1+s21+$0x0 ss:$0x1], $0xffff  }
0x100: {  	v3 =	vld [tilespmem:s18+$0xFFFFFFE0]  }
0x101: {  	v7 =	vld [tilespmem:s18+$0x0]  }
.Ltmp7:
0x102: {  	(pc) =	sbr.rel @p1 .LBB2_14-.Ltmp7, $3  }
0x103: {  	_ =	sdelay $0x1  }
0x104: {  	v5 =	vmul.f32 v4, v2;
	v3 =	vmul.f32 v3, v2  }
0x105: {  	v4 =	vmul.f32 v6, v2;
	v2 =	vmul.f32 v7, v2  }
0x106: {  	[tilespmem:s16+$0x10] =	vst v5  }
0x107: {  	[tilespmem:s16+$0xFFFFFFE0] =	vst v3  }
0x108: {  	[tilespmem:s16+$0xFFFFFFF0] =	vst v4  }
0x109: {  	s15 =	sadd.s32 s8, s15;
	[tilespmem:s16+$0x0] =	vst v2  }
0x10a: {  	[hbm4b:s15+s4] =	stream.linear.scatter [tilespmem:s13], [sflag:$0x1], $0x2000, $0x38;
	[tilespmem:$0x1F200] =	vst v63  }
0x10b: {  	s11 =	sadd.s32 $0x1, s11;
	_ =	swait.ge [sflag:s14], $0x2000  }
0x10c: {  	p1 =	sne.s32 s11, $0x5;
	[sflag:s14] =	ssyncset.done $0x0  }
.Ltmp8:
0x10d: {  	s12 =	sadd.s32 s12, s3;
	[sflag:s14] =	ssyncadd.s32 $0xFFFFE000;
	(pc) =	sbr.rel @p1 .LBB2_13-.Ltmp8, $4  }
0x10e: {  	[spmem:s12] =	stream.linear.scatter [tilespmem:s13], [sflag:$0x1], $0x2000, $0x38;
	[tilespmem:$0x1F200] =	vst v63  }
0x10f: {  	_ =	swait.ge [sflag:s14], $0x2000  }
0x110: {  	[sflag:s14] =	ssyncset.done $0x0  }
0x111: {  	s10 =	sadd.s32 $0x800, s10;
	[sflag:s14] =	ssyncadd.s32 $0xFFFFE000  }
.LBB2_16:
0x112: {  	s9 =	simm.s32 $0x0;
	s10 =	rddreg [dreg:$0xb]  }
0x113: {  	[tilespmem:s9], [sflag:$0x1] =	stream.linear.gather [hbm4b:s10+s9], $0x2880, $0x38;
	[tilespmem:$0x1F200] =	vst v63  }
0x114: {  	_ =	swait.ge [sflag:s14], $0x2880  }
0x115: {  	[sflag:s14] =	ssyncset.done $0x0  }
0x116: {  	s11 =	simm.s32 $0x2880;
	s17 =	rddreg [dreg:$0xc];
	[sflag:s14] =	ssyncadd.s32 $0xFFFFD780  }
0x117: {  	[tilespmem:s11], [sflag:$0x1] =	stream.linear.gather [hbm4b:s17+s9], $0x2880, $0x38;
	[tilespmem:$0x1F200] =	vst v63  }
0x118: {  	_ =	swait.ge [sflag:s14], $0x2880  }
0x119: {  	[sflag:s14] =	ssyncset.done $0x0  }
0x11a: {  	s10 =	simm.s32 $0x5100;
	s18 =	rddreg [dreg:$0xd];
	[sflag:s14] =	ssyncadd.s32 $0xFFFFD780  }
0x11b: {  	[tilespmem:s10], [sflag:$0x1] =	stream.linear.gather [hbm4b:s18+s9], $0x2880, $0x38;
	[tilespmem:$0x1F200] =	vst v63  }
0x11c: {  	_ =	swait.ge [sflag:s14], $0x2880  }
0x11d: {  	[sflag:s14] =	ssyncset.done $0x0  }
0x11e: {  	s12 =	simm.s32 $0x7980;
	s21 =	rddreg [dreg:$0xe];
	[sflag:s14] =	ssyncadd.s32 $0xFFFFD780  }
0x11f: {  	[tilespmem:s12], [sflag:$0x1] =	stream.linear.gather [hbm4b:s21+s9], $0x2880, $0x38;
	[tilespmem:$0x1F200] =	vst v63  }
0x120: {  	_ =	swait.ge [sflag:s14], $0x2880  }
0x121: {  	[sflag:s14] =	ssyncset.done $0x0  }
0x122: {  	s11 =	simm.s32 $0x0;
	[sflag:s14] =	ssyncadd.s32 $0xFFFFD780  }
.LBB2_17:
0x123: {  	v1 =	vld [tilespmem:s10+$0x0];
	s15 =	simm.s32 $0x10  }
0x124: {  	v2 =	vld [tilespmem:s9+$0x0];
	s16 =	simm.s32 $0x0;
	s12 =	smov.u32 s10;
	s17 =	smov.u32 s9  }
.LBB2_18:
0x125: {  	p1 =	sne.s32 s15, $0x70;
	_ =	sdelay $0x3  }
.Ltmp9:
0x126: {  	v3 =	vadd.s32 s16, v0;
	s16 =	smov.u32 s15;
	vm0 =	veq.s32 v2, v1;
	(pc) =	sbr.rel @p1 .LBB2_18-.Ltmp9, $4  }
0x127: {  	v1 =	vsel vm0, v3, v1  }
0x128: {  	[tilespmem:s12+$0x0] =	vst v1;
	s12 =	sadd.s32 $0x10, s12  }
0x129: {  	s17 =	sadd.s32 $0x10, s17;
	v1 =	vld [tilespmem:s12+$0x0]  }
0x12a: {  	s15 =	sadd.s32 $0x10, s15;
	v2 =	vld [tilespmem:s17+$0x0]  }
0x12b: {  	s11 =	sadd.s32 $0x1, s11  }
0x12c: {  	p1 =	sne.s32 s11, $0xA2  }
.Ltmp10:
0x12d: {  	_ = 	snop;
	(pc) =	sbr.rel @p1 .LBB2_17-.Ltmp10, $4  }
0x12e: {  	_ = 	snop  }
0x12f: {  	v3 =	vadd.s32 s16, v0;
	vm0 =	veq.s32 v2, v1  }
0x130: {  	v1 =	vsel vm0, v3, v1  }
0x131: {  	s9 =	sadd.s32 $0x80, s9;
	s10 =	sadd.s32 $0x80, s10;
	[tilespmem:s12+$0x0] =	vst v1  }
0x132: {  	[bflag:$0x0] =	sbarrier.arrive $0xFFFF;
	s9 =	simm.s32 $0x0  }
0x133: {  	[tilespmem:s13], [sflag:$0x2] =	stream.indirect.gather [hbm4b:s19+s22], $0x40, s9, s22, $0xb8;
	[tilespmem:$0x1F200] =	vst v63  }
0x134: {  	_ = 	snop  }
0x135: {  	[tilespmem:s23], [sflag:$0x3] =	stream.indirect.gather [hbm4b:s19+s22], $0x40, s22, s22, $0xb8;
	[tilespmem:$0x1F200] =	vst v63  }
0x136: {  	s12 =	simm.s32 $0x100  }
0x137: {  	[tilespmem:s24], [sflag:$0x4] =	stream.indirect.gather [hbm4b:s19+s22], $0x40, s12, s22, $0xb8;
	[tilespmem:$0x1F200] =	vst v63  }
0x138: {  	_ =	swait.ge [sflag:s25], $0x2000  }
0x139: {  	[sflag:s25] =	ssyncset.done $0x0  }
0x13a: {  	s15 =	simm.s32 $0x5100;
	[sflag:s25] =	ssyncadd.s32 $0xFFFFE000  }
0x13b: {  	[spmem:s3] =	stream.indirect.scatter.add.f32 [tilespmem:s13], [sflag:$0x5], $0x40, s15, s22, $0xb8;
	[tilespmem:$0x1F200] =	vst v63  }
0x13c: {  	_ =	swait.ge [sflag:s26], $0x2000  }
0x13d: {  	[sflag:s26] =	ssyncset.done $0x0  }
0x13e: {  	s16 =	simm.s32 $0x180;
	[sflag:s26] =	ssyncadd.s32 $0xFFFFE000  }
0x13f: {  	[tilespmem:s13], [sflag:$0x2] =	stream.indirect.gather [hbm4b:s19+s22], $0x40, s16, s22, $0xb8;
	[tilespmem:$0x1F200] =	vst v63  }
0x140: {  	_ =	swait.ge [sflag:s28], $0x2000  }
0x141: {  	[sflag:s28] =	ssyncset.done $0x0  }
0x142: {  	s17 =	simm.s32 $0x5180;
	[sflag:s28] =	ssyncadd.s32 $0xFFFFE000  }
0x143: {  	[spmem:s3] =	stream.indirect.scatter.add.f32 [tilespmem:s23], [sflag:$0x6], $0x40, s17, s22, $0xb8;
	[tilespmem:$0x1F200] =	vst v63  }
0x144: {  	_ =	swait.ge [sflag:s31], $0x2000  }
0x145: {  	[sflag:s31] =	ssyncset.done $0x0  }
0x146: {  	s18 =	simm.s32 $0x200;
	[sflag:s31] =	ssyncadd.s32 $0xFFFFE000  }
0x147: {  	[tilespmem:s23], [sflag:$0x3] =	stream.indirect.gather [hbm4b:s19+s22], $0x40, s18, s22, $0xb8;
	[tilespmem:$0x1F200] =	vst v63  }
0x148: {  	_ =	swait.ge [sflag:s0], $0x2000  }
0x149: {  	[sflag:s0] =	ssyncset.done $0x0  }
0x14a: {  	s21 =	simm.s32 $0x5200;
	[sflag:s0] =	ssyncadd.s32 $0xFFFFE000  }
0x14b: {  	[spmem:s3] =	stream.indirect.scatter.add.f32 [tilespmem:s24], [sflag:$0x7], $0x40, s21, s22, $0xb8;
	[tilespmem:$0x1F200] =	vst v63  }
0x14c: {  	_ =	swait.ge [sflag:s2], $0x2000  }
0x14d: {  	[sflag:s2] =	ssyncset.done $0x0  }
0x14e: {  	s10 =	simm.s32 $0x280;
	s9 =	simm.s32 $0x600;
	[sflag:s2] =	ssyncadd.s32 $0xFFFFE000  }
.LBB2_21:
0x14f: {  	[tilespmem:s24], [sflag:$0x4] =	stream.indirect.gather [hbm4b:s19+s22], $0x40, s10, s22, $0xb8;
	[tilespmem:$0x1F200] =	vst v63  }
0x150: {  	s10 =	smov.u32 s9  }
0x151: {  	p1 =	sne.s32 s9, $0x13800;
	s9 =	sadd.s32 $0x600, s9;
	_ =	swait.ge [sflag:s25], $0x2000  }
0x152: {  	s10 =	sshra.s32 s10, $0x2;
	[sflag:s25] =	ssyncset.done $0x0  }
0x153: {  	s11 =	sadd.s32 $0x5100, s10;
	[sflag:s25] =	ssyncadd.s32 $0xFFFFE000  }
0x154: {  	[spmem:s3] =	stream.indirect.scatter.add.f32 [tilespmem:s13], [sflag:$0x5], $0x40, s11, s22, $0xb8;
	[tilespmem:$0x1F200] =	vst v63  }
0x155: {  	_ =	swait.ge [sflag:s26], $0x2000  }
0x156: {  	[sflag:s26] =	ssyncset.done $0x0  }
0x157: {  	s11 =	sadd.s32 $0x180, s10;
	[sflag:s26] =	ssyncadd.s32 $0xFFFFE000  }
0x158: {  	[tilespmem:s13], [sflag:$0x2] =	stream.indirect.gather [hbm4b:s19+s22], $0x40, s11, s22, $0xb8;
	[tilespmem:$0x1F200] =	vst v63  }
0x159: {  	_ =	swait.ge [sflag:s28], $0x2000  }
0x15a: {  	[sflag:s28] =	ssyncset.done $0x0  }
0x15b: {  	s11 =	sadd.s32 $0x5180, s10;
	[sflag:s28] =	ssyncadd.s32 $0xFFFFE000  }
0x15c: {  	[spmem:s3] =	stream.indirect.scatter.add.f32 [tilespmem:s23], [sflag:$0x6], $0x40, s11, s22, $0xb8;
	[tilespmem:$0x1F200] =	vst v63  }
0x15d: {  	_ =	swait.ge [sflag:s31], $0x2000  }
0x15e: {  	[sflag:s31] =	ssyncset.done $0x0  }
0x15f: {  	s11 =	sadd.s32 $0x200, s10;
	[sflag:s31] =	ssyncadd.s32 $0xFFFFE000  }
0x160: {  	[tilespmem:s23], [sflag:$0x3] =	stream.indirect.gather [hbm4b:s19+s22], $0x40, s11, s22, $0xb8;
	[tilespmem:$0x1F200] =	vst v63  }
0x161: {  	_ =	swait.ge [sflag:s0], $0x2000  }
0x162: {  	[sflag:s0] =	ssyncset.done $0x0  }
.Ltmp11:
0x163: {  	s11 =	sadd.s32 $0x5200, s10;
	[sflag:s0] =	ssyncadd.s32 $0xFFFFE000;
	(pc) =	sbr.rel @p1 .LBB2_21-.Ltmp11, $4  }
0x164: {  	[spmem:s3] =	stream.indirect.scatter.add.f32 [tilespmem:s24], [sflag:$0x7], $0x40, s11, s22, $0xb8;
	[tilespmem:$0x1F200] =	vst v63  }
0x165: {  	_ =	swait.ge [sflag:s2], $0x2000  }
0x166: {  	[sflag:s2] =	ssyncset.done $0x0  }
0x167: {  	s10 =	sadd.s32 $0x280, s10;
	[sflag:s2] =	ssyncadd.s32 $0xFFFFE000  }
0x168: {  	[tilespmem:s24], [sflag:$0x4] =	stream.indirect.gather [hbm4b:s19+s22], $0x40, s10, s22, $0xb8;
	[tilespmem:$0x1F200] =	vst v63  }
0x169: {  	_ =	swait.ge [sflag:s25], $0x2000  }
0x16a: {  	[sflag:s25] =	ssyncset.done $0x0  }
0x16b: {  	s9 =	simm.s32 $0xA080;
	[sflag:s25] =	ssyncadd.s32 $0xFFFFE000  }
0x16c: {  	[spmem:s3] =	stream.indirect.scatter.add.f32 [tilespmem:s13], [sflag:$0x5], $0x40, s9, s22, $0xb8;
	[tilespmem:$0x1F200] =	vst v63  }
0x16d: {  	_ =	swait.ge [sflag:s28], $0x2000  }
0x16e: {  	[sflag:s28] =	ssyncset.done $0x0  }
0x16f: {  	s18 =	simm.s32 $0xA100;
	[sflag:s28] =	ssyncadd.s32 $0xFFFFE000  }
0x170: {  	[spmem:s3] =	stream.indirect.scatter.add.f32 [tilespmem:s23], [sflag:$0x6], $0x40, s18, s22, $0xb8;
	[tilespmem:$0x1F200] =	vst v63  }
0x171: {  	_ =	swait.ge [sflag:s0], $0x2000  }
0x172: {  	[sflag:s0] =	ssyncset.done $0x0  }
0x173: {  	s21 =	simm.s32 $0xA180;
	[sflag:s0] =	ssyncadd.s32 $0xFFFFE000  }
0x174: {  	[spmem:s3] =	stream.indirect.scatter.add.f32 [tilespmem:s24], [sflag:$0x7], $0x40, s21, s22, $0xb8;
	[tilespmem:$0x1F200] =	vst v63  }
0x175: {  	_ =	swait.ge [sflag:s26], $0x2000  }
0x176: {  	[sflag:s26] =	ssyncset.done $0x0  }
0x177: {  	[sflag:s26] =	ssyncadd.s32 $0xFFFFE000  }
0x178: {  	_ =	swait.ge [sflag:s31], $0x2000  }
0x179: {  	[sflag:s31] =	ssyncset.done $0x0  }
0x17a: {  	[sflag:s31] =	ssyncadd.s32 $0xFFFFE000  }
0x17b: {  	_ =	swait.ge [sflag:s2], $0x2000  }
0x17c: {  	[sflag:s2] =	ssyncset.done $0x0  }
0x17d: {  	[sflag:s2] =	ssyncadd.s32 $0xFFFFE000  }
0x17e: {  	s10 =	simm.s32 $0x10200;
	s9 =	simm.s32 $0x0;
	[bflag:$0x0] =	sbarrier.arrive $0xFFFF  }
.LBB2_23:
0x17f: {  	s11 =	sshll.u32 s9, $0x7  }
0x180: {  	s11 =	sadd.s32 s29, s11  }
0x181: {  	s11 =	sshll.u32 s11, $0x6  }
0x182: {  	s12 =	sadd.s32 s11, s3  }
0x183: {  	[tilespmem:s13], [sflag:$0x1] =	stream.linear.gather [spmem:s12], $0x2000, $0x38;
	[tilespmem:$0x1F200] =	vst v63  }
0x184: {  	v1 =	vmov s10;
	_ =	swait.ge [sflag:s14], $0x2000  }
0x185: {  	[sflag:s14] =	ssyncset.done $0x0  }
0x186: {  	s12 =	simm.s32 $0xA220;
	[sflag:s14] =	ssyncadd.s32 $0xFFFFE000  }
0x187: {  	v2 =	vld [tilespmem:s12+$0xFFFFFFF0]  }
0x188: {  	s15 =	simm.s32 $0x0;
	v4 =	vld [tilespmem:s12+$0x10]  }
0x189: {  	v6 =	vld.idx.msk [tilespmem:v1+s15+$0x0 ss:$0x1], $0xffff  }
0x18a: {  	v3 =	vld [tilespmem:s12+$0xFFFFFFE0]  }
0x18b: {  	v7 =	vld [tilespmem:s12+$0x0];
	_ =	sdelay $0x3  }
0x18c: {  	v3 =	vmul.f32 v3, v6;
	v5 =	vmul.f32 v4, v6  }
0x18d: {  	s16 =	simm.s32 $0xA220;
	s15 =	simm.s32 $0x40;
	v4 =	vmul.f32 v2, v6;
	v2 =	vmul.f32 v7, v6  }
.LBB2_24:
0x18e: {  	p1 =	sne.s32 s15, $0x1FC0  }
0x18f: {  	[tilespmem:s12+$0x10] =	vst v5;
	s16 =	sadd.s32 $0x40, s16;
	s17 =	smov.u32 s15;
	s15 =	sadd.s32 $0x40, s15  }
0x190: {  	[tilespmem:s12+$0xFFFFFFE0] =	vst v3  }
0x191: {  	v6 =	vld [tilespmem:s16+$0xFFFFFFF0];
	[tilespmem:s12+$0xFFFFFFF0] =	vst v4  }
0x192: {  	s17 =	sshra.s32 s17, $0x2;
	v4 =	vld [tilespmem:s16+$0x10];
	[tilespmem:s12+$0x0] =	vst v2;
	s12 =	smov.u32 s16  }
0x193: {  	v2 =	vld.idx.msk [tilespmem:v1+s17+$0x0 ss:$0x1], $0xffff  }
0x194: {  	v3 =	vld [tilespmem:s16+$0xFFFFFFE0]  }
0x195: {  	v7 =	vld [tilespmem:s16+$0x0]  }
.Ltmp12:
0x196: {  	(pc) =	sbr.rel @p1 .LBB2_24-.Ltmp12, $3  }
0x197: {  	_ =	sdelay $0x1  }
0x198: {  	v5 =	vmul.f32 v4, v2;
	v3 =	vmul.f32 v3, v2  }
0x199: {  	v4 =	vmul.f32 v6, v2;
	v2 =	vmul.f32 v7, v2  }
0x19a: {  	[tilespmem:s12+$0x10] =	vst v5  }
0x19b: {  	[tilespmem:s12+$0xFFFFFFE0] =	vst v3;
	s11 =	sadd.s32 s20, s11;
	s9 =	sadd.s32 $0x1, s9  }
0x19c: {  	[tilespmem:s12+$0xFFFFFFF0] =	vst v4;
	s11 =	sshrl.u32 s11, $0x3;
	p1 =	sne.s32 s9, $0x5  }
.Ltmp13:
0x19d: {  	[tilespmem:s12+$0x0] =	vst v2;
	s11 =	sadd.s32 s7, s11;
	(pc) =	sbr.rel @p1 .LBB2_23-.Ltmp13, $4  }
0x19e: {  	[hbm4b:s11+s4] =	stream.linear.scatter [tilespmem:s13], [sflag:$0x1], $0x2000, $0x38;
	[tilespmem:$0x1F200] =	vst v63  }
0x19f: {  	_ =	swait.ge [sflag:s14], $0x2000  }
0x1a0: {  	[sflag:s14] =	ssyncset.done $0x0  }
0x1a1: {  	s10 =	sadd.s32 $0x800, s10;
	[sflag:s14] =	ssyncadd.s32 $0xFFFFE000  }
0x1a2: {  	s5 =	sadd.s32 $0x1, s5;
	s9 =	rddreg [dreg:$0xf]  }
0x1a3: {  	p1 =	sne.s32 s5, s9  }
.Ltmp14:
0x1a4: {  	_ = 	snop;
	(pc) =	sbr.rel @p1 .LBB2_1-.Ltmp14, $1  }
0x1a5: {  	_ =	sdelay $0x3  }
0x1a6: {  	_ =	sfence.sel $0x180000  }
0x1a7: {  	[bflag:$0x0] =	sbarrier.arrive $0xFFFF  }
0x1a8: {  	_ =	strace $0x9000004A  }
0x1a9: {  	s0 =	stileid.u32;
	[bflag:$0x2] =	sbarrier.arrive $0xFFFF  }
0x1aa: {  	p0 =	sne.s32 s0, $0x0;
	s0 =	rddreg [dreg:$0x3]  }
0x1ab: {  	s0 =	sadd.s32 @!p0 $0x100000, s0  }
0x1ac: {  	[sflag:s0] =	ssyncadd.tile.s32 @!p0 $0x1;
	_ =	shalt  }
.Lfunc_end2:
_tile_overlayer_lowered:
.L_overlay_start_2:
0x1ad: {  	(tag) =	ssettag $0x2  }
0x1ae: {  	s0 =	rddreg [dreg:$0x0];
	s2 =	stileid.u32  }
0x1af: {  	s1 =	rddreg [dreg:$0x1];
	p0 =	sne.s32 s2, $0x0  }
0x1b0: {  	s3 =	rddreg [dreg:$0x2];
	[bflag:$0x3] =	sbarrier.arrive $0xFFFF;
	s2 =	simm.s32 @!p0 $0x1C08  }
0x1b1: {  	[timem:s3], [sflag:s2] =	dma.local @!p0 [hbm:s0], s1  }
0x1b2: {  	s0 =	simm.s32 @!p0 $0x8  }
0x1b3: {  	_ =	swait.ge @!p0 [sflag:s0], s1  }
0x1b4: {  	s1 =	ssub.s32 @!p0 $0x0, s1;
	[sflag:s0] =	ssyncset.done @!p0 $0x0  }
0x1b5: {  	[sflag:s0] =	ssyncadd.s32 @!p0 s1  }
0x1b6: {  	[bflag:$0x3] =	sbarrier.arrive $0xFFFF  }
0x1b7: {  	_ =	shalt  }

</sc_bundles>
